<compile_context>
chip_gen: v7x
topology: tpu7x:2x2x1
jax: 0.10.2.dev20260603
libtpu: 0.0.44.dev20260713+nightly
codegen_flags: <defaults>
</compile_context>

<pallas_src>
import functools

import jax
import jax.numpy as jnp
from jax import lax
from jax.experimental import pallas as pl
from jax.experimental.pallas import tpu as pltpu
from jax.experimental.pallas import tpu_sc as plsc

_N = 10000
_E = 320000
_D = 128

_NC = 2
_NS = 16
_NW = _NC * _NS
_CH = 128
_EPW = 10240
_NCHUNK = _EPW // _CH
_NPAD = _EPW - _E // _NW
_NDUMMY = 16
_NA = _N + _NDUMMY
_RSTEP = 624
_RCNT = 640


def _sc_segment_sum(xn, src_w, dstp_w, zrows):
    mesh = plsc.VectorSubcoreMesh(core_axis_name="c", subcore_axis_name="s")

    @functools.partial(
        pl.kernel,
        out_type=(jax.ShapeDtypeStruct((_N, _D), jnp.float32),
                  jax.ShapeDtypeStruct((_N, _D), jnp.float32)),
        mesh=mesh,
        scratch_types=[
            pltpu.VMEM_SHARED((_NA, _D), jnp.float32),
            pltpu.VMEM((_NCHUNK, _CH), jnp.int32),
            pltpu.VMEM((_NCHUNK * _CH // 2,), jnp.int32),
            pltpu.VMEM((8, _CH), jnp.int32),
            pltpu.VMEM((_CH, _D), jnp.float32),
            pltpu.VMEM((_CH, _D), jnp.float32),
            pltpu.SemaphoreType.DMA,
            pltpu.SemaphoreType.DMA,
        ],
    )
    def seg_sum(xn_hbm, src_hbm, dstp_hbm, z_hbm, out0_hbm, out1_hbm,
                acc, src_v, dstp_v, scat_v, rows_a, rows_b, sem_a, sem_b):
        c = lax.axis_index("c")
        s = lax.axis_index("s")
        wid = s * _NC + c
        pltpu.sync_copy(z_hbm, acc.at[pl.ds(s * _RSTEP, _RCNT)])
        pltpu.sync_copy(src_hbm.at[wid], src_v)
        pltpu.sync_copy(dstp_hbm.at[wid], dstp_v)
        plsc.subcore_barrier()

        def unpack_dst(j, p):
            base = j * (_CH // 2)
            for t in range(_CH // 32):
                v = dstp_v[pl.ds(base + t * 16, 16)]
                scat_v[p, pl.ds(t * 16, 16)] = v & 0xFFFF
                scat_v[p, pl.ds(_CH // 2 + t * 16, 16)] = lax.shift_right_logical(v, 16)

        def gather(j, rows, sem):
            pltpu.async_copy(xn_hbm.at[src_v.at[j]], rows, sem)

        def wait_gather(j, rows, sem):
            pltpu.make_async_copy(xn_hbm.at[src_v.at[j]], rows, sem).wait()

        def sync_scatter(rows, p):
            pltpu.sync_copy(rows, acc.at[scat_v.at[p]], add=True)

        gather(0, rows_a, sem_a)

        def two_chunks(j, issue_next):
            wait_gather(j, rows_a, sem_a)
            gather(j + 1, rows_b, sem_b)
            unpack_dst(j, 0)
            sync_scatter(rows_a, 0)
            wait_gather(j + 1, rows_b, sem_b)
            if issue_next:
                gather(j + 2, rows_a, sem_a)
            unpack_dst(j + 1, 1)
            sync_scatter(rows_b, 1)

        def body(i, carry):
            two_chunks(2 * i, True)
            return carry

        lax.fori_loop(0, (_NCHUNK - 2) // 2, body, 0)
        two_chunks(_NCHUNK - 2, False)
        plsc.subcore_barrier()

        @pl.when(c == 0)
        def _():
            pltpu.sync_copy(acc.at[pl.ds(s * _RSTEP, _RCNT)],
                            out0_hbm.at[pl.ds(s * _RSTEP, _RCNT)])

        @pl.when(c == 1)
        def _():
            pltpu.sync_copy(acc.at[pl.ds(s * _RSTEP, _RCNT)],
                            out1_hbm.at[pl.ds(s * _RSTEP, _RCNT)])

    return seg_sum(xn, src_w, dstp_w, zrows)


_R = 2000


def _dot(a, b):
    return lax.dot_general(a, b, (((1,), (0,)), ((), ())),
                           precision=lax.Precision.HIGHEST,
                           preferred_element_type=jnp.float32)


def _tc_matmul(x, w):
    def body(x_ref, w_ref, o_ref):
        o_ref[...] = _dot(x_ref[...], w_ref[...])

    return pl.pallas_call(
        body,
        grid=(_N // _R,),
        in_specs=[pl.BlockSpec((_R, _D), lambda i: (i, 0)),
                  pl.BlockSpec((_D, _D), lambda i: (0, 0))],
        out_specs=pl.BlockSpec((_R, _D), lambda i: (i, 0)),
        out_shape=jax.ShapeDtypeStruct((_N, _D), jnp.float32),
    )(x, w)


def _tc_combine(x, agg2, w_self, b, gamma, beta, w_next):
    agg_a, agg_b = agg2
    """relu(LN(x @ w_self + agg2[0] + agg2[1] + b)); optionally also h @ w_next."""
    has_next = w_next is not None

    def body(x_ref, agga_ref, aggb_ref, ws_ref, b_ref, g_ref, be_ref, *rest):
        if has_next:
            wn_ref, h_ref, y_ref = rest
        else:
            (h_ref,) = rest
        t = (_dot(x_ref[...], ws_ref[...])
             + agga_ref[...] + aggb_ref[...] + b_ref[...])
        mu = jnp.mean(t, axis=-1, keepdims=True)
        d = t - mu
        var = jnp.mean(d * d, axis=-1, keepdims=True)
        h = d * lax.rsqrt(var + 1e-5) * g_ref[...] + be_ref[...]
        h = jnp.maximum(h, 0.0)
        h_ref[...] = h
        if has_next:
            y_ref[...] = _dot(h, wn_ref[...])

    row_spec = pl.BlockSpec((_R, _D), lambda i: (i, 0))
    full_spec = pl.BlockSpec((_D, _D), lambda i: (0, 0))
    vec_spec = pl.BlockSpec((1, _D), lambda i: (0, 0))
    in_specs = [row_spec, row_spec, row_spec,
                full_spec, vec_spec, vec_spec, vec_spec]
    args = [x, agg_a, agg_b, w_self, b, gamma, beta]
    out_shape = jax.ShapeDtypeStruct((_N, _D), jnp.float32)
    if has_next:
        in_specs.append(full_spec)
        args.append(w_next)
        return pl.pallas_call(
            body,
            grid=(_N // _R,),
            in_specs=in_specs,
            out_specs=(row_spec, row_spec),
            out_shape=(out_shape, out_shape),
        )(*args)
    return pl.pallas_call(
        body,
        grid=(_N // _R,),
        in_specs=in_specs,
        out_specs=row_spec,
        out_shape=out_shape,
    )(*args)


def kernel(features, edges,
           W_self_0, W_neigh_0, b_0, gamma_0, beta_0,
           W_self_1, W_neigh_1, b_1, gamma_1, beta_1,
           W_self_2, W_neigh_2, b_2, gamma_2, beta_2):
    i_pad = lax.broadcasted_iota(jnp.int32, (_NW, _NPAD), 1)
    w_pad = lax.broadcasted_iota(jnp.int32, (_NW, _NPAD), 0)
    pad_src = (w_pad * 997 + i_pad * 13) % _N
    pad_dst = _N + (i_pad % _NDUMMY)
    src_w = jnp.concatenate(
        [edges[0].reshape(_NW, _E // _NW), pad_src], axis=1
    ).reshape(_NW, _NCHUNK, _CH)
    dst3 = jnp.concatenate(
        [edges[1].reshape(_NW, _E // _NW), pad_dst], axis=1
    ).reshape(_NW, _NCHUNK, _CH)
    dstp_w = (dst3[:, :, : _CH // 2] | (dst3[:, :, _CH // 2:] << 16)
              ).reshape(_NW, _NCHUNK * _CH // 2)
    zrows = jnp.zeros((_RCNT, _D), jnp.float32)
    b0, g0, be0 = b_0.reshape(1, _D), gamma_0.reshape(1, _D), beta_0.reshape(1, _D)
    b1, g1, be1 = b_1.reshape(1, _D), gamma_1.reshape(1, _D), beta_1.reshape(1, _D)
    b2, g2, be2 = b_2.reshape(1, _D), gamma_2.reshape(1, _D), beta_2.reshape(1, _D)

    xn0 = _tc_matmul(features, W_neigh_0)
    agg0 = _sc_segment_sum(xn0, src_w, dstp_w, zrows)
    h1, xn1 = _tc_combine(features, agg0, W_self_0, b0, g0, be0, W_neigh_1)
    agg1 = _sc_segment_sum(xn1, src_w, dstp_w, zrows)
    h2, xn2 = _tc_combine(h1, agg1, W_self_1, b1, g1, be1, W_neigh_2)
    agg2 = _sc_segment_sum(xn2, src_w, dstp_w, zrows)
    return _tc_combine(h2, agg2, W_self_2, b2, g2, be2, None)

# --- scband reference (transcript-rebuilt; emitter-appended) ---
"""Pipeline reference for scband-features2-features-gcn-59871844106571 (READ-ONLY COPY).

The authoritative reference and input builder live on the scoring server;
editing this copy changes nothing except your own understanding.
"""

import jax, jax.numpy as jnp
import numpy as np

N = 10000
E = 320000
D = 128

def _graph_conv(x, src, dst, W_self, W_neigh, b):
    # standard GraphConv: self transform + sum-aggregated neighbor transform
    agg = jax.ops.segment_sum(x[src], dst, num_segments=N)
    return x @ W_self + agg @ W_neigh + b

def _layer_norm(x, gamma, beta):
    mu = jnp.mean(x, axis=-1, keepdims=True)
    var = jnp.mean((x - mu) ** 2, axis=-1, keepdims=True)
    return (x - mu) / jnp.sqrt(var + 1e-5) * gamma + beta

def setup_inputs(seed: int = 0):
    key = jax.random.key(seed)
    ks = jax.random.split(key, 32)
    s = 1.0 / np.sqrt(D)
    inp = {}
    inp['features'] = jax.random.normal(ks[0], (N, D), dtype=jnp.float32)
    inp['edges'] = jax.random.randint(ks[1], (2, E), 0, N, dtype=jnp.int32)
    for i in range(3):
        inp['W_self_%d' % i] = jax.random.normal(ks[2 + 5 * i], (D, D), dtype=jnp.float32) * s
        inp['W_neigh_%d' % i] = jax.random.normal(ks[3 + 5 * i], (D, D), dtype=jnp.float32) * s
        inp['b_%d' % i] = jnp.zeros((D,), dtype=jnp.float32)
        inp['gamma_%d' % i] = jnp.ones((D,), dtype=jnp.float32)
        inp['beta_%d' % i] = jnp.zeros((D,), dtype=jnp.float32)
    return inp

def reference(features, edges, W_self_0, W_neigh_0, b_0, gamma_0, beta_0, W_self_1, W_neigh_1, b_1, gamma_1, beta_1, W_self_2, W_neigh_2, b_2, gamma_2, beta_2):
    src, dst = edges[0], edges[1]
    h = jax.nn.relu(_layer_norm(_graph_conv(features, src, dst, W_self_0, W_neigh_0, b_0), gamma_0, beta_0))
    h = jax.nn.relu(_layer_norm(_graph_conv(h, src, dst, W_self_1, W_neigh_1, b_1), gamma_1, beta_1))
    h = jax.nn.relu(_layer_norm(_graph_conv(h, src, dst, W_self_2, W_neigh_2, b_2), gamma_2, beta_2))
    return h

if __name__ == "__main__":
    import jax
    _d = setup_inputs()
    print(jax.jit(kernel)(*tuple(_d.values())))

</pallas_src>

<mosaic_0001>
#map = affine_map<(d0, d1) -> (0, 0)>
#map1 = affine_map<(d0, d1) -> (0, 0, 0)>
module attributes {stable_mosaic.version = 14 : i64} {
  func.func @seg_sum(%arg0: i32, %arg1: i32, %arg2: memref<10000x128xf32, #tpu.memory_space<hbm>>, %arg3: memref<32x80x128xi32, #tpu.memory_space<hbm>>, %arg4: memref<32x5120xi32, #tpu.memory_space<hbm>>, %arg5: memref<640x128xf32, #tpu.memory_space<hbm>>, %arg6: memref<10000x128xf32, #tpu.memory_space<hbm>>, %arg7: memref<10000x128xf32, #tpu.memory_space<hbm>>, %arg8: memref<10016x128xf32, #tpu.memory_space<vmem_shared>>, %arg9: memref<80x128xi32, #tpu.memory_space<vmem>>, %arg10: memref<5120xi32, #tpu.memory_space<vmem>>, %arg11: memref<8x128xi32, #tpu.memory_space<vmem>>, %arg12: memref<128x128xf32, #tpu.memory_space<vmem>>, %arg13: memref<128x128xf32, #tpu.memory_space<vmem>>, %arg14: memref<!tpu.dma_semaphore, #tpu.memory_space<semaphore_mem>>, %arg15: memref<!tpu.dma_semaphore, #tpu.memory_space<semaphore_mem>>) attributes {dimension_semantics = [#tpu.dimension_semantics<core_parallel>, #tpu.dimension_semantics<subcore_parallel>], iteration_bounds = array<i64: 2, 16>, scalar_prefetch = 0 : i64, scratch_operands = 8 : i64, tpu.core_type = #tpu.core_type<sc_vector_subcore>, window_params = [{transform_indices = #map}, {transform_indices = #map1}, {transform_indices = #map}, {transform_indices = #map}, {transform_indices = #map}, {transform_indices = #map}]} {
    %mul3A = arith.constant 2 : i32
    %mul3A_0 = arith.muli %arg1, %mul3A : i32
    %add3A = arith.addi %mul3A_0, %arg0 : i32
    %mul3A_1 = arith.constant 624 : i32
    %mul3A_2 = arith.muli %arg1, %mul3A_1 : i32
    "tpu.region"() ({
      %run_scoped3A_207 = tpu.sem_alloc : memref<!tpu.dma_semaphore, #tpu.memory_space<semaphore_mem>>
      %dma_start3A_208 = arith.constant 0 : i32
      %dma_start3A_209 = tpu.memref_slice %arg8[%mul3A_2, %dma_start3A_208] : memref<10016x128xf32, #tpu.memory_space<vmem_shared>> -> memref<640x128xf32, #tpu.memory_space<vmem_shared>>
      tpu.enqueue_dma source(%arg5 : memref<640x128xf32, #tpu.memory_space<hbm>>) target(%dma_start3A_209 : memref<640x128xf32, #tpu.memory_space<vmem_shared>>) target_semaphore(%run_scoped3A_207 : memref<!tpu.dma_semaphore, #tpu.memory_space<semaphore_mem>>)
      %dma_wait3A_210 = arith.constant 0 : i32
      %dma_wait3A_211 = tpu.memref_slice %arg8[%mul3A_2, %dma_wait3A_210] : memref<10016x128xf32, #tpu.memory_space<vmem_shared>> -> memref<640x128xf32, #tpu.memory_space<vmem_shared>>
      tpu.wait_dma2 semaphore(%run_scoped3A_207 : memref<!tpu.dma_semaphore, #tpu.memory_space<semaphore_mem>>) src(%arg5 : memref<640x128xf32, #tpu.memory_space<hbm>>) dst(%dma_wait3A_211 : memref<640x128xf32, #tpu.memory_space<vmem_shared>>)
      tpu.yield
    }) : () -> ()
    "tpu.region"() ({
      %run_scoped3A_207 = tpu.sem_alloc : memref<!tpu.dma_semaphore, #tpu.memory_space<semaphore_mem>>
      %dma_start3A_208 = arith.constant 0 : i32
      %dma_start3A_209 = arith.constant 0 : i32
      %dma_start3A_210 = tpu.memref_slice %arg3[%add3A, %dma_start3A_208, %dma_start3A_209] : memref<32x80x128xi32, #tpu.memory_space<hbm>> -> memref<1x80x128xi32, #tpu.memory_space<hbm>>
      %dma_start3A_211 = tpu.memref_squeeze %dma_start3A_210 : memref<1x80x128xi32, #tpu.memory_space<hbm>> -> memref<80x128xi32, #tpu.memory_space<hbm>>
      %dma_start3A_212 = arith.constant 0 : i32
      %dma_start3A_213 = arith.constant 0 : i32
      %dma_start3A_214 = tpu.memref_slice %arg3[%add3A, %dma_start3A_212, %dma_start3A_213] : memref<32x80x128xi32, #tpu.memory_space<hbm>> -> memref<1x80x128xi32, #tpu.memory_space<hbm>>
      %dma_start3A_215 = tpu.memref_squeeze %dma_start3A_214 : memref<1x80x128xi32, #tpu.memory_space<hbm>> -> memref<80x128xi32, #tpu.memory_space<hbm>>
      tpu.enqueue_dma source(%dma_start3A_215 : memref<80x128xi32, #tpu.memory_space<hbm>>) target(%arg9 : memref<80x128xi32, #tpu.memory_space<vmem>>) target_semaphore(%run_scoped3A_207 : memref<!tpu.dma_semaphore, #tpu.memory_space<semaphore_mem>>)
      %dma_wait3A_216 = arith.constant 0 : i32
      %dma_wait3A_217 = arith.constant 0 : i32
      %dma_wait3A_218 = tpu.memref_slice %arg3[%add3A, %dma_wait3A_216, %dma_wait3A_217] : memref<32x80x128xi32, #tpu.memory_space<hbm>> -> memref<1x80x128xi32, #tpu.memory_space<hbm>>
      %dma_wait3A_219 = tpu.memref_squeeze %dma_wait3A_218 : memref<1x80x128xi32, #tpu.memory_space<hbm>> -> memref<80x128xi32, #tpu.memory_space<hbm>>
      %dma_wait3A_220 = arith.constant 0 : i32
      %dma_wait3A_221 = arith.constant 0 : i32
      %dma_wait3A_222 = tpu.memref_slice %arg3[%add3A, %dma_wait3A_220, %dma_wait3A_221] : memref<32x80x128xi32, #tpu.memory_space<hbm>> -> memref<1x80x128xi32, #tpu.memory_space<hbm>>
      %dma_wait3A_223 = tpu.memref_squeeze %dma_wait3A_222 : memref<1x80x128xi32, #tpu.memory_space<hbm>> -> memref<80x128xi32, #tpu.memory_space<hbm>>
      tpu.wait_dma2 semaphore(%run_scoped3A_207 : memref<!tpu.dma_semaphore, #tpu.memory_space<semaphore_mem>>) src(%dma_wait3A_223 : memref<80x128xi32, #tpu.memory_space<hbm>>) dst(%arg9 : memref<80x128xi32, #tpu.memory_space<vmem>>)
      tpu.yield
    }) : () -> ()
    "tpu.region"() ({
      %run_scoped3A_207 = tpu.sem_alloc : memref<!tpu.dma_semaphore, #tpu.memory_space<semaphore_mem>>
      %dma_start3A_208 = arith.constant 0 : i32
      %dma_start3A_209 = tpu.memref_slice %arg4[%add3A, %dma_start3A_208] : memref<32x5120xi32, #tpu.memory_space<hbm>> -> memref<1x5120xi32, #tpu.memory_space<hbm>>
      %dma_start3A_210 = tpu.memref_squeeze %dma_start3A_209 : memref<1x5120xi32, #tpu.memory_space<hbm>> -> memref<5120xi32, #tpu.memory_space<hbm>>
      %dma_start3A_211 = arith.constant 0 : i32
      %dma_start3A_212 = tpu.memref_slice %arg4[%add3A, %dma_start3A_211] : memref<32x5120xi32, #tpu.memory_space<hbm>> -> memref<1x5120xi32, #tpu.memory_space<hbm>>
      %dma_start3A_213 = tpu.memref_squeeze %dma_start3A_212 : memref<1x5120xi32, #tpu.memory_space<hbm>> -> memref<5120xi32, #tpu.memory_space<hbm>>
      tpu.enqueue_dma source(%dma_start3A_213 : memref<5120xi32, #tpu.memory_space<hbm>>) target(%arg10 : memref<5120xi32, #tpu.memory_space<vmem>>) target_semaphore(%run_scoped3A_207 : memref<!tpu.dma_semaphore, #tpu.memory_space<semaphore_mem>>)
      %dma_wait3A_214 = arith.constant 0 : i32
      %dma_wait3A_215 = tpu.memref_slice %arg4[%add3A, %dma_wait3A_214] : memref<32x5120xi32, #tpu.memory_space<hbm>> -> memref<1x5120xi32, #tpu.memory_space<hbm>>
      %dma_wait3A_216 = tpu.memref_squeeze %dma_wait3A_215 : memref<1x5120xi32, #tpu.memory_space<hbm>> -> memref<5120xi32, #tpu.memory_space<hbm>>
      %dma_wait3A_217 = arith.constant 0 : i32
      %dma_wait3A_218 = tpu.memref_slice %arg4[%add3A, %dma_wait3A_217] : memref<32x5120xi32, #tpu.memory_space<hbm>> -> memref<1x5120xi32, #tpu.memory_space<hbm>>
      %dma_wait3A_219 = tpu.memref_squeeze %dma_wait3A_218 : memref<1x5120xi32, #tpu.memory_space<hbm>> -> memref<5120xi32, #tpu.memory_space<hbm>>
      tpu.wait_dma2 semaphore(%run_scoped3A_207 : memref<!tpu.dma_semaphore, #tpu.memory_space<semaphore_mem>>) src(%dma_wait3A_219 : memref<5120xi32, #tpu.memory_space<hbm>>) dst(%arg10 : memref<5120xi32, #tpu.memory_space<vmem>>)
      tpu.yield
    }) : () -> ()
    %barrier3A = arith.constant 0 : index
    tpu.barrier barrier_id(%barrier3A)
    %dma_start3A = arith.constant 0 : i32
    %dma_start3A_3 = arith.constant 0 : i32
    %dma_start3A_4 = tpu.memref_slice %arg9[%dma_start3A, %dma_start3A_3] : memref<80x128xi32, #tpu.memory_space<vmem>> -> memref<1x128xi32, #tpu.memory_space<vmem>>
    %dma_start3A_5 = tpu.memref_squeeze %dma_start3A_4 : memref<1x128xi32, #tpu.memory_space<vmem>> -> memref<128xi32, #tpu.memory_space<vmem>>
    %dma_start3A_6 = arith.constant 0 : i32
    %dma_start3A_7 = arith.constant 0 : i32
    %dma_start3A_8 = tpu.memref_slice %arg2[%dma_start3A_6, %dma_start3A_7] : memref<10000x128xf32, #tpu.memory_space<hbm>> -> memref<10000x128xf32, #tpu.memory_space<hbm>>
    tpu.enqueue_indirect_dma source(%dma_start3A_8 : memref<10000x128xf32, #tpu.memory_space<hbm>>) target(%arg12 : memref<128x128xf32, #tpu.memory_space<vmem>>) offsets(%dma_start3A_5 : memref<128xi32, #tpu.memory_space<vmem>>) semaphore(%arg14 : memref<!tpu.dma_semaphore, #tpu.memory_space<semaphore_mem>>)
    %scan3A = arith.constant 0 : i32
    %scan3A_9 = arith.constant 0 : i32
    %scan3A_10 = arith.constant 39 : i32
    %scan3A_11 = arith.addi %scan3A_9, %scan3A_10 : i32
    %scan3A_12 = arith.constant 1 : i32
    scf.for %scan3A_207 = %scan3A_9 to %scan3A_11 step %scan3A_12  : i32 {
      %mul3A_208 = arith.constant 2 : i32
      %mul3A_209 = arith.muli %mul3A_208, %scan3A_207 : i32
      %dma_wait3A_210 = arith.constant 0 : i32
      %dma_wait3A_211 = tpu.memref_slice %arg9[%mul3A_209, %dma_wait3A_210] : memref<80x128xi32, #tpu.memory_space<vmem>> -> memref<1x128xi32, #tpu.memory_space<vmem>>
      %dma_wait3A_212 = tpu.memref_squeeze %dma_wait3A_211 : memref<1x128xi32, #tpu.memory_space<vmem>> -> memref<128xi32, #tpu.memory_space<vmem>>
      %dma_wait3A_213 = arith.constant 0 : i32
      %dma_wait3A_214 = arith.constant 0 : i32
      %dma_wait3A_215 = tpu.memref_slice %arg2[%dma_wait3A_213, %dma_wait3A_214] : memref<10000x128xf32, #tpu.memory_space<hbm>> -> memref<10000x128xf32, #tpu.memory_space<hbm>>
      tpu.wait_indirect_dma semaphore(%arg14 : memref<!tpu.dma_semaphore, #tpu.memory_space<semaphore_mem>>) src(%dma_wait3A_215 : memref<10000x128xf32, #tpu.memory_space<hbm>>) dst(%arg12 : memref<128x128xf32, #tpu.memory_space<vmem>>)
      %add3A_216 = arith.constant 1 : i32
      %add3A_217 = arith.addi %mul3A_209, %add3A_216 : i32
      %dma_start3A_218 = arith.constant 0 : i32
      %dma_start3A_219 = tpu.memref_slice %arg9[%add3A_217, %dma_start3A_218] : memref<80x128xi32, #tpu.memory_space<vmem>> -> memref<1x128xi32, #tpu.memory_space<vmem>>
      %dma_start3A_220 = tpu.memref_squeeze %dma_start3A_219 : memref<1x128xi32, #tpu.memory_space<vmem>> -> memref<128xi32, #tpu.memory_space<vmem>>
      %dma_start3A_221 = arith.constant 0 : i32
      %dma_start3A_222 = arith.constant 0 : i32
      %dma_start3A_223 = tpu.memref_slice %arg2[%dma_start3A_221, %dma_start3A_222] : memref<10000x128xf32, #tpu.memory_space<hbm>> -> memref<10000x128xf32, #tpu.memory_space<hbm>>
      tpu.enqueue_indirect_dma source(%dma_start3A_223 : memref<10000x128xf32, #tpu.memory_space<hbm>>) target(%arg13 : memref<128x128xf32, #tpu.memory_space<vmem>>) offsets(%dma_start3A_220 : memref<128xi32, #tpu.memory_space<vmem>>) semaphore(%arg15 : memref<!tpu.dma_semaphore, #tpu.memory_space<semaphore_mem>>)
      %mul3A_224 = arith.constant 64 : i32
      %mul3A_225 = arith.muli %mul3A_209, %mul3A_224 : i32
      %add3A_226 = arith.constant 0 : i32
      %add3A_227 = arith.addi %mul3A_225, %add3A_226 : i32
      %get3A_228 = arith.index_cast %add3A_227 : i32 to index
      %get3A_229 = tpu.vector_load %arg10[%get3A_228] {strides = array<i32>} : memref<5120xi32, #tpu.memory_space<vmem>>, vector<16xi32>,
      %get3A_230 = vector.shape_cast %get3A_229 : vector<16xi32> to vector<16xi32>
      %and3A_231 = arith.constant 65535 : i32
      %and3A_232 = vector.broadcast %and3A_231 : i32 to vector<16xi32>
      %and3A_233 = arith.andi %get3A_230, %and3A_232 : vector<16xi32>
      %swap3A_234 = arith.constant 0 : i32
      %swap3A_235 = arith.index_cast %swap3A_234 : i32 to index
      %swap3A_236 = arith.constant 0 : index
      %swap3A_237 = tpu.vector_load %arg11[%swap3A_235, %swap3A_236] {strides = array<i32>} : memref<8x128xi32, #tpu.memory_space<vmem>>, vector<1x16xi32>,
      %swap3A_238 = vector.shape_cast %swap3A_237 : vector<1x16xi32> to vector<16xi32>
      %swap3A_239 = vector.shape_cast %and3A_233 : vector<16xi32> to vector<1x16xi32>
      tpu.vector_store %arg11[%swap3A_235, %swap3A_236], %swap3A_239 {strides = array<i32>} : memref<8x128xi32, #tpu.memory_space<vmem>>, vector<1x16xi32>,
      %shift_right_logical3A_240 = arith.constant 16 : i32
      %shift_right_logical3A_241 = vector.broadcast %shift_right_logical3A_240 : i32 to vector<16xi32>
      %shift_right_logical3A_242 = arith.shrui %get3A_230, %shift_right_logical3A_241 : vector<16xi32>
      %swap3A_243 = arith.constant 0 : i32
      %swap3A_244 = arith.index_cast %swap3A_243 : i32 to index
      %swap3A_245 = arith.constant 64 : index
      %swap3A_246 = tpu.vector_load %arg11[%swap3A_244, %swap3A_245] {strides = array<i32>} : memref<8x128xi32, #tpu.memory_space<vmem>>, vector<1x16xi32>,
      %swap3A_247 = vector.shape_cast %swap3A_246 : vector<1x16xi32> to vector<16xi32>
      %swap3A_248 = vector.shape_cast %shift_right_logical3A_242 : vector<16xi32> to vector<1x16xi32>
      tpu.vector_store %arg11[%swap3A_244, %swap3A_245], %swap3A_248 {strides = array<i32>} : memref<8x128xi32, #tpu.memory_space<vmem>>, vector<1x16xi32>,
      %add3A_249 = arith.constant 16 : i32
      %add3A_250 = arith.addi %mul3A_225, %add3A_249 : i32
      %get3A_251 = arith.index_cast %add3A_250 : i32 to index
      %get3A_252 = tpu.vector_load %arg10[%get3A_251] {strides = array<i32>} : memref<5120xi32, #tpu.memory_space<vmem>>, vector<16xi32>,
      %get3A_253 = vector.shape_cast %get3A_252 : vector<16xi32> to vector<16xi32>
      %and3A_254 = arith.constant 65535 : i32
      %and3A_255 = vector.broadcast %and3A_254 : i32 to vector<16xi32>
      %and3A_256 = arith.andi %get3A_253, %and3A_255 : vector<16xi32>
      %swap3A_257 = arith.constant 0 : i32
      %swap3A_258 = arith.index_cast %swap3A_257 : i32 to index
      %swap3A_259 = arith.constant 16 : index
      %swap3A_260 = tpu.vector_load %arg11[%swap3A_258, %swap3A_259] {strides = array<i32>} : memref<8x128xi32, #tpu.memory_space<vmem>>, vector<1x16xi32>,
      %swap3A_261 = vector.shape_cast %swap3A_260 : vector<1x16xi32> to vector<16xi32>
      %swap3A_262 = vector.shape_cast %and3A_256 : vector<16xi32> to vector<1x16xi32>
      tpu.vector_store %arg11[%swap3A_258, %swap3A_259], %swap3A_262 {strides = array<i32>} : memref<8x128xi32, #tpu.memory_space<vmem>>, vector<1x16xi32>,
      %shift_right_logical3A_263 = arith.constant 16 : i32
      %shift_right_logical3A_264 = vector.broadcast %shift_right_logical3A_263 : i32 to vector<16xi32>
      %shift_right_logical3A_265 = arith.shrui %get3A_253, %shift_right_logical3A_264 : vector<16xi32>
      %swap3A_266 = arith.constant 0 : i32
      %swap3A_267 = arith.index_cast %swap3A_266 : i32 to index
      %swap3A_268 = arith.constant 80 : index
      %swap3A_269 = tpu.vector_load %arg11[%swap3A_267, %swap3A_268] {strides = array<i32>} : memref<8x128xi32, #tpu.memory_space<vmem>>, vector<1x16xi32>,
      %swap3A_270 = vector.shape_cast %swap3A_269 : vector<1x16xi32> to vector<16xi32>
      %swap3A_271 = vector.shape_cast %shift_right_logical3A_265 : vector<16xi32> to vector<1x16xi32>
      tpu.vector_store %arg11[%swap3A_267, %swap3A_268], %swap3A_271 {strides = array<i32>} : memref<8x128xi32, #tpu.memory_space<vmem>>, vector<1x16xi32>,
      %add3A_272 = arith.constant 32 : i32
      %add3A_273 = arith.addi %mul3A_225, %add3A_272 : i32
      %get3A_274 = arith.index_cast %add3A_273 : i32 to index
      %get3A_275 = tpu.vector_load %arg10[%get3A_274] {strides = array<i32>} : memref<5120xi32, #tpu.memory_space<vmem>>, vector<16xi32>,
      %get3A_276 = vector.shape_cast %get3A_275 : vector<16xi32> to vector<16xi32>
      %and3A_277 = arith.constant 65535 : i32
      %and3A_278 = vector.broadcast %and3A_277 : i32 to vector<16xi32>
      %and3A_279 = arith.andi %get3A_276, %and3A_278 : vector<16xi32>
      %swap3A_280 = arith.constant 0 : i32
      %swap3A_281 = arith.index_cast %swap3A_280 : i32 to index
      %swap3A_282 = arith.constant 32 : index
      %swap3A_283 = tpu.vector_load %arg11[%swap3A_281, %swap3A_282] {strides = array<i32>} : memref<8x128xi32, #tpu.memory_space<vmem>>, vector<1x16xi32>,
      %swap3A_284 = vector.shape_cast %swap3A_283 : vector<1x16xi32> to vector<16xi32>
      %swap3A_285 = vector.shape_cast %and3A_279 : vector<16xi32> to vector<1x16xi32>
      tpu.vector_store %arg11[%swap3A_281, %swap3A_282], %swap3A_285 {strides = array<i32>} : memref<8x128xi32, #tpu.memory_space<vmem>>, vector<1x16xi32>,
      %shift_right_logical3A_286 = arith.constant 16 : i32
      %shift_right_logical3A_287 = vector.broadcast %shift_right_logical3A_286 : i32 to vector<16xi32>
      %shift_right_logical3A_288 = arith.shrui %get3A_276, %shift_right_logical3A_287 : vector<16xi32>
      %swap3A_289 = arith.constant 0 : i32
      %swap3A_290 = arith.index_cast %swap3A_289 : i32 to index
      %swap3A_291 = arith.constant 96 : index
      %swap3A_292 = tpu.vector_load %arg11[%swap3A_290, %swap3A_291] {strides = array<i32>} : memref<8x128xi32, #tpu.memory_space<vmem>>, vector<1x16xi32>,
      %swap3A_293 = vector.shape_cast %swap3A_292 : vector<1x16xi32> to vector<16xi32>
      %swap3A_294 = vector.shape_cast %shift_right_logical3A_288 : vector<16xi32> to vector<1x16xi32>
      tpu.vector_store %arg11[%swap3A_290, %swap3A_291], %swap3A_294 {strides = array<i32>} : memref<8x128xi32, #tpu.memory_space<vmem>>, vector<1x16xi32>,
      %add3A_295 = arith.constant 48 : i32
      %add3A_296 = arith.addi %mul3A_225, %add3A_295 : i32
      %get3A_297 = arith.index_cast %add3A_296 : i32 to index
      %get3A_298 = tpu.vector_load %arg10[%get3A_297] {strides = array<i32>} : memref<5120xi32, #tpu.memory_space<vmem>>, vector<16xi32>,
      %get3A_299 = vector.shape_cast %get3A_298 : vector<16xi32> to vector<16xi32>
      %and3A_300 = arith.constant 65535 : i32
      %and3A_301 = vector.broadcast %and3A_300 : i32 to vector<16xi32>
      %and3A_302 = arith.andi %get3A_299, %and3A_301 : vector<16xi32>
      %swap3A_303 = arith.constant 0 : i32
      %swap3A_304 = arith.index_cast %swap3A_303 : i32 to index
      %swap3A_305 = arith.constant 48 : index
      %swap3A_306 = tpu.vector_load %arg11[%swap3A_304, %swap3A_305] {strides = array<i32>} : memref<8x128xi32, #tpu.memory_space<vmem>>, vector<1x16xi32>,
      %swap3A_307 = vector.shape_cast %swap3A_306 : vector<1x16xi32> to vector<16xi32>
      %swap3A_308 = vector.shape_cast %and3A_302 : vector<16xi32> to vector<1x16xi32>
      tpu.vector_store %arg11[%swap3A_304, %swap3A_305], %swap3A_308 {strides = array<i32>} : memref<8x128xi32, #tpu.memory_space<vmem>>, vector<1x16xi32>,
      %shift_right_logical3A_309 = arith.constant 16 : i32
      %shift_right_logical3A_310 = vector.broadcast %shift_right_logical3A_309 : i32 to vector<16xi32>
      %shift_right_logical3A_311 = arith.shrui %get3A_299, %shift_right_logical3A_310 : vector<16xi32>
      %swap3A_312 = arith.constant 0 : i32
      %swap3A_313 = arith.index_cast %swap3A_312 : i32 to index
      %swap3A_314 = arith.constant 112 : index
      %swap3A_315 = tpu.vector_load %arg11[%swap3A_313, %swap3A_314] {strides = array<i32>} : memref<8x128xi32, #tpu.memory_space<vmem>>, vector<1x16xi32>,
      %swap3A_316 = vector.shape_cast %swap3A_315 : vector<1x16xi32> to vector<16xi32>
      %swap3A_317 = vector.shape_cast %shift_right_logical3A_311 : vector<16xi32> to vector<1x16xi32>
      tpu.vector_store %arg11[%swap3A_313, %swap3A_314], %swap3A_317 {strides = array<i32>} : memref<8x128xi32, #tpu.memory_space<vmem>>, vector<1x16xi32>,
      %run_scoped3A_318 = arith.constant 0 : i32
      "tpu.region"() ({
        %run_scoped3A_432 = tpu.sem_alloc : memref<!tpu.dma_semaphore, #tpu.memory_space<semaphore_mem>>
        %dma_start3A_433 = arith.constant 0 : i32
        %dma_start3A_434 = tpu.memref_slice %arg11[%run_scoped3A_318, %dma_start3A_433] : memref<8x128xi32, #tpu.memory_space<vmem>> -> memref<1x128xi32, #tpu.memory_space<vmem>>
        %dma_start3A_435 = tpu.memref_squeeze %dma_start3A_434 : memref<1x128xi32, #tpu.memory_space<vmem>> -> memref<128xi32, #tpu.memory_space<vmem>>
        %dma_start3A_436 = arith.constant 0 : i32
        %dma_start3A_437 = arith.constant 0 : i32
        %dma_start3A_438 = tpu.memref_slice %arg8[%dma_start3A_436, %dma_start3A_437] : memref<10016x128xf32, #tpu.memory_space<vmem_shared>> -> memref<10016x128xf32, #tpu.memory_space<vmem_shared>>
        tpu.enqueue_indirect_dma source(%arg12 : memref<128x128xf32, #tpu.memory_space<vmem>>) target(%dma_start3A_438 : memref<10016x128xf32, #tpu.memory_space<vmem_shared>>) offsets(%dma_start3A_435 : memref<128xi32, #tpu.memory_space<vmem>>) semaphore(%run_scoped3A_432 : memref<!tpu.dma_semaphore, #tpu.memory_space<semaphore_mem>>) {add = true}
        %dma_wait3A_439 = arith.constant 0 : i32
        %dma_wait3A_440 = tpu.memref_slice %arg11[%run_scoped3A_318, %dma_wait3A_439] : memref<8x128xi32, #tpu.memory_space<vmem>> -> memref<1x128xi32, #tpu.memory_space<vmem>>
        %dma_wait3A_441 = tpu.memref_squeeze %dma_wait3A_440 : memref<1x128xi32, #tpu.memory_space<vmem>> -> memref<128xi32, #tpu.memory_space<vmem>>
        %dma_wait3A_442 = arith.constant 0 : i32
        %dma_wait3A_443 = arith.constant 0 : i32
        %dma_wait3A_444 = tpu.memref_slice %arg8[%dma_wait3A_442, %dma_wait3A_443] : memref<10016x128xf32, #tpu.memory_space<vmem_shared>> -> memref<10016x128xf32, #tpu.memory_space<vmem_shared>>
        tpu.wait_indirect_dma semaphore(%run_scoped3A_432 : memref<!tpu.dma_semaphore, #tpu.memory_space<semaphore_mem>>) src(%arg12 : memref<128x128xf32, #tpu.memory_space<vmem>>) dst(%dma_wait3A_444 : memref<10016x128xf32, #tpu.memory_space<vmem_shared>>)
        tpu.yield
      }) : () -> ()
      %add3A_319 = arith.constant 1 : i32
      %add3A_320 = arith.addi %mul3A_209, %add3A_319 : i32
      %dma_wait3A_321 = arith.constant 0 : i32
      %dma_wait3A_322 = tpu.memref_slice %arg9[%add3A_320, %dma_wait3A_321] : memref<80x128xi32, #tpu.memory_space<vmem>> -> memref<1x128xi32, #tpu.memory_space<vmem>>
      %dma_wait3A_323 = tpu.memref_squeeze %dma_wait3A_322 : memref<1x128xi32, #tpu.memory_space<vmem>> -> memref<128xi32, #tpu.memory_space<vmem>>
      %dma_wait3A_324 = arith.constant 0 : i32
      %dma_wait3A_325 = arith.constant 0 : i32
      %dma_wait3A_326 = tpu.memref_slice %arg2[%dma_wait3A_324, %dma_wait3A_325] : memref<10000x128xf32, #tpu.memory_space<hbm>> -> memref<10000x128xf32, #tpu.memory_space<hbm>>
      tpu.wait_indirect_dma semaphore(%arg15 : memref<!tpu.dma_semaphore, #tpu.memory_space<semaphore_mem>>) src(%dma_wait3A_326 : memref<10000x128xf32, #tpu.memory_space<hbm>>) dst(%arg13 : memref<128x128xf32, #tpu.memory_space<vmem>>)
      %add3A_327 = arith.constant 2 : i32
      %add3A_328 = arith.addi %mul3A_209, %add3A_327 : i32
      %dma_start3A_329 = arith.constant 0 : i32
      %dma_start3A_330 = tpu.memref_slice %arg9[%add3A_328, %dma_start3A_329] : memref<80x128xi32, #tpu.memory_space<vmem>> -> memref<1x128xi32, #tpu.memory_space<vmem>>
      %dma_start3A_331 = tpu.memref_squeeze %dma_start3A_330 : memref<1x128xi32, #tpu.memory_space<vmem>> -> memref<128xi32, #tpu.memory_space<vmem>>
      %dma_start3A_332 = arith.constant 0 : i32
      %dma_start3A_333 = arith.constant 0 : i32
      %dma_start3A_334 = tpu.memref_slice %arg2[%dma_start3A_332, %dma_start3A_333] : memref<10000x128xf32, #tpu.memory_space<hbm>> -> memref<10000x128xf32, #tpu.memory_space<hbm>>
      tpu.enqueue_indirect_dma source(%dma_start3A_334 : memref<10000x128xf32, #tpu.memory_space<hbm>>) target(%arg12 : memref<128x128xf32, #tpu.memory_space<vmem>>) offsets(%dma_start3A_331 : memref<128xi32, #tpu.memory_space<vmem>>) semaphore(%arg14 : memref<!tpu.dma_semaphore, #tpu.memory_space<semaphore_mem>>)
      %add3A_335 = arith.constant 1 : i32
      %add3A_336 = arith.addi %mul3A_209, %add3A_335 : i32
      %mul3A_337 = arith.constant 64 : i32
      %mul3A_338 = arith.muli %add3A_336, %mul3A_337 : i32
      %add3A_339 = arith.constant 0 : i32
      %add3A_340 = arith.addi %mul3A_338, %add3A_339 : i32
      %get3A_341 = arith.index_cast %add3A_340 : i32 to index
      %get3A_342 = tpu.vector_load %arg10[%get3A_341] {strides = array<i32>} : memref<5120xi32, #tpu.memory_space<vmem>>, vector<16xi32>,
      %get3A_343 = vector.shape_cast %get3A_342 : vector<16xi32> to vector<16xi32>
      %and3A_344 = arith.constant 65535 : i32
      %and3A_345 = vector.broadcast %and3A_344 : i32 to vector<16xi32>
      %and3A_346 = arith.andi %get3A_343, %and3A_345 : vector<16xi32>
      %swap3A_347 = arith.constant 1 : i32
      %swap3A_348 = arith.index_cast %swap3A_347 : i32 to index
      %swap3A_349 = arith.constant 0 : index
      %swap3A_350 = tpu.vector_load %arg11[%swap3A_348, %swap3A_349] {strides = array<i32>} : memref<8x128xi32, #tpu.memory_space<vmem>>, vector<1x16xi32>,
      %swap3A_351 = vector.shape_cast %swap3A_350 : vector<1x16xi32> to vector<16xi32>
      %swap3A_352 = vector.shape_cast %and3A_346 : vector<16xi32> to vector<1x16xi32>
      tpu.vector_store %arg11[%swap3A_348, %swap3A_349], %swap3A_352 {strides = array<i32>} : memref<8x128xi32, #tpu.memory_space<vmem>>, vector<1x16xi32>,
      %shift_right_logical3A_353 = arith.constant 16 : i32
      %shift_right_logical3A_354 = vector.broadcast %shift_right_logical3A_353 : i32 to vector<16xi32>
      %shift_right_logical3A_355 = arith.shrui %get3A_343, %shift_right_logical3A_354 : vector<16xi32>
      %swap3A_356 = arith.constant 1 : i32
      %swap3A_357 = arith.index_cast %swap3A_356 : i32 to index
      %swap3A_358 = arith.constant 64 : index
      %swap3A_359 = tpu.vector_load %arg11[%swap3A_357, %swap3A_358] {strides = array<i32>} : memref<8x128xi32, #tpu.memory_space<vmem>>, vector<1x16xi32>,
      %swap3A_360 = vector.shape_cast %swap3A_359 : vector<1x16xi32> to vector<16xi32>
      %swap3A_361 = vector.shape_cast %shift_right_logical3A_355 : vector<16xi32> to vector<1x16xi32>
      tpu.vector_store %arg11[%swap3A_357, %swap3A_358], %swap3A_361 {strides = array<i32>} : memref<8x128xi32, #tpu.memory_space<vmem>>, vector<1x16xi32>,
      %add3A_362 = arith.constant 16 : i32
      %add3A_363 = arith.addi %mul3A_338, %add3A_362 : i32
      %get3A_364 = arith.index_cast %add3A_363 : i32 to index
      %get3A_365 = tpu.vector_load %arg10[%get3A_364] {strides = array<i32>} : memref<5120xi32, #tpu.memory_space<vmem>>, vector<16xi32>,
      %get3A_366 = vector.shape_cast %get3A_365 : vector<16xi32> to vector<16xi32>
      %and3A_367 = arith.constant 65535 : i32
      %and3A_368 = vector.broadcast %and3A_367 : i32 to vector<16xi32>
      %and3A_369 = arith.andi %get3A_366, %and3A_368 : vector<16xi32>
      %swap3A_370 = arith.constant 1 : i32
      %swap3A_371 = arith.index_cast %swap3A_370 : i32 to index
      %swap3A_372 = arith.constant 16 : index
      %swap3A_373 = tpu.vector_load %arg11[%swap3A_371, %swap3A_372] {strides = array<i32>} : memref<8x128xi32, #tpu.memory_space<vmem>>, vector<1x16xi32>,
      %swap3A_374 = vector.shape_cast %swap3A_373 : vector<1x16xi32> to vector<16xi32>
      %swap3A_375 = vector.shape_cast %and3A_369 : vector<16xi32> to vector<1x16xi32>
      tpu.vector_store %arg11[%swap3A_371, %swap3A_372], %swap3A_375 {strides = array<i32>} : memref<8x128xi32, #tpu.memory_space<vmem>>, vector<1x16xi32>,
      %shift_right_logical3A_376 = arith.constant 16 : i32
      %shift_right_logical3A_377 = vector.broadcast %shift_right_logical3A_376 : i32 to vector<16xi32>
      %shift_right_logical3A_378 = arith.shrui %get3A_366, %shift_right_logical3A_377 : vector<16xi32>
      %swap3A_379 = arith.constant 1 : i32
      %swap3A_380 = arith.index_cast %swap3A_379 : i32 to index
      %swap3A_381 = arith.constant 80 : index
      %swap3A_382 = tpu.vector_load %arg11[%swap3A_380, %swap3A_381] {strides = array<i32>} : memref<8x128xi32, #tpu.memory_space<vmem>>, vector<1x16xi32>,
      %swap3A_383 = vector.shape_cast %swap3A_382 : vector<1x16xi32> to vector<16xi32>
      %swap3A_384 = vector.shape_cast %shift_right_logical3A_378 : vector<16xi32> to vector<1x16xi32>
      tpu.vector_store %arg11[%swap3A_380, %swap3A_381], %swap3A_384 {strides = array<i32>} : memref<8x128xi32, #tpu.memory_space<vmem>>, vector<1x16xi32>,
      %add3A_385 = arith.constant 32 : i32
      %add3A_386 = arith.addi %mul3A_338, %add3A_385 : i32
      %get3A_387 = arith.index_cast %add3A_386 : i32 to index
      %get3A_388 = tpu.vector_load %arg10[%get3A_387] {strides = array<i32>} : memref<5120xi32, #tpu.memory_space<vmem>>, vector<16xi32>,
      %get3A_389 = vector.shape_cast %get3A_388 : vector<16xi32> to vector<16xi32>
      %and3A_390 = arith.constant 65535 : i32
      %and3A_391 = vector.broadcast %and3A_390 : i32 to vector<16xi32>
      %and3A_392 = arith.andi %get3A_389, %and3A_391 : vector<16xi32>
      %swap3A_393 = arith.constant 1 : i32
      %swap3A_394 = arith.index_cast %swap3A_393 : i32 to index
      %swap3A_395 = arith.constant 32 : index
      %swap3A_396 = tpu.vector_load %arg11[%swap3A_394, %swap3A_395] {strides = array<i32>} : memref<8x128xi32, #tpu.memory_space<vmem>>, vector<1x16xi32>,
      %swap3A_397 = vector.shape_cast %swap3A_396 : vector<1x16xi32> to vector<16xi32>
      %swap3A_398 = vector.shape_cast %and3A_392 : vector<16xi32> to vector<1x16xi32>
      tpu.vector_store %arg11[%swap3A_394, %swap3A_395], %swap3A_398 {strides = array<i32>} : memref<8x128xi32, #tpu.memory_space<vmem>>, vector<1x16xi32>,
      %shift_right_logical3A_399 = arith.constant 16 : i32
      %shift_right_logical3A_400 = vector.broadcast %shift_right_logical3A_399 : i32 to vector<16xi32>
      %shift_right_logical3A_401 = arith.shrui %get3A_389, %shift_right_logical3A_400 : vector<16xi32>
      %swap3A_402 = arith.constant 1 : i32
      %swap3A_403 = arith.index_cast %swap3A_402 : i32 to index
      %swap3A_404 = arith.constant 96 : index
      %swap3A_405 = tpu.vector_load %arg11[%swap3A_403, %swap3A_404] {strides = array<i32>} : memref<8x128xi32, #tpu.memory_space<vmem>>, vector<1x16xi32>,
      %swap3A_406 = vector.shape_cast %swap3A_405 : vector<1x16xi32> to vector<16xi32>
      %swap3A_407 = vector.shape_cast %shift_right_logical3A_401 : vector<16xi32> to vector<1x16xi32>
      tpu.vector_store %arg11[%swap3A_403, %swap3A_404], %swap3A_407 {strides = array<i32>} : memref<8x128xi32, #tpu.memory_space<vmem>>, vector<1x16xi32>,
      %add3A_408 = arith.constant 48 : i32
      %add3A_409 = arith.addi %mul3A_338, %add3A_408 : i32
      %get3A_410 = arith.index_cast %add3A_409 : i32 to index
      %get3A_411 = tpu.vector_load %arg10[%get3A_410] {strides = array<i32>} : memref<5120xi32, #tpu.memory_space<vmem>>, vector<16xi32>,
      %get3A_412 = vector.shape_cast %get3A_411 : vector<16xi32> to vector<16xi32>
      %and3A_413 = arith.constant 65535 : i32
      %and3A_414 = vector.broadcast %and3A_413 : i32 to vector<16xi32>
      %and3A_415 = arith.andi %get3A_412, %and3A_414 : vector<16xi32>
      %swap3A_416 = arith.constant 1 : i32
      %swap3A_417 = arith.index_cast %swap3A_416 : i32 to index
      %swap3A_418 = arith.constant 48 : index
      %swap3A_419 = tpu.vector_load %arg11[%swap3A_417, %swap3A_418] {strides = array<i32>} : memref<8x128xi32, #tpu.memory_space<vmem>>, vector<1x16xi32>,
      %swap3A_420 = vector.shape_cast %swap3A_419 : vector<1x16xi32> to vector<16xi32>
      %swap3A_421 = vector.shape_cast %and3A_415 : vector<16xi32> to vector<1x16xi32>
      tpu.vector_store %arg11[%swap3A_417, %swap3A_418], %swap3A_421 {strides = array<i32>} : memref<8x128xi32, #tpu.memory_space<vmem>>, vector<1x16xi32>,
      %shift_right_logical3A_422 = arith.constant 16 : i32
      %shift_right_logical3A_423 = vector.broadcast %shift_right_logical3A_422 : i32 to vector<16xi32>
      %shift_right_logical3A_424 = arith.shrui %get3A_412, %shift_right_logical3A_423 : vector<16xi32>
      %swap3A_425 = arith.constant 1 : i32
      %swap3A_426 = arith.index_cast %swap3A_425 : i32 to index
      %swap3A_427 = arith.constant 112 : index
      %swap3A_428 = tpu.vector_load %arg11[%swap3A_426, %swap3A_427] {strides = array<i32>} : memref<8x128xi32, #tpu.memory_space<vmem>>, vector<1x16xi32>,
      %swap3A_429 = vector.shape_cast %swap3A_428 : vector<1x16xi32> to vector<16xi32>
      %swap3A_430 = vector.shape_cast %shift_right_logical3A_424 : vector<16xi32> to vector<1x16xi32>
      tpu.vector_store %arg11[%swap3A_426, %swap3A_427], %swap3A_430 {strides = array<i32>} : memref<8x128xi32, #tpu.memory_space<vmem>>, vector<1x16xi32>,
      %run_scoped3A_431 = arith.constant 1 : i32
      "tpu.region"() ({
        %run_scoped3A_432 = tpu.sem_alloc : memref<!tpu.dma_semaphore, #tpu.memory_space<semaphore_mem>>
        %dma_start3A_433 = arith.constant 0 : i32
        %dma_start3A_434 = tpu.memref_slice %arg11[%run_scoped3A_431, %dma_start3A_433] : memref<8x128xi32, #tpu.memory_space<vmem>> -> memref<1x128xi32, #tpu.memory_space<vmem>>
        %dma_start3A_435 = tpu.memref_squeeze %dma_start3A_434 : memref<1x128xi32, #tpu.memory_space<vmem>> -> memref<128xi32, #tpu.memory_space<vmem>>
        %dma_start3A_436 = arith.constant 0 : i32
        %dma_start3A_437 = arith.constant 0 : i32
        %dma_start3A_438 = tpu.memref_slice %arg8[%dma_start3A_436, %dma_start3A_437] : memref<10016x128xf32, #tpu.memory_space<vmem_shared>> -> memref<10016x128xf32, #tpu.memory_space<vmem_shared>>
        tpu.enqueue_indirect_dma source(%arg13 : memref<128x128xf32, #tpu.memory_space<vmem>>) target(%dma_start3A_438 : memref<10016x128xf32, #tpu.memory_space<vmem_shared>>) offsets(%dma_start3A_435 : memref<128xi32, #tpu.memory_space<vmem>>) semaphore(%run_scoped3A_432 : memref<!tpu.dma_semaphore, #tpu.memory_space<semaphore_mem>>) {add = true}
        %dma_wait3A_439 = arith.constant 0 : i32
        %dma_wait3A_440 = tpu.memref_slice %arg11[%run_scoped3A_431, %dma_wait3A_439] : memref<8x128xi32, #tpu.memory_space<vmem>> -> memref<1x128xi32, #tpu.memory_space<vmem>>
        %dma_wait3A_441 = tpu.memref_squeeze %dma_wait3A_440 : memref<1x128xi32, #tpu.memory_space<vmem>> -> memref<128xi32, #tpu.memory_space<vmem>>
        %dma_wait3A_442 = arith.constant 0 : i32
        %dma_wait3A_443 = arith.constant 0 : i32
        %dma_wait3A_444 = tpu.memref_slice %arg8[%dma_wait3A_442, %dma_wait3A_443] : memref<10016x128xf32, #tpu.memory_space<vmem_shared>> -> memref<10016x128xf32, #tpu.memory_space<vmem_shared>>
        tpu.wait_indirect_dma semaphore(%run_scoped3A_432 : memref<!tpu.dma_semaphore, #tpu.memory_space<semaphore_mem>>) src(%arg13 : memref<128x128xf32, #tpu.memory_space<vmem>>) dst(%dma_wait3A_444 : memref<10016x128xf32, #tpu.memory_space<vmem_shared>>)
        tpu.yield
      }) : () -> ()
    }
    %scan3A_13 = arith.constant 39 : i32
    %dma_wait3A = arith.constant 78 : i32
    %dma_wait3A_14 = arith.constant 0 : i32
    %dma_wait3A_15 = tpu.memref_slice %arg9[%dma_wait3A, %dma_wait3A_14] : memref<80x128xi32, #tpu.memory_space<vmem>> -> memref<1x128xi32, #tpu.memory_space<vmem>>
    %dma_wait3A_16 = tpu.memref_squeeze %dma_wait3A_15 : memref<1x128xi32, #tpu.memory_space<vmem>> -> memref<128xi32, #tpu.memory_space<vmem>>
    %dma_wait3A_17 = arith.constant 0 : i32
    %dma_wait3A_18 = arith.constant 0 : i32
    %dma_wait3A_19 = tpu.memref_slice %arg2[%dma_wait3A_17, %dma_wait3A_18] : memref<10000x128xf32, #tpu.memory_space<hbm>> -> memref<10000x128xf32, #tpu.memory_space<hbm>>
    tpu.wait_indirect_dma semaphore(%arg14 : memref<!tpu.dma_semaphore, #tpu.memory_space<semaphore_mem>>) src(%dma_wait3A_19 : memref<10000x128xf32, #tpu.memory_space<hbm>>) dst(%arg12 : memref<128x128xf32, #tpu.memory_space<vmem>>)
    %dma_start3A_20 = arith.constant 79 : i32
    %dma_start3A_21 = arith.constant 0 : i32
    %dma_start3A_22 = tpu.memref_slice %arg9[%dma_start3A_20, %dma_start3A_21] : memref<80x128xi32, #tpu.memory_space<vmem>> -> memref<1x128xi32, #tpu.memory_space<vmem>>
    %dma_start3A_23 = tpu.memref_squeeze %dma_start3A_22 : memref<1x128xi32, #tpu.memory_space<vmem>> -> memref<128xi32, #tpu.memory_space<vmem>>
    %dma_start3A_24 = arith.constant 0 : i32
    %dma_start3A_25 = arith.constant 0 : i32
    %dma_start3A_26 = tpu.memref_slice %arg2[%dma_start3A_24, %dma_start3A_25] : memref<10000x128xf32, #tpu.memory_space<hbm>> -> memref<10000x128xf32, #tpu.memory_space<hbm>>
    tpu.enqueue_indirect_dma source(%dma_start3A_26 : memref<10000x128xf32, #tpu.memory_space<hbm>>) target(%arg13 : memref<128x128xf32, #tpu.memory_space<vmem>>) offsets(%dma_start3A_23 : memref<128xi32, #tpu.memory_space<vmem>>) semaphore(%arg15 : memref<!tpu.dma_semaphore, #tpu.memory_space<semaphore_mem>>)
    %get3A = arith.constant 4992 : index
    %get3A_27 = tpu.vector_load %arg10[%get3A] {strides = array<i32>} : memref<5120xi32, #tpu.memory_space<vmem>>, vector<16xi32>,
    %get3A_28 = vector.shape_cast %get3A_27 : vector<16xi32> to vector<16xi32>
    %and3A = arith.constant 65535 : i32
    %and3A_29 = vector.broadcast %and3A : i32 to vector<16xi32>
    %and3A_30 = arith.andi %get3A_28, %and3A_29 : vector<16xi32>
    %swap3A = arith.constant 0 : i32
    %swap3A_31 = arith.index_cast %swap3A : i32 to index
    %swap3A_32 = arith.constant 0 : index
    %swap3A_33 = tpu.vector_load %arg11[%swap3A_31, %swap3A_32] {strides = array<i32>} : memref<8x128xi32, #tpu.memory_space<vmem>>, vector<1x16xi32>,
    %swap3A_34 = vector.shape_cast %swap3A_33 : vector<1x16xi32> to vector<16xi32>
    %swap3A_35 = vector.shape_cast %and3A_30 : vector<16xi32> to vector<1x16xi32>
    tpu.vector_store %arg11[%swap3A_31, %swap3A_32], %swap3A_35 {strides = array<i32>} : memref<8x128xi32, #tpu.memory_space<vmem>>, vector<1x16xi32>,
    %shift_right_logical3A = arith.constant 16 : i32
    %shift_right_logical3A_36 = vector.broadcast %shift_right_logical3A : i32 to vector<16xi32>
    %shift_right_logical3A_37 = arith.shrui %get3A_28, %shift_right_logical3A_36 : vector<16xi32>
    %swap3A_38 = arith.constant 0 : i32
    %swap3A_39 = arith.index_cast %swap3A_38 : i32 to index
    %swap3A_40 = arith.constant 64 : index
    %swap3A_41 = tpu.vector_load %arg11[%swap3A_39, %swap3A_40] {strides = array<i32>} : memref<8x128xi32, #tpu.memory_space<vmem>>, vector<1x16xi32>,
    %swap3A_42 = vector.shape_cast %swap3A_41 : vector<1x16xi32> to vector<16xi32>
    %swap3A_43 = vector.shape_cast %shift_right_logical3A_37 : vector<16xi32> to vector<1x16xi32>
    tpu.vector_store %arg11[%swap3A_39, %swap3A_40], %swap3A_43 {strides = array<i32>} : memref<8x128xi32, #tpu.memory_space<vmem>>, vector<1x16xi32>,
    %get3A_44 = arith.constant 5008 : index
    %get3A_45 = tpu.vector_load %arg10[%get3A_44] {strides = array<i32>} : memref<5120xi32, #tpu.memory_space<vmem>>, vector<16xi32>,
    %get3A_46 = vector.shape_cast %get3A_45 : vector<16xi32> to vector<16xi32>
    %and3A_47 = arith.constant 65535 : i32
    %and3A_48 = vector.broadcast %and3A_47 : i32 to vector<16xi32>
    %and3A_49 = arith.andi %get3A_46, %and3A_48 : vector<16xi32>
    %swap3A_50 = arith.constant 0 : i32
    %swap3A_51 = arith.index_cast %swap3A_50 : i32 to index
    %swap3A_52 = arith.constant 16 : index
    %swap3A_53 = tpu.vector_load %arg11[%swap3A_51, %swap3A_52] {strides = array<i32>} : memref<8x128xi32, #tpu.memory_space<vmem>>, vector<1x16xi32>,
    %swap3A_54 = vector.shape_cast %swap3A_53 : vector<1x16xi32> to vector<16xi32>
    %swap3A_55 = vector.shape_cast %and3A_49 : vector<16xi32> to vector<1x16xi32>
    tpu.vector_store %arg11[%swap3A_51, %swap3A_52], %swap3A_55 {strides = array<i32>} : memref<8x128xi32, #tpu.memory_space<vmem>>, vector<1x16xi32>,
    %shift_right_logical3A_56 = arith.constant 16 : i32
    %shift_right_logical3A_57 = vector.broadcast %shift_right_logical3A_56 : i32 to vector<16xi32>
    %shift_right_logical3A_58 = arith.shrui %get3A_46, %shift_right_logical3A_57 : vector<16xi32>
    %swap3A_59 = arith.constant 0 : i32
    %swap3A_60 = arith.index_cast %swap3A_59 : i32 to index
    %swap3A_61 = arith.constant 80 : index
    %swap3A_62 = tpu.vector_load %arg11[%swap3A_60, %swap3A_61] {strides = array<i32>} : memref<8x128xi32, #tpu.memory_space<vmem>>, vector<1x16xi32>,
    %swap3A_63 = vector.shape_cast %swap3A_62 : vector<1x16xi32> to vector<16xi32>
    %swap3A_64 = vector.shape_cast %shift_right_logical3A_58 : vector<16xi32> to vector<1x16xi32>
    tpu.vector_store %arg11[%swap3A_60, %swap3A_61], %swap3A_64 {strides = array<i32>} : memref<8x128xi32, #tpu.memory_space<vmem>>, vector<1x16xi32>,
    %get3A_65 = arith.constant 5024 : index
    %get3A_66 = tpu.vector_load %arg10[%get3A_65] {strides = array<i32>} : memref<5120xi32, #tpu.memory_space<vmem>>, vector<16xi32>,
    %get3A_67 = vector.shape_cast %get3A_66 : vector<16xi32> to vector<16xi32>
    %and3A_68 = arith.constant 65535 : i32
    %and3A_69 = vector.broadcast %and3A_68 : i32 to vector<16xi32>
    %and3A_70 = arith.andi %get3A_67, %and3A_69 : vector<16xi32>
    %swap3A_71 = arith.constant 0 : i32
    %swap3A_72 = arith.index_cast %swap3A_71 : i32 to index
    %swap3A_73 = arith.constant 32 : index
    %swap3A_74 = tpu.vector_load %arg11[%swap3A_72, %swap3A_73] {strides = array<i32>} : memref<8x128xi32, #tpu.memory_space<vmem>>, vector<1x16xi32>,
    %swap3A_75 = vector.shape_cast %swap3A_74 : vector<1x16xi32> to vector<16xi32>
    %swap3A_76 = vector.shape_cast %and3A_70 : vector<16xi32> to vector<1x16xi32>
    tpu.vector_store %arg11[%swap3A_72, %swap3A_73], %swap3A_76 {strides = array<i32>} : memref<8x128xi32, #tpu.memory_space<vmem>>, vector<1x16xi32>,
    %shift_right_logical3A_77 = arith.constant 16 : i32
    %shift_right_logical3A_78 = vector.broadcast %shift_right_logical3A_77 : i32 to vector<16xi32>
    %shift_right_logical3A_79 = arith.shrui %get3A_67, %shift_right_logical3A_78 : vector<16xi32>
    %swap3A_80 = arith.constant 0 : i32
    %swap3A_81 = arith.index_cast %swap3A_80 : i32 to index
    %swap3A_82 = arith.constant 96 : index
    %swap3A_83 = tpu.vector_load %arg11[%swap3A_81, %swap3A_82] {strides = array<i32>} : memref<8x128xi32, #tpu.memory_space<vmem>>, vector<1x16xi32>,
    %swap3A_84 = vector.shape_cast %swap3A_83 : vector<1x16xi32> to vector<16xi32>
    %swap3A_85 = vector.shape_cast %shift_right_logical3A_79 : vector<16xi32> to vector<1x16xi32>
    tpu.vector_store %arg11[%swap3A_81, %swap3A_82], %swap3A_85 {strides = array<i32>} : memref<8x128xi32, #tpu.memory_space<vmem>>, vector<1x16xi32>,
    %get3A_86 = arith.constant 5040 : index
    %get3A_87 = tpu.vector_load %arg10[%get3A_86] {strides = array<i32>} : memref<5120xi32, #tpu.memory_space<vmem>>, vector<16xi32>,
    %get3A_88 = vector.shape_cast %get3A_87 : vector<16xi32> to vector<16xi32>
    %and3A_89 = arith.constant 65535 : i32
    %and3A_90 = vector.broadcast %and3A_89 : i32 to vector<16xi32>
    %and3A_91 = arith.andi %get3A_88, %and3A_90 : vector<16xi32>
    %swap3A_92 = arith.constant 0 : i32
    %swap3A_93 = arith.index_cast %swap3A_92 : i32 to index
    %swap3A_94 = arith.constant 48 : index
    %swap3A_95 = tpu.vector_load %arg11[%swap3A_93, %swap3A_94] {strides = array<i32>} : memref<8x128xi32, #tpu.memory_space<vmem>>, vector<1x16xi32>,
    %swap3A_96 = vector.shape_cast %swap3A_95 : vector<1x16xi32> to vector<16xi32>
    %swap3A_97 = vector.shape_cast %and3A_91 : vector<16xi32> to vector<1x16xi32>
    tpu.vector_store %arg11[%swap3A_93, %swap3A_94], %swap3A_97 {strides = array<i32>} : memref<8x128xi32, #tpu.memory_space<vmem>>, vector<1x16xi32>,
    %shift_right_logical3A_98 = arith.constant 16 : i32
    %shift_right_logical3A_99 = vector.broadcast %shift_right_logical3A_98 : i32 to vector<16xi32>
    %shift_right_logical3A_100 = arith.shrui %get3A_88, %shift_right_logical3A_99 : vector<16xi32>
    %swap3A_101 = arith.constant 0 : i32
    %swap3A_102 = arith.index_cast %swap3A_101 : i32 to index
    %swap3A_103 = arith.constant 112 : index
    %swap3A_104 = tpu.vector_load %arg11[%swap3A_102, %swap3A_103] {strides = array<i32>} : memref<8x128xi32, #tpu.memory_space<vmem>>, vector<1x16xi32>,
    %swap3A_105 = vector.shape_cast %swap3A_104 : vector<1x16xi32> to vector<16xi32>
    %swap3A_106 = vector.shape_cast %shift_right_logical3A_100 : vector<16xi32> to vector<1x16xi32>
    tpu.vector_store %arg11[%swap3A_102, %swap3A_103], %swap3A_106 {strides = array<i32>} : memref<8x128xi32, #tpu.memory_space<vmem>>, vector<1x16xi32>,
    %run_scoped3A = arith.constant 0 : i32
    "tpu.region"() ({
      %run_scoped3A_207 = tpu.sem_alloc : memref<!tpu.dma_semaphore, #tpu.memory_space<semaphore_mem>>
      %dma_start3A_208 = arith.constant 0 : i32
      %dma_start3A_209 = tpu.memref_slice %arg11[%run_scoped3A, %dma_start3A_208] : memref<8x128xi32, #tpu.memory_space<vmem>> -> memref<1x128xi32, #tpu.memory_space<vmem>>
      %dma_start3A_210 = tpu.memref_squeeze %dma_start3A_209 : memref<1x128xi32, #tpu.memory_space<vmem>> -> memref<128xi32, #tpu.memory_space<vmem>>
      %dma_start3A_211 = arith.constant 0 : i32
      %dma_start3A_212 = arith.constant 0 : i32
      %dma_start3A_213 = tpu.memref_slice %arg8[%dma_start3A_211, %dma_start3A_212] : memref<10016x128xf32, #tpu.memory_space<vmem_shared>> -> memref<10016x128xf32, #tpu.memory_space<vmem_shared>>
      tpu.enqueue_indirect_dma source(%arg12 : memref<128x128xf32, #tpu.memory_space<vmem>>) target(%dma_start3A_213 : memref<10016x128xf32, #tpu.memory_space<vmem_shared>>) offsets(%dma_start3A_210 : memref<128xi32, #tpu.memory_space<vmem>>) semaphore(%run_scoped3A_207 : memref<!tpu.dma_semaphore, #tpu.memory_space<semaphore_mem>>) {add = true}
      %dma_wait3A_214 = arith.constant 0 : i32
      %dma_wait3A_215 = tpu.memref_slice %arg11[%run_scoped3A, %dma_wait3A_214] : memref<8x128xi32, #tpu.memory_space<vmem>> -> memref<1x128xi32, #tpu.memory_space<vmem>>
      %dma_wait3A_216 = tpu.memref_squeeze %dma_wait3A_215 : memref<1x128xi32, #tpu.memory_space<vmem>> -> memref<128xi32, #tpu.memory_space<vmem>>
      %dma_wait3A_217 = arith.constant 0 : i32
      %dma_wait3A_218 = arith.constant 0 : i32
      %dma_wait3A_219 = tpu.memref_slice %arg8[%dma_wait3A_217, %dma_wait3A_218] : memref<10016x128xf32, #tpu.memory_space<vmem_shared>> -> memref<10016x128xf32, #tpu.memory_space<vmem_shared>>
      tpu.wait_indirect_dma semaphore(%run_scoped3A_207 : memref<!tpu.dma_semaphore, #tpu.memory_space<semaphore_mem>>) src(%arg12 : memref<128x128xf32, #tpu.memory_space<vmem>>) dst(%dma_wait3A_219 : memref<10016x128xf32, #tpu.memory_space<vmem_shared>>)
      tpu.yield
    }) : () -> ()
    %dma_wait3A_107 = arith.constant 79 : i32
    %dma_wait3A_108 = arith.constant 0 : i32
    %dma_wait3A_109 = tpu.memref_slice %arg9[%dma_wait3A_107, %dma_wait3A_108] : memref<80x128xi32, #tpu.memory_space<vmem>> -> memref<1x128xi32, #tpu.memory_space<vmem>>
    %dma_wait3A_110 = tpu.memref_squeeze %dma_wait3A_109 : memref<1x128xi32, #tpu.memory_space<vmem>> -> memref<128xi32, #tpu.memory_space<vmem>>
    %dma_wait3A_111 = arith.constant 0 : i32
    %dma_wait3A_112 = arith.constant 0 : i32
    %dma_wait3A_113 = tpu.memref_slice %arg2[%dma_wait3A_111, %dma_wait3A_112] : memref<10000x128xf32, #tpu.memory_space<hbm>> -> memref<10000x128xf32, #tpu.memory_space<hbm>>
    tpu.wait_indirect_dma semaphore(%arg15 : memref<!tpu.dma_semaphore, #tpu.memory_space<semaphore_mem>>) src(%dma_wait3A_113 : memref<10000x128xf32, #tpu.memory_space<hbm>>) dst(%arg13 : memref<128x128xf32, #tpu.memory_space<vmem>>)
    %get3A_114 = arith.constant 5056 : index
    %get3A_115 = tpu.vector_load %arg10[%get3A_114] {strides = array<i32>} : memref<5120xi32, #tpu.memory_space<vmem>>, vector<16xi32>,
    %get3A_116 = vector.shape_cast %get3A_115 : vector<16xi32> to vector<16xi32>
    %and3A_117 = arith.constant 65535 : i32
    %and3A_118 = vector.broadcast %and3A_117 : i32 to vector<16xi32>
    %and3A_119 = arith.andi %get3A_116, %and3A_118 : vector<16xi32>
    %swap3A_120 = arith.constant 1 : i32
    %swap3A_121 = arith.index_cast %swap3A_120 : i32 to index
    %swap3A_122 = arith.constant 0 : index
    %swap3A_123 = tpu.vector_load %arg11[%swap3A_121, %swap3A_122] {strides = array<i32>} : memref<8x128xi32, #tpu.memory_space<vmem>>, vector<1x16xi32>,
    %swap3A_124 = vector.shape_cast %swap3A_123 : vector<1x16xi32> to vector<16xi32>
    %swap3A_125 = vector.shape_cast %and3A_119 : vector<16xi32> to vector<1x16xi32>
    tpu.vector_store %arg11[%swap3A_121, %swap3A_122], %swap3A_125 {strides = array<i32>} : memref<8x128xi32, #tpu.memory_space<vmem>>, vector<1x16xi32>,
    %shift_right_logical3A_126 = arith.constant 16 : i32
    %shift_right_logical3A_127 = vector.broadcast %shift_right_logical3A_126 : i32 to vector<16xi32>
    %shift_right_logical3A_128 = arith.shrui %get3A_116, %shift_right_logical3A_127 : vector<16xi32>
    %swap3A_129 = arith.constant 1 : i32
    %swap3A_130 = arith.index_cast %swap3A_129 : i32 to index
    %swap3A_131 = arith.constant 64 : index
    %swap3A_132 = tpu.vector_load %arg11[%swap3A_130, %swap3A_131] {strides = array<i32>} : memref<8x128xi32, #tpu.memory_space<vmem>>, vector<1x16xi32>,
    %swap3A_133 = vector.shape_cast %swap3A_132 : vector<1x16xi32> to vector<16xi32>
    %swap3A_134 = vector.shape_cast %shift_right_logical3A_128 : vector<16xi32> to vector<1x16xi32>
    tpu.vector_store %arg11[%swap3A_130, %swap3A_131], %swap3A_134 {strides = array<i32>} : memref<8x128xi32, #tpu.memory_space<vmem>>, vector<1x16xi32>,
    %get3A_135 = arith.constant 5072 : index
    %get3A_136 = tpu.vector_load %arg10[%get3A_135] {strides = array<i32>} : memref<5120xi32, #tpu.memory_space<vmem>>, vector<16xi32>,
    %get3A_137 = vector.shape_cast %get3A_136 : vector<16xi32> to vector<16xi32>
    %and3A_138 = arith.constant 65535 : i32
    %and3A_139 = vector.broadcast %and3A_138 : i32 to vector<16xi32>
    %and3A_140 = arith.andi %get3A_137, %and3A_139 : vector<16xi32>
    %swap3A_141 = arith.constant 1 : i32
    %swap3A_142 = arith.index_cast %swap3A_141 : i32 to index
    %swap3A_143 = arith.constant 16 : index
    %swap3A_144 = tpu.vector_load %arg11[%swap3A_142, %swap3A_143] {strides = array<i32>} : memref<8x128xi32, #tpu.memory_space<vmem>>, vector<1x16xi32>,
    %swap3A_145 = vector.shape_cast %swap3A_144 : vector<1x16xi32> to vector<16xi32>
    %swap3A_146 = vector.shape_cast %and3A_140 : vector<16xi32> to vector<1x16xi32>
    tpu.vector_store %arg11[%swap3A_142, %swap3A_143], %swap3A_146 {strides = array<i32>} : memref<8x128xi32, #tpu.memory_space<vmem>>, vector<1x16xi32>,
    %shift_right_logical3A_147 = arith.constant 16 : i32
    %shift_right_logical3A_148 = vector.broadcast %shift_right_logical3A_147 : i32 to vector<16xi32>
    %shift_right_logical3A_149 = arith.shrui %get3A_137, %shift_right_logical3A_148 : vector<16xi32>
    %swap3A_150 = arith.constant 1 : i32
    %swap3A_151 = arith.index_cast %swap3A_150 : i32 to index
    %swap3A_152 = arith.constant 80 : index
    %swap3A_153 = tpu.vector_load %arg11[%swap3A_151, %swap3A_152] {strides = array<i32>} : memref<8x128xi32, #tpu.memory_space<vmem>>, vector<1x16xi32>,
    %swap3A_154 = vector.shape_cast %swap3A_153 : vector<1x16xi32> to vector<16xi32>
    %swap3A_155 = vector.shape_cast %shift_right_logical3A_149 : vector<16xi32> to vector<1x16xi32>
    tpu.vector_store %arg11[%swap3A_151, %swap3A_152], %swap3A_155 {strides = array<i32>} : memref<8x128xi32, #tpu.memory_space<vmem>>, vector<1x16xi32>,
    %get3A_156 = arith.constant 5088 : index
    %get3A_157 = tpu.vector_load %arg10[%get3A_156] {strides = array<i32>} : memref<5120xi32, #tpu.memory_space<vmem>>, vector<16xi32>,
    %get3A_158 = vector.shape_cast %get3A_157 : vector<16xi32> to vector<16xi32>
    %and3A_159 = arith.constant 65535 : i32
    %and3A_160 = vector.broadcast %and3A_159 : i32 to vector<16xi32>
    %and3A_161 = arith.andi %get3A_158, %and3A_160 : vector<16xi32>
    %swap3A_162 = arith.constant 1 : i32
    %swap3A_163 = arith.index_cast %swap3A_162 : i32 to index
    %swap3A_164 = arith.constant 32 : index
    %swap3A_165 = tpu.vector_load %arg11[%swap3A_163, %swap3A_164] {strides = array<i32>} : memref<8x128xi32, #tpu.memory_space<vmem>>, vector<1x16xi32>,
    %swap3A_166 = vector.shape_cast %swap3A_165 : vector<1x16xi32> to vector<16xi32>
    %swap3A_167 = vector.shape_cast %and3A_161 : vector<16xi32> to vector<1x16xi32>
    tpu.vector_store %arg11[%swap3A_163, %swap3A_164], %swap3A_167 {strides = array<i32>} : memref<8x128xi32, #tpu.memory_space<vmem>>, vector<1x16xi32>,
    %shift_right_logical3A_168 = arith.constant 16 : i32
    %shift_right_logical3A_169 = vector.broadcast %shift_right_logical3A_168 : i32 to vector<16xi32>
    %shift_right_logical3A_170 = arith.shrui %get3A_158, %shift_right_logical3A_169 : vector<16xi32>
    %swap3A_171 = arith.constant 1 : i32
    %swap3A_172 = arith.index_cast %swap3A_171 : i32 to index
    %swap3A_173 = arith.constant 96 : index
    %swap3A_174 = tpu.vector_load %arg11[%swap3A_172, %swap3A_173] {strides = array<i32>} : memref<8x128xi32, #tpu.memory_space<vmem>>, vector<1x16xi32>,
    %swap3A_175 = vector.shape_cast %swap3A_174 : vector<1x16xi32> to vector<16xi32>
    %swap3A_176 = vector.shape_cast %shift_right_logical3A_170 : vector<16xi32> to vector<1x16xi32>
    tpu.vector_store %arg11[%swap3A_172, %swap3A_173], %swap3A_176 {strides = array<i32>} : memref<8x128xi32, #tpu.memory_space<vmem>>, vector<1x16xi32>,
    %get3A_177 = arith.constant 5104 : index
    %get3A_178 = tpu.vector_load %arg10[%get3A_177] {strides = array<i32>} : memref<5120xi32, #tpu.memory_space<vmem>>, vector<16xi32>,
    %get3A_179 = vector.shape_cast %get3A_178 : vector<16xi32> to vector<16xi32>
    %and3A_180 = arith.constant 65535 : i32
    %and3A_181 = vector.broadcast %and3A_180 : i32 to vector<16xi32>
    %and3A_182 = arith.andi %get3A_179, %and3A_181 : vector<16xi32>
    %swap3A_183 = arith.constant 1 : i32
    %swap3A_184 = arith.index_cast %swap3A_183 : i32 to index
    %swap3A_185 = arith.constant 48 : index
    %swap3A_186 = tpu.vector_load %arg11[%swap3A_184, %swap3A_185] {strides = array<i32>} : memref<8x128xi32, #tpu.memory_space<vmem>>, vector<1x16xi32>,
    %swap3A_187 = vector.shape_cast %swap3A_186 : vector<1x16xi32> to vector<16xi32>
    %swap3A_188 = vector.shape_cast %and3A_182 : vector<16xi32> to vector<1x16xi32>
    tpu.vector_store %arg11[%swap3A_184, %swap3A_185], %swap3A_188 {strides = array<i32>} : memref<8x128xi32, #tpu.memory_space<vmem>>, vector<1x16xi32>,
    %shift_right_logical3A_189 = arith.constant 16 : i32
    %shift_right_logical3A_190 = vector.broadcast %shift_right_logical3A_189 : i32 to vector<16xi32>
    %shift_right_logical3A_191 = arith.shrui %get3A_179, %shift_right_logical3A_190 : vector<16xi32>
    %swap3A_192 = arith.constant 1 : i32
    %swap3A_193 = arith.index_cast %swap3A_192 : i32 to index
    %swap3A_194 = arith.constant 112 : index
    %swap3A_195 = tpu.vector_load %arg11[%swap3A_193, %swap3A_194] {strides = array<i32>} : memref<8x128xi32, #tpu.memory_space<vmem>>, vector<1x16xi32>,
    %swap3A_196 = vector.shape_cast %swap3A_195 : vector<1x16xi32> to vector<16xi32>
    %swap3A_197 = vector.shape_cast %shift_right_logical3A_191 : vector<16xi32> to vector<1x16xi32>
    tpu.vector_store %arg11[%swap3A_193, %swap3A_194], %swap3A_197 {strides = array<i32>} : memref<8x128xi32, #tpu.memory_space<vmem>>, vector<1x16xi32>,
    %run_scoped3A_198 = arith.constant 1 : i32
    "tpu.region"() ({
      %run_scoped3A_207 = tpu.sem_alloc : memref<!tpu.dma_semaphore, #tpu.memory_space<semaphore_mem>>
      %dma_start3A_208 = arith.constant 0 : i32
      %dma_start3A_209 = tpu.memref_slice %arg11[%run_scoped3A_198, %dma_start3A_208] : memref<8x128xi32, #tpu.memory_space<vmem>> -> memref<1x128xi32, #tpu.memory_space<vmem>>
      %dma_start3A_210 = tpu.memref_squeeze %dma_start3A_209 : memref<1x128xi32, #tpu.memory_space<vmem>> -> memref<128xi32, #tpu.memory_space<vmem>>
      %dma_start3A_211 = arith.constant 0 : i32
      %dma_start3A_212 = arith.constant 0 : i32
      %dma_start3A_213 = tpu.memref_slice %arg8[%dma_start3A_211, %dma_start3A_212] : memref<10016x128xf32, #tpu.memory_space<vmem_shared>> -> memref<10016x128xf32, #tpu.memory_space<vmem_shared>>
      tpu.enqueue_indirect_dma source(%arg13 : memref<128x128xf32, #tpu.memory_space<vmem>>) target(%dma_start3A_213 : memref<10016x128xf32, #tpu.memory_space<vmem_shared>>) offsets(%dma_start3A_210 : memref<128xi32, #tpu.memory_space<vmem>>) semaphore(%run_scoped3A_207 : memref<!tpu.dma_semaphore, #tpu.memory_space<semaphore_mem>>) {add = true}
      %dma_wait3A_214 = arith.constant 0 : i32
      %dma_wait3A_215 = tpu.memref_slice %arg11[%run_scoped3A_198, %dma_wait3A_214] : memref<8x128xi32, #tpu.memory_space<vmem>> -> memref<1x128xi32, #tpu.memory_space<vmem>>
      %dma_wait3A_216 = tpu.memref_squeeze %dma_wait3A_215 : memref<1x128xi32, #tpu.memory_space<vmem>> -> memref<128xi32, #tpu.memory_space<vmem>>
      %dma_wait3A_217 = arith.constant 0 : i32
      %dma_wait3A_218 = arith.constant 0 : i32
      %dma_wait3A_219 = tpu.memref_slice %arg8[%dma_wait3A_217, %dma_wait3A_218] : memref<10016x128xf32, #tpu.memory_space<vmem_shared>> -> memref<10016x128xf32, #tpu.memory_space<vmem_shared>>
      tpu.wait_indirect_dma semaphore(%run_scoped3A_207 : memref<!tpu.dma_semaphore, #tpu.memory_space<semaphore_mem>>) src(%arg13 : memref<128x128xf32, #tpu.memory_space<vmem>>) dst(%dma_wait3A_219 : memref<10016x128xf32, #tpu.memory_space<vmem_shared>>)
      tpu.yield
    }) : () -> ()
    %barrier3A_199 = arith.constant 0 : index
    tpu.barrier barrier_id(%barrier3A_199)
    %eq3A = arith.constant 0 : i32
    %eq3A_200 = arith.cmpi eq, %arg0, %eq3A : i32
    %convert_element_type3A = arith.extui %eq3A_200 : i1 to i32
    %cond3A = arith.constant 0 : i32
    %cond3A_201 = arith.cmpi ne, %convert_element_type3A, %cond3A : i32
    scf.if %cond3A_201 {
      %mul3A_207 = arith.constant 624 : i32
      %mul3A_208 = arith.muli %arg1, %mul3A_207 : i32
      %mul3A_209 = arith.constant 624 : i32
      %mul3A_210 = arith.muli %arg1, %mul3A_209 : i32
      "tpu.region"() ({
        %run_scoped3A_211 = tpu.sem_alloc : memref<!tpu.dma_semaphore, #tpu.memory_space<semaphore_mem>>
        %dma_start3A_212 = arith.constant 0 : i32
        %dma_start3A_213 = tpu.memref_slice %arg6[%mul3A_210, %dma_start3A_212] : memref<10000x128xf32, #tpu.memory_space<hbm>> -> memref<640x128xf32, #tpu.memory_space<hbm>>
        %dma_start3A_214 = arith.constant 0 : i32
        %dma_start3A_215 = tpu.memref_slice %arg8[%mul3A_208, %dma_start3A_214] : memref<10016x128xf32, #tpu.memory_space<vmem_shared>> -> memref<640x128xf32, #tpu.memory_space<vmem_shared>>
        tpu.enqueue_dma source(%dma_start3A_215 : memref<640x128xf32, #tpu.memory_space<vmem_shared>>) target(%dma_start3A_213 : memref<640x128xf32, #tpu.memory_space<hbm>>) target_semaphore(%run_scoped3A_211 : memref<!tpu.dma_semaphore, #tpu.memory_space<semaphore_mem>>)
        %dma_wait3A_216 = arith.constant 0 : i32
        %dma_wait3A_217 = tpu.memref_slice %arg6[%mul3A_210, %dma_wait3A_216] : memref<10000x128xf32, #tpu.memory_space<hbm>> -> memref<640x128xf32, #tpu.memory_space<hbm>>
        %dma_wait3A_218 = arith.constant 0 : i32
        %dma_wait3A_219 = tpu.memref_slice %arg8[%mul3A_208, %dma_wait3A_218] : memref<10016x128xf32, #tpu.memory_space<vmem_shared>> -> memref<640x128xf32, #tpu.memory_space<vmem_shared>>
        tpu.wait_dma2 semaphore(%run_scoped3A_211 : memref<!tpu.dma_semaphore, #tpu.memory_space<semaphore_mem>>) src(%dma_wait3A_219 : memref<640x128xf32, #tpu.memory_space<vmem_shared>>) dst(%dma_wait3A_217 : memref<640x128xf32, #tpu.memory_space<hbm>>)
        tpu.yield
      }) : () -> ()
    } else {
    }
    %eq3A_202 = arith.constant 1 : i32
    %eq3A_203 = arith.cmpi eq, %arg0, %eq3A_202 : i32
    %convert_element_type3A_204 = arith.extui %eq3A_203 : i1 to i32
    %cond3A_205 = arith.constant 0 : i32
    %cond3A_206 = arith.cmpi ne, %convert_element_type3A_204, %cond3A_205 : i32
    scf.if %cond3A_206 {
      %mul3A_207 = arith.constant 624 : i32
      %mul3A_208 = arith.muli %arg1, %mul3A_207 : i32
      %mul3A_209 = arith.constant 624 : i32
      %mul3A_210 = arith.muli %arg1, %mul3A_209 : i32
      "tpu.region"() ({
        %run_scoped3A_211 = tpu.sem_alloc : memref<!tpu.dma_semaphore, #tpu.memory_space<semaphore_mem>>
        %dma_start3A_212 = arith.constant 0 : i32
        %dma_start3A_213 = tpu.memref_slice %arg7[%mul3A_210, %dma_start3A_212] : memref<10000x128xf32, #tpu.memory_space<hbm>> -> memref<640x128xf32, #tpu.memory_space<hbm>>
        %dma_start3A_214 = arith.constant 0 : i32
        %dma_start3A_215 = tpu.memref_slice %arg8[%mul3A_208, %dma_start3A_214] : memref<10016x128xf32, #tpu.memory_space<vmem_shared>> -> memref<640x128xf32, #tpu.memory_space<vmem_shared>>
        tpu.enqueue_dma source(%dma_start3A_215 : memref<640x128xf32, #tpu.memory_space<vmem_shared>>) target(%dma_start3A_213 : memref<640x128xf32, #tpu.memory_space<hbm>>) target_semaphore(%run_scoped3A_211 : memref<!tpu.dma_semaphore, #tpu.memory_space<semaphore_mem>>)
        %dma_wait3A_216 = arith.constant 0 : i32
        %dma_wait3A_217 = tpu.memref_slice %arg7[%mul3A_210, %dma_wait3A_216] : memref<10000x128xf32, #tpu.memory_space<hbm>> -> memref<640x128xf32, #tpu.memory_space<hbm>>
        %dma_wait3A_218 = arith.constant 0 : i32
        %dma_wait3A_219 = tpu.memref_slice %arg8[%mul3A_208, %dma_wait3A_218] : memref<10016x128xf32, #tpu.memory_space<vmem_shared>> -> memref<640x128xf32, #tpu.memory_space<vmem_shared>>
        tpu.wait_dma2 semaphore(%run_scoped3A_211 : memref<!tpu.dma_semaphore, #tpu.memory_space<semaphore_mem>>) src(%dma_wait3A_219 : memref<640x128xf32, #tpu.memory_space<vmem_shared>>) dst(%dma_wait3A_217 : memref<640x128xf32, #tpu.memory_space<hbm>>)
        tpu.yield
      }) : () -> ()
    } else {
    }
    return
  }
}

#map = affine_map<(d0, d1) -> (0, 0)>
#map1 = affine_map<(d0, d1) -> (0, 0, 0)>
module attributes {stable_mosaic.version = 14 : i64} {
  func.func @seg_sum(%arg0: i32, %arg1: i32, %arg2: memref<10000x128xf32, #tpu.memory_space<hbm>>, %arg3: memref<32x80x128xi32, #tpu.memory_space<hbm>>, %arg4: memref<32x5120xi32, #tpu.memory_space<hbm>>, %arg5: memref<640x128xf32, #tpu.memory_space<hbm>>, %arg6: memref<10000x128xf32, #tpu.memory_space<hbm>>, %arg7: memref<10000x128xf32, #tpu.memory_space<hbm>>, %arg8: memref<10016x128xf32, #tpu.memory_space<vmem_shared>>, %arg9: memref<80x128xi32, #tpu.memory_space<vmem>>, %arg10: memref<5120xi32, #tpu.memory_space<vmem>>, %arg11: memref<8x128xi32, #tpu.memory_space<vmem>>, %arg12: memref<128x128xf32, #tpu.memory_space<vmem>>, %arg13: memref<128x128xf32, #tpu.memory_space<vmem>>, %arg14: memref<!tpu.dma_semaphore, #tpu.memory_space<semaphore_mem>>, %arg15: memref<!tpu.dma_semaphore, #tpu.memory_space<semaphore_mem>>) attributes {dimension_semantics = [#tpu.dimension_semantics<core_parallel>, #tpu.dimension_semantics<subcore_parallel>], iteration_bounds = array<i64: 2, 16>, scalar_prefetch = 0 : i64, scratch_operands = 8 : i64, tpu.core_type = #tpu.core_type<sc_vector_subcore>, window_params = [{transform_indices = #map}, {transform_indices = #map1}, {transform_indices = #map}, {transform_indices = #map}, {transform_indices = #map}, {transform_indices = #map}]} {
    %mul3A = arith.constant 2 : i32
    %mul3A_0 = arith.muli %arg1, %mul3A : i32
    %add3A = arith.addi %mul3A_0, %arg0 : i32
    %mul3A_1 = arith.constant 624 : i32
    %mul3A_2 = arith.muli %arg1, %mul3A_1 : i32
    "tpu.region"() ({
      %run_scoped3A_207 = tpu.sem_alloc : memref<!tpu.dma_semaphore, #tpu.memory_space<semaphore_mem>>
      %dma_start3A_208 = arith.constant 0 : i32
      %dma_start3A_209 = tpu.memref_slice %arg8[%mul3A_2, %dma_start3A_208] : memref<10016x128xf32, #tpu.memory_space<vmem_shared>> -> memref<640x128xf32, #tpu.memory_space<vmem_shared>>
      tpu.enqueue_dma source(%arg5 : memref<640x128xf32, #tpu.memory_space<hbm>>) target(%dma_start3A_209 : memref<640x128xf32, #tpu.memory_space<vmem_shared>>) target_semaphore(%run_scoped3A_207 : memref<!tpu.dma_semaphore, #tpu.memory_space<semaphore_mem>>)
      %dma_wait3A_210 = arith.constant 0 : i32
      %dma_wait3A_211 = tpu.memref_slice %arg8[%mul3A_2, %dma_wait3A_210] : memref<10016x128xf32, #tpu.memory_space<vmem_shared>> -> memref<640x128xf32, #tpu.memory_space<vmem_shared>>
      tpu.wait_dma2 semaphore(%run_scoped3A_207 : memref<!tpu.dma_semaphore, #tpu.memory_space<semaphore_mem>>) src(%arg5 : memref<640x128xf32, #tpu.memory_space<hbm>>) dst(%dma_wait3A_211 : memref<640x128xf32, #tpu.memory_space<vmem_shared>>)
      tpu.yield
    }) : () -> ()
    "tpu.region"() ({
      %run_scoped3A_207 = tpu.sem_alloc : memref<!tpu.dma_semaphore, #tpu.memory_space<semaphore_mem>>
      %dma_start3A_208 = arith.constant 0 : i32
      %dma_start3A_209 = arith.constant 0 : i32
      %dma_start3A_210 = tpu.memref_slice %arg3[%add3A, %dma_start3A_208, %dma_start3A_209] : memref<32x80x128xi32, #tpu.memory_space<hbm>> -> memref<1x80x128xi32, #tpu.memory_space<hbm>>
      %dma_start3A_211 = tpu.memref_squeeze %dma_start3A_210 : memref<1x80x128xi32, #tpu.memory_space<hbm>> -> memref<80x128xi32, #tpu.memory_space<hbm>>
      %dma_start3A_212 = arith.constant 0 : i32
      %dma_start3A_213 = arith.constant 0 : i32
      %dma_start3A_214 = tpu.memref_slice %arg3[%add3A, %dma_start3A_212, %dma_start3A_213] : memref<32x80x128xi32, #tpu.memory_space<hbm>> -> memref<1x80x128xi32, #tpu.memory_space<hbm>>
      %dma_start3A_215 = tpu.memref_squeeze %dma_start3A_214 : memref<1x80x128xi32, #tpu.memory_space<hbm>> -> memref<80x128xi32, #tpu.memory_space<hbm>>
      tpu.enqueue_dma source(%dma_start3A_215 : memref<80x128xi32, #tpu.memory_space<hbm>>) target(%arg9 : memref<80x128xi32, #tpu.memory_space<vmem>>) target_semaphore(%run_scoped3A_207 : memref<!tpu.dma_semaphore, #tpu.memory_space<semaphore_mem>>)
      %dma_wait3A_216 = arith.constant 0 : i32
      %dma_wait3A_217 = arith.constant 0 : i32
      %dma_wait3A_218 = tpu.memref_slice %arg3[%add3A, %dma_wait3A_216, %dma_wait3A_217] : memref<32x80x128xi32, #tpu.memory_space<hbm>> -> memref<1x80x128xi32, #tpu.memory_space<hbm>>
      %dma_wait3A_219 = tpu.memref_squeeze %dma_wait3A_218 : memref<1x80x128xi32, #tpu.memory_space<hbm>> -> memref<80x128xi32, #tpu.memory_space<hbm>>
      %dma_wait3A_220 = arith.constant 0 : i32
      %dma_wait3A_221 = arith.constant 0 : i32
      %dma_wait3A_222 = tpu.memref_slice %arg3[%add3A, %dma_wait3A_220, %dma_wait3A_221] : memref<32x80x128xi32, #tpu.memory_space<hbm>> -> memref<1x80x128xi32, #tpu.memory_space<hbm>>
      %dma_wait3A_223 = tpu.memref_squeeze %dma_wait3A_222 : memref<1x80x128xi32, #tpu.memory_space<hbm>> -> memref<80x128xi32, #tpu.memory_space<hbm>>
      tpu.wait_dma2 semaphore(%run_scoped3A_207 : memref<!tpu.dma_semaphore, #tpu.memory_space<semaphore_mem>>) src(%dma_wait3A_223 : memref<80x128xi32, #tpu.memory_space<hbm>>) dst(%arg9 : memref<80x128xi32, #tpu.memory_space<vmem>>)
      tpu.yield
    }) : () -> ()
    "tpu.region"() ({
      %run_scoped3A_207 = tpu.sem_alloc : memref<!tpu.dma_semaphore, #tpu.memory_space<semaphore_mem>>
      %dma_start3A_208 = arith.constant 0 : i32
      %dma_start3A_209 = tpu.memref_slice %arg4[%add3A, %dma_start3A_208] : memref<32x5120xi32, #tpu.memory_space<hbm>> -> memref<1x5120xi32, #tpu.memory_space<hbm>>
      %dma_start3A_210 = tpu.memref_squeeze %dma_start3A_209 : memref<1x5120xi32, #tpu.memory_space<hbm>> -> memref<5120xi32, #tpu.memory_space<hbm>>
      %dma_start3A_211 = arith.constant 0 : i32
      %dma_start3A_212 = tpu.memref_slice %arg4[%add3A, %dma_start3A_211] : memref<32x5120xi32, #tpu.memory_space<hbm>> -> memref<1x5120xi32, #tpu.memory_space<hbm>>
      %dma_start3A_213 = tpu.memref_squeeze %dma_start3A_212 : memref<1x5120xi32, #tpu.memory_space<hbm>> -> memref<5120xi32, #tpu.memory_space<hbm>>
      tpu.enqueue_dma source(%dma_start3A_213 : memref<5120xi32, #tpu.memory_space<hbm>>) target(%arg10 : memref<5120xi32, #tpu.memory_space<vmem>>) target_semaphore(%run_scoped3A_207 : memref<!tpu.dma_semaphore, #tpu.memory_space<semaphore_mem>>)
      %dma_wait3A_214 = arith.constant 0 : i32
      %dma_wait3A_215 = tpu.memref_slice %arg4[%add3A, %dma_wait3A_214] : memref<32x5120xi32, #tpu.memory_space<hbm>> -> memref<1x5120xi32, #tpu.memory_space<hbm>>
      %dma_wait3A_216 = tpu.memref_squeeze %dma_wait3A_215 : memref<1x5120xi32, #tpu.memory_space<hbm>> -> memref<5120xi32, #tpu.memory_space<hbm>>
      %dma_wait3A_217 = arith.constant 0 : i32
      %dma_wait3A_218 = tpu.memref_slice %arg4[%add3A, %dma_wait3A_217] : memref<32x5120xi32, #tpu.memory_space<hbm>> -> memref<1x5120xi32, #tpu.memory_space<hbm>>
      %dma_wait3A_219 = tpu.memref_squeeze %dma_wait3A_218 : memref<1x5120xi32, #tpu.memory_space<hbm>> -> memref<5120xi32, #tpu.memory_space<hbm>>
      tpu.wait_dma2 semaphore(%run_scoped3A_207 : memref<!tpu.dma_semaphore, #tpu.memory_space<semaphore_mem>>) src(%dma_wait3A_219 : memref<5120xi32, #tpu.memory_space<hbm>>) dst(%arg10 : memref<5120xi32, #tpu.memory_space<vmem>>)
      tpu.yield
    }) : () -> ()
    %barrier3A = arith.constant 0 : index
    tpu.barrier barrier_id(%barrier3A)
    %dma_start3A = arith.constant 0 : i32
    %dma_start3A_3 = arith.constant 0 : i32
    %dma_start3A_4 = tpu.memref_slice %arg9[%dma_start3A, %dma_start3A_3] : memref<80x128xi32, #tpu.memory_space<vmem>> -> memref<1x128xi32, #tpu.memory_space<vmem>>
    %dma_start3A_5 = tpu.memref_squeeze %dma_start3A_4 : memref<1x128xi32, #tpu.memory_space<vmem>> -> memref<128xi32, #tpu.memory_space<vmem>>
    %dma_start3A_6 = arith.constant 0 : i32
    %dma_start3A_7 = arith.constant 0 : i32
    %dma_start3A_8 = tpu.memref_slice %arg2[%dma_start3A_6, %dma_start3A_7] : memref<10000x128xf32, #tpu.memory_space<hbm>> -> memref<10000x128xf32, #tpu.memory_space<hbm>>
    tpu.enqueue_indirect_dma source(%dma_start3A_8 : memref<10000x128xf32, #tpu.memory_space<hbm>>) target(%arg12 : memref<128x128xf32, #tpu.memory_space<vmem>>) offsets(%dma_start3A_5 : memref<128xi32, #tpu.memory_space<vmem>>) semaphore(%arg14 : memref<!tpu.dma_semaphore, #tpu.memory_space<semaphore_mem>>)
    %scan3A = arith.constant 0 : i32
    %scan3A_9 = arith.constant 0 : i32
    %scan3A_10 = arith.constant 39 : i32
    %scan3A_11 = arith.addi %scan3A_9, %scan3A_10 : i32
    %scan3A_12 = arith.constant 1 : i32
    scf.for %scan3A_207 = %scan3A_9 to %scan3A_11 step %scan3A_12  : i32 {
      %mul3A_208 = arith.constant 2 : i32
      %mul3A_209 = arith.muli %mul3A_208, %scan3A_207 : i32
      %dma_wait3A_210 = arith.constant 0 : i32
      %dma_wait3A_211 = tpu.memref_slice %arg9[%mul3A_209, %dma_wait3A_210] : memref<80x128xi32, #tpu.memory_space<vmem>> -> memref<1x128xi32, #tpu.memory_space<vmem>>
      %dma_wait3A_212 = tpu.memref_squeeze %dma_wait3A_211 : memref<1x128xi32, #tpu.memory_space<vmem>> -> memref<128xi32, #tpu.memory_space<vmem>>
      %dma_wait3A_213 = arith.constant 0 : i32
      %dma_wait3A_214 = arith.constant 0 : i32
      %dma_wait3A_215 = tpu.memref_slice %arg2[%dma_wait3A_213, %dma_wait3A_214] : memref<10000x128xf32, #tpu.memory_space<hbm>> -> memref<10000x128xf32, #tpu.memory_space<hbm>>
      tpu.wait_indirect_dma semaphore(%arg14 : memref<!tpu.dma_semaphore, #tpu.memory_space<semaphore_mem>>) src(%dma_wait3A_215 : memref<10000x128xf32, #tpu.memory_space<hbm>>) dst(%arg12 : memref<128x128xf32, #tpu.memory_space<vmem>>)
      %add3A_216 = arith.constant 1 : i32
      %add3A_217 = arith.addi %mul3A_209, %add3A_216 : i32
      %dma_start3A_218 = arith.constant 0 : i32
      %dma_start3A_219 = tpu.memref_slice %arg9[%add3A_217, %dma_start3A_218] : memref<80x128xi32, #tpu.memory_space<vmem>> -> memref<1x128xi32, #tpu.memory_space<vmem>>
      %dma_start3A_220 = tpu.memref_squeeze %dma_start3A_219 : memref<1x128xi32, #tpu.memory_space<vmem>> -> memref<128xi32, #tpu.memory_space<vmem>>
      %dma_start3A_221 = arith.constant 0 : i32
      %dma_start3A_222 = arith.constant 0 : i32
      %dma_start3A_223 = tpu.memref_slice %arg2[%dma_start3A_221, %dma_start3A_222] : memref<10000x128xf32, #tpu.memory_space<hbm>> -> memref<10000x128xf32, #tpu.memory_space<hbm>>
      tpu.enqueue_indirect_dma source(%dma_start3A_223 : memref<10000x128xf32, #tpu.memory_space<hbm>>) target(%arg13 : memref<128x128xf32, #tpu.memory_space<vmem>>) offsets(%dma_start3A_220 : memref<128xi32, #tpu.memory_space<vmem>>) semaphore(%arg15 : memref<!tpu.dma_semaphore, #tpu.memory_space<semaphore_mem>>)
      %mul3A_224 = arith.constant 64 : i32
      %mul3A_225 = arith.muli %mul3A_209, %mul3A_224 : i32
      %add3A_226 = arith.constant 0 : i32
      %add3A_227 = arith.addi %mul3A_225, %add3A_226 : i32
      %get3A_228 = arith.index_cast %add3A_227 : i32 to index
      %get3A_229 = tpu.vector_load %arg10[%get3A_228] {strides = array<i32>} : memref<5120xi32, #tpu.memory_space<vmem>>, vector<16xi32>,
      %get3A_230 = vector.shape_cast %get3A_229 : vector<16xi32> to vector<16xi32>
      %and3A_231 = arith.constant 65535 : i32
      %and3A_232 = vector.broadcast %and3A_231 : i32 to vector<16xi32>
      %and3A_233 = arith.andi %get3A_230, %and3A_232 : vector<16xi32>
      %swap3A_234 = arith.constant 0 : i32
      %swap3A_235 = arith.index_cast %swap3A_234 : i32 to index
      %swap3A_236 = arith.constant 0 : index
      %swap3A_237 = tpu.vector_load %arg11[%swap3A_235, %swap3A_236] {strides = array<i32>} : memref<8x128xi32, #tpu.memory_space<vmem>>, vector<1x16xi32>,
      %swap3A_238 = vector.shape_cast %swap3A_237 : vector<1x16xi32> to vector<16xi32>
      %swap3A_239 = vector.shape_cast %and3A_233 : vector<16xi32> to vector<1x16xi32>
      tpu.vector_store %arg11[%swap3A_235, %swap3A_236], %swap3A_239 {strides = array<i32>} : memref<8x128xi32, #tpu.memory_space<vmem>>, vector<1x16xi32>,
      %shift_right_logical3A_240 = arith.constant 16 : i32
      %shift_right_logical3A_241 = vector.broadcast %shift_right_logical3A_240 : i32 to vector<16xi32>
      %shift_right_logical3A_242 = arith.shrui %get3A_230, %shift_right_logical3A_241 : vector<16xi32>
      %swap3A_243 = arith.constant 0 : i32
      %swap3A_244 = arith.index_cast %swap3A_243 : i32 to index
      %swap3A_245 = arith.constant 64 : index
      %swap3A_246 = tpu.vector_load %arg11[%swap3A_244, %swap3A_245] {strides = array<i32>} : memref<8x128xi32, #tpu.memory_space<vmem>>, vector<1x16xi32>,
      %swap3A_247 = vector.shape_cast %swap3A_246 : vector<1x16xi32> to vector<16xi32>
      %swap3A_248 = vector.shape_cast %shift_right_logical3A_242 : vector<16xi32> to vector<1x16xi32>
      tpu.vector_store %arg11[%swap3A_244, %swap3A_245], %swap3A_248 {strides = array<i32>} : memref<8x128xi32, #tpu.memory_space<vmem>>, vector<1x16xi32>,
      %add3A_249 = arith.constant 16 : i32
      %add3A_250 = arith.addi %mul3A_225, %add3A_249 : i32
      %get3A_251 = arith.index_cast %add3A_250 : i32 to index
      %get3A_252 = tpu.vector_load %arg10[%get3A_251] {strides = array<i32>} : memref<5120xi32, #tpu.memory_space<vmem>>, vector<16xi32>,
      %get3A_253 = vector.shape_cast %get3A_252 : vector<16xi32> to vector<16xi32>
      %and3A_254 = arith.constant 65535 : i32
      %and3A_255 = vector.broadcast %and3A_254 : i32 to vector<16xi32>
      %and3A_256 = arith.andi %get3A_253, %and3A_255 : vector<16xi32>
      %swap3A_257 = arith.constant 0 : i32
      %swap3A_258 = arith.index_cast %swap3A_257 : i32 to index
      %swap3A_259 = arith.constant 16 : index
      %swap3A_260 = tpu.vector_load %arg11[%swap3A_258, %swap3A_259] {strides = array<i32>} : memref<8x128xi32, #tpu.memory_space<vmem>>, vector<1x16xi32>,
      %swap3A_261 = vector.shape_cast %swap3A_260 : vector<1x16xi32> to vector<16xi32>
      %swap3A_262 = vector.shape_cast %and3A_256 : vector<16xi32> to vector<1x16xi32>
      tpu.vector_store %arg11[%swap3A_258, %swap3A_259], %swap3A_262 {strides = array<i32>} : memref<8x128xi32, #tpu.memory_space<vmem>>, vector<1x16xi32>,
      %shift_right_logical3A_263 = arith.constant 16 : i32
      %shift_right_logical3A_264 = vector.broadcast %shift_right_logical3A_263 : i32 to vector<16xi32>
      %shift_right_logical3A_265 = arith.shrui %get3A_253, %shift_right_logical3A_264 : vector<16xi32>
      %swap3A_266 = arith.constant 0 : i32
      %swap3A_267 = arith.index_cast %swap3A_266 : i32 to index
      %swap3A_268 = arith.constant 80 : index
      %swap3A_269 = tpu.vector_load %arg11[%swap3A_267, %swap3A_268] {strides = array<i32>} : memref<8x128xi32, #tpu.memory_space<vmem>>, vector<1x16xi32>,
      %swap3A_270 = vector.shape_cast %swap3A_269 : vector<1x16xi32> to vector<16xi32>
      %swap3A_271 = vector.shape_cast %shift_right_logical3A_265 : vector<16xi32> to vector<1x16xi32>
      tpu.vector_store %arg11[%swap3A_267, %swap3A_268], %swap3A_271 {strides = array<i32>} : memref<8x128xi32, #tpu.memory_space<vmem>>, vector<1x16xi32>,
      %add3A_272 = arith.constant 32 : i32
      %add3A_273 = arith.addi %mul3A_225, %add3A_272 : i32
      %get3A_274 = arith.index_cast %add3A_273 : i32 to index
      %get3A_275 = tpu.vector_load %arg10[%get3A_274] {strides = array<i32>} : memref<5120xi32, #tpu.memory_space<vmem>>, vector<16xi32>,
      %get3A_276 = vector.shape_cast %get3A_275 : vector<16xi32> to vector<16xi32>
      %and3A_277 = arith.constant 65535 : i32
      %and3A_278 = vector.broadcast %and3A_277 : i32 to vector<16xi32>
      %and3A_279 = arith.andi %get3A_276, %and3A_278 : vector<16xi32>
      %swap3A_280 = arith.constant 0 : i32
      %swap3A_281 = arith.index_cast %swap3A_280 : i32 to index
      %swap3A_282 = arith.constant 32 : index
      %swap3A_283 = tpu.vector_load %arg11[%swap3A_281, %swap3A_282] {strides = array<i32>} : memref<8x128xi32, #tpu.memory_space<vmem>>, vector<1x16xi32>,
      %swap3A_284 = vector.shape_cast %swap3A_283 : vector<1x16xi32> to vector<16xi32>
      %swap3A_285 = vector.shape_cast %and3A_279 : vector<16xi32> to vector<1x16xi32>
      tpu.vector_store %arg11[%swap3A_281, %swap3A_282], %swap3A_285 {strides = array<i32>} : memref<8x128xi32, #tpu.memory_space<vmem>>, vector<1x16xi32>,
      %shift_right_logical3A_286 = arith.constant 16 : i32
      %shift_right_logical3A_287 = vector.broadcast %shift_right_logical3A_286 : i32 to vector<16xi32>
      %shift_right_logical3A_288 = arith.shrui %get3A_276, %shift_right_logical3A_287 : vector<16xi32>
      %swap3A_289 = arith.constant 0 : i32
      %swap3A_290 = arith.index_cast %swap3A_289 : i32 to index
      %swap3A_291 = arith.constant 96 : index
      %swap3A_292 = tpu.vector_load %arg11[%swap3A_290, %swap3A_291] {strides = array<i32>} : memref<8x128xi32, #tpu.memory_space<vmem>>, vector<1x16xi32>,
      %swap3A_293 = vector.shape_cast %swap3A_292 : vector<1x16xi32> to vector<16xi32>
      %swap3A_294 = vector.shape_cast %shift_right_logical3A_288 : vector<16xi32> to vector<1x16xi32>
      tpu.vector_store %arg11[%swap3A_290, %swap3A_291], %swap3A_294 {strides = array<i32>} : memref<8x128xi32, #tpu.memory_space<vmem>>, vector<1x16xi32>,
      %add3A_295 = arith.constant 48 : i32
      %add3A_296 = arith.addi %mul3A_225, %add3A_295 : i32
      %get3A_297 = arith.index_cast %add3A_296 : i32 to index
      %get3A_298 = tpu.vector_load %arg10[%get3A_297] {strides = array<i32>} : memref<5120xi32, #tpu.memory_space<vmem>>, vector<16xi32>,
      %get3A_299 = vector.shape_cast %get3A_298 : vector<16xi32> to vector<16xi32>
      %and3A_300 = arith.constant 65535 : i32
      %and3A_301 = vector.broadcast %and3A_300 : i32 to vector<16xi32>
      %and3A_302 = arith.andi %get3A_299, %and3A_301 : vector<16xi32>
      %swap3A_303 = arith.constant 0 : i32
      %swap3A_304 = arith.index_cast %swap3A_303 : i32 to index
      %swap3A_305 = arith.constant 48 : index
      %swap3A_306 = tpu.vector_load %arg11[%swap3A_304, %swap3A_305] {strides = array<i32>} : memref<8x128xi32, #tpu.memory_space<vmem>>, vector<1x16xi32>,
      %swap3A_307 = vector.shape_cast %swap3A_306 : vector<1x16xi32> to vector<16xi32>
      %swap3A_308 = vector.shape_cast %and3A_302 : vector<16xi32> to vector<1x16xi32>
      tpu.vector_store %arg11[%swap3A_304, %swap3A_305], %swap3A_308 {strides = array<i32>} : memref<8x128xi32, #tpu.memory_space<vmem>>, vector<1x16xi32>,
      %shift_right_logical3A_309 = arith.constant 16 : i32
      %shift_right_logical3A_310 = vector.broadcast %shift_right_logical3A_309 : i32 to vector<16xi32>
      %shift_right_logical3A_311 = arith.shrui %get3A_299, %shift_right_logical3A_310 : vector<16xi32>
      %swap3A_312 = arith.constant 0 : i32
      %swap3A_313 = arith.index_cast %swap3A_312 : i32 to index
      %swap3A_314 = arith.constant 112 : index
      %swap3A_315 = tpu.vector_load %arg11[%swap3A_313, %swap3A_314] {strides = array<i32>} : memref<8x128xi32, #tpu.memory_space<vmem>>, vector<1x16xi32>,
      %swap3A_316 = vector.shape_cast %swap3A_315 : vector<1x16xi32> to vector<16xi32>
      %swap3A_317 = vector.shape_cast %shift_right_logical3A_311 : vector<16xi32> to vector<1x16xi32>
      tpu.vector_store %arg11[%swap3A_313, %swap3A_314], %swap3A_317 {strides = array<i32>} : memref<8x128xi32, #tpu.memory_space<vmem>>, vector<1x16xi32>,
      %run_scoped3A_318 = arith.constant 0 : i32
      "tpu.region"() ({
        %run_scoped3A_432 = tpu.sem_alloc : memref<!tpu.dma_semaphore, #tpu.memory_space<semaphore_mem>>
        %dma_start3A_433 = arith.constant 0 : i32
        %dma_start3A_434 = tpu.memref_slice %arg11[%run_scoped3A_318, %dma_start3A_433] : memref<8x128xi32, #tpu.memory_space<vmem>> -> memref<1x128xi32, #tpu.memory_space<vmem>>
        %dma_start3A_435 = tpu.memref_squeeze %dma_start3A_434 : memref<1x128xi32, #tpu.memory_space<vmem>> -> memref<128xi32, #tpu.memory_space<vmem>>
        %dma_start3A_436 = arith.constant 0 : i32
        %dma_start3A_437 = arith.constant 0 : i32
        %dma_start3A_438 = tpu.memref_slice %arg8[%dma_start3A_436, %dma_start3A_437] : memref<10016x128xf32, #tpu.memory_space<vmem_shared>> -> memref<10016x128xf32, #tpu.memory_space<vmem_shared>>
        tpu.enqueue_indirect_dma source(%arg12 : memref<128x128xf32, #tpu.memory_space<vmem>>) target(%dma_start3A_438 : memref<10016x128xf32, #tpu.memory_space<vmem_shared>>) offsets(%dma_start3A_435 : memref<128xi32, #tpu.memory_space<vmem>>) semaphore(%run_scoped3A_432 : memref<!tpu.dma_semaphore, #tpu.memory_space<semaphore_mem>>) {add = true}
        %dma_wait3A_439 = arith.constant 0 : i32
        %dma_wait3A_440 = tpu.memref_slice %arg11[%run_scoped3A_318, %dma_wait3A_439] : memref<8x128xi32, #tpu.memory_space<vmem>> -> memref<1x128xi32, #tpu.memory_space<vmem>>
        %dma_wait3A_441 = tpu.memref_squeeze %dma_wait3A_440 : memref<1x128xi32, #tpu.memory_space<vmem>> -> memref<128xi32, #tpu.memory_space<vmem>>
        %dma_wait3A_442 = arith.constant 0 : i32
        %dma_wait3A_443 = arith.constant 0 : i32
        %dma_wait3A_444 = tpu.memref_slice %arg8[%dma_wait3A_442, %dma_wait3A_443] : memref<10016x128xf32, #tpu.memory_space<vmem_shared>> -> memref<10016x128xf32, #tpu.memory_space<vmem_shared>>
        tpu.wait_indirect_dma semaphore(%run_scoped3A_432 : memref<!tpu.dma_semaphore, #tpu.memory_space<semaphore_mem>>) src(%arg12 : memref<128x128xf32, #tpu.memory_space<vmem>>) dst(%dma_wait3A_444 : memref<10016x128xf32, #tpu.memory_space<vmem_shared>>)
        tpu.yield
      }) : () -> ()
      %add3A_319 = arith.constant 1 : i32
      %add3A_320 = arith.addi %mul3A_209, %add3A_319 : i32
      %dma_wait3A_321 = arith.constant 0 : i32
      %dma_wait3A_322 = tpu.memref_slice %arg9[%add3A_320, %dma_wait3A_321] : memref<80x128xi32, #tpu.memory_space<vmem>> -> memref<1x128xi32, #tpu.memory_space<vmem>>
      %dma_wait3A_323 = tpu.memref_squeeze %dma_wait3A_322 : memref<1x128xi32, #tpu.memory_space<vmem>> -> memref<128xi32, #tpu.memory_space<vmem>>
      %dma_wait3A_324 = arith.constant 0 : i32
      %dma_wait3A_325 = arith.constant 0 : i32
      %dma_wait3A_326 = tpu.memref_slice %arg2[%dma_wait3A_324, %dma_wait3A_325] : memref<10000x128xf32, #tpu.memory_space<hbm>> -> memref<10000x128xf32, #tpu.memory_space<hbm>>
      tpu.wait_indirect_dma semaphore(%arg15 : memref<!tpu.dma_semaphore, #tpu.memory_space<semaphore_mem>>) src(%dma_wait3A_326 : memref<10000x128xf32, #tpu.memory_space<hbm>>) dst(%arg13 : memref<128x128xf32, #tpu.memory_space<vmem>>)
      %add3A_327 = arith.constant 2 : i32
      %add3A_328 = arith.addi %mul3A_209, %add3A_327 : i32
      %dma_start3A_329 = arith.constant 0 : i32
      %dma_start3A_330 = tpu.memref_slice %arg9[%add3A_328, %dma_start3A_329] : memref<80x128xi32, #tpu.memory_space<vmem>> -> memref<1x128xi32, #tpu.memory_space<vmem>>
      %dma_start3A_331 = tpu.memref_squeeze %dma_start3A_330 : memref<1x128xi32, #tpu.memory_space<vmem>> -> memref<128xi32, #tpu.memory_space<vmem>>
      %dma_start3A_332 = arith.constant 0 : i32
      %dma_start3A_333 = arith.constant 0 : i32
      %dma_start3A_334 = tpu.memref_slice %arg2[%dma_start3A_332, %dma_start3A_333] : memref<10000x128xf32, #tpu.memory_space<hbm>> -> memref<10000x128xf32, #tpu.memory_space<hbm>>
      tpu.enqueue_indirect_dma source(%dma_start3A_334 : memref<10000x128xf32, #tpu.memory_space<hbm>>) target(%arg12 : memref<128x128xf32, #tpu.memory_space<vmem>>) offsets(%dma_start3A_331 : memref<128xi32, #tpu.memory_space<vmem>>) semaphore(%arg14 : memref<!tpu.dma_semaphore, #tpu.memory_space<semaphore_mem>>)
      %add3A_335 = arith.constant 1 : i32
      %add3A_336 = arith.addi %mul3A_209, %add3A_335 : i32
      %mul3A_337 = arith.constant 64 : i32
      %mul3A_338 = arith.muli %add3A_336, %mul3A_337 : i32
      %add3A_339 = arith.constant 0 : i32
      %add3A_340 = arith.addi %mul3A_338, %add3A_339 : i32
      %get3A_341 = arith.index_cast %add3A_340 : i32 to index
      %get3A_342 = tpu.vector_load %arg10[%get3A_341] {strides = array<i32>} : memref<5120xi32, #tpu.memory_space<vmem>>, vector<16xi32>,
      %get3A_343 = vector.shape_cast %get3A_342 : vector<16xi32> to vector<16xi32>
      %and3A_344 = arith.constant 65535 : i32
      %and3A_345 = vector.broadcast %and3A_344 : i32 to vector<16xi32>
      %and3A_346 = arith.andi %get3A_343, %and3A_345 : vector<16xi32>
      %swap3A_347 = arith.constant 1 : i32
      %swap3A_348 = arith.index_cast %swap3A_347 : i32 to index
      %swap3A_349 = arith.constant 0 : index
      %swap3A_350 = tpu.vector_load %arg11[%swap3A_348, %swap3A_349] {strides = array<i32>} : memref<8x128xi32, #tpu.memory_space<vmem>>, vector<1x16xi32>,
      %swap3A_351 = vector.shape_cast %swap3A_350 : vector<1x16xi32> to vector<16xi32>
      %swap3A_352 = vector.shape_cast %and3A_346 : vector<16xi32> to vector<1x16xi32>
      tpu.vector_store %arg11[%swap3A_348, %swap3A_349], %swap3A_352 {strides = array<i32>} : memref<8x128xi32, #tpu.memory_space<vmem>>, vector<1x16xi32>,
      %shift_right_logical3A_353 = arith.constant 16 : i32
      %shift_right_logical3A_354 = vector.broadcast %shift_right_logical3A_353 : i32 to vector<16xi32>
      %shift_right_logical3A_355 = arith.shrui %get3A_343, %shift_right_logical3A_354 : vector<16xi32>
      %swap3A_356 = arith.constant 1 : i32
      %swap3A_357 = arith.index_cast %swap3A_356 : i32 to index
      %swap3A_358 = arith.constant 64 : index
      %swap3A_359 = tpu.vector_load %arg11[%swap3A_357, %swap3A_358] {strides = array<i32>} : memref<8x128xi32, #tpu.memory_space<vmem>>, vector<1x16xi32>,
      %swap3A_360 = vector.shape_cast %swap3A_359 : vector<1x16xi32> to vector<16xi32>
      %swap3A_361 = vector.shape_cast %shift_right_logical3A_355 : vector<16xi32> to vector<1x16xi32>
      tpu.vector_store %arg11[%swap3A_357, %swap3A_358], %swap3A_361 {strides = array<i32>} : memref<8x128xi32, #tpu.memory_space<vmem>>, vector<1x16xi32>,
      %add3A_362 = arith.constant 16 : i32
      %add3A_363 = arith.addi %mul3A_338, %add3A_362 : i32
      %get3A_364 = arith.index_cast %add3A_363 : i32 to index
      %get3A_365 = tpu.vector_load %arg10[%get3A_364] {strides = array<i32>} : memref<5120xi32, #tpu.memory_space<vmem>>, vector<16xi32>,
      %get3A_366 = vector.shape_cast %get3A_365 : vector<16xi32> to vector<16xi32>
      %and3A_367 = arith.constant 65535 : i32
      %and3A_368 = vector.broadcast %and3A_367 : i32 to vector<16xi32>
      %and3A_369 = arith.andi %get3A_366, %and3A_368 : vector<16xi32>
      %swap3A_370 = arith.constant 1 : i32
      %swap3A_371 = arith.index_cast %swap3A_370 : i32 to index
      %swap3A_372 = arith.constant 16 : index
      %swap3A_373 = tpu.vector_load %arg11[%swap3A_371, %swap3A_372] {strides = array<i32>} : memref<8x128xi32, #tpu.memory_space<vmem>>, vector<1x16xi32>,
      %swap3A_374 = vector.shape_cast %swap3A_373 : vector<1x16xi32> to vector<16xi32>
      %swap3A_375 = vector.shape_cast %and3A_369 : vector<16xi32> to vector<1x16xi32>
      tpu.vector_store %arg11[%swap3A_371, %swap3A_372], %swap3A_375 {strides = array<i32>} : memref<8x128xi32, #tpu.memory_space<vmem>>, vector<1x16xi32>,
      %shift_right_logical3A_376 = arith.constant 16 : i32
      %shift_right_logical3A_377 = vector.broadcast %shift_right_logical3A_376 : i32 to vector<16xi32>
      %shift_right_logical3A_378 = arith.shrui %get3A_366, %shift_right_logical3A_377 : vector<16xi32>
      %swap3A_379 = arith.constant 1 : i32
      %swap3A_380 = arith.index_cast %swap3A_379 : i32 to index
      %swap3A_381 = arith.constant 80 : index
      %swap3A_382 = tpu.vector_load %arg11[%swap3A_380, %swap3A_381] {strides = array<i32>} : memref<8x128xi32, #tpu.memory_space<vmem>>, vector<1x16xi32>,
      %swap3A_383 = vector.shape_cast %swap3A_382 : vector<1x16xi32> to vector<16xi32>
      %swap3A_384 = vector.shape_cast %shift_right_logical3A_378 : vector<16xi32> to vector<1x16xi32>
      tpu.vector_store %arg11[%swap3A_380, %swap3A_381], %swap3A_384 {strides = array<i32>} : memref<8x128xi32, #tpu.memory_space<vmem>>, vector<1x16xi32>,
      %add3A_385 = arith.constant 32 : i32
      %add3A_386 = arith.addi %mul3A_338, %add3A_385 : i32
      %get3A_387 = arith.index_cast %add3A_386 : i32 to index
      %get3A_388 = tpu.vector_load %arg10[%get3A_387] {strides = array<i32>} : memref<5120xi32, #tpu.memory_space<vmem>>, vector<16xi32>,
      %get3A_389 = vector.shape_cast %get3A_388 : vector<16xi32> to vector<16xi32>
      %and3A_390 = arith.constant 65535 : i32
      %and3A_391 = vector.broadcast %and3A_390 : i32 to vector<16xi32>
      %and3A_392 = arith.andi %get3A_389, %and3A_391 : vector<16xi32>
      %swap3A_393 = arith.constant 1 : i32
      %swap3A_394 = arith.index_cast %swap3A_393 : i32 to index
      %swap3A_395 = arith.constant 32 : index
      %swap3A_396 = tpu.vector_load %arg11[%swap3A_394, %swap3A_395] {strides = array<i32>} : memref<8x128xi32, #tpu.memory_space<vmem>>, vector<1x16xi32>,
      %swap3A_397 = vector.shape_cast %swap3A_396 : vector<1x16xi32> to vector<16xi32>
      %swap3A_398 = vector.shape_cast %and3A_392 : vector<16xi32> to vector<1x16xi32>
      tpu.vector_store %arg11[%swap3A_394, %swap3A_395], %swap3A_398 {strides = array<i32>} : memref<8x128xi32, #tpu.memory_space<vmem>>, vector<1x16xi32>,
      %shift_right_logical3A_399 = arith.constant 16 : i32
      %shift_right_logical3A_400 = vector.broadcast %shift_right_logical3A_399 : i32 to vector<16xi32>
      %shift_right_logical3A_401 = arith.shrui %get3A_389, %shift_right_logical3A_400 : vector<16xi32>
      %swap3A_402 = arith.constant 1 : i32
      %swap3A_403 = arith.index_cast %swap3A_402 : i32 to index
      %swap3A_404 = arith.constant 96 : index
      %swap3A_405 = tpu.vector_load %arg11[%swap3A_403, %swap3A_404] {strides = array<i32>} : memref<8x128xi32, #tpu.memory_space<vmem>>, vector<1x16xi32>,
      %swap3A_406 = vector.shape_cast %swap3A_405 : vector<1x16xi32> to vector<16xi32>
      %swap3A_407 = vector.shape_cast %shift_right_logical3A_401 : vector<16xi32> to vector<1x16xi32>
      tpu.vector_store %arg11[%swap3A_403, %swap3A_404], %swap3A_407 {strides = array<i32>} : memref<8x128xi32, #tpu.memory_space<vmem>>, vector<1x16xi32>,
      %add3A_408 = arith.constant 48 : i32
      %add3A_409 = arith.addi %mul3A_338, %add3A_408 : i32
      %get3A_410 = arith.index_cast %add3A_409 : i32 to index
      %get3A_411 = tpu.vector_load %arg10[%get3A_410] {strides = array<i32>} : memref<5120xi32, #tpu.memory_space<vmem>>, vector<16xi32>,
      %get3A_412 = vector.shape_cast %get3A_411 : vector<16xi32> to vector<16xi32>
      %and3A_413 = arith.constant 65535 : i32
      %and3A_414 = vector.broadcast %and3A_413 : i32 to vector<16xi32>
      %and3A_415 = arith.andi %get3A_412, %and3A_414 : vector<16xi32>
      %swap3A_416 = arith.constant 1 : i32
      %swap3A_417 = arith.index_cast %swap3A_416 : i32 to index
      %swap3A_418 = arith.constant 48 : index
      %swap3A_419 = tpu.vector_load %arg11[%swap3A_417, %swap3A_418] {strides = array<i32>} : memref<8x128xi32, #tpu.memory_space<vmem>>, vector<1x16xi32>,
      %swap3A_420 = vector.shape_cast %swap3A_419 : vector<1x16xi32> to vector<16xi32>
      %swap3A_421 = vector.shape_cast %and3A_415 : vector<16xi32> to vector<1x16xi32>
      tpu.vector_store %arg11[%swap3A_417, %swap3A_418], %swap3A_421 {strides = array<i32>} : memref<8x128xi32, #tpu.memory_space<vmem>>, vector<1x16xi32>,
      %shift_right_logical3A_422 = arith.constant 16 : i32
      %shift_right_logical3A_423 = vector.broadcast %shift_right_logical3A_422 : i32 to vector<16xi32>
      %shift_right_logical3A_424 = arith.shrui %get3A_412, %shift_right_logical3A_423 : vector<16xi32>
      %swap3A_425 = arith.constant 1 : i32
      %swap3A_426 = arith.index_cast %swap3A_425 : i32 to index
      %swap3A_427 = arith.constant 112 : index
      %swap3A_428 = tpu.vector_load %arg11[%swap3A_426, %swap3A_427] {strides = array<i32>} : memref<8x128xi32, #tpu.memory_space<vmem>>, vector<1x16xi32>,
      %swap3A_429 = vector.shape_cast %swap3A_428 : vector<1x16xi32> to vector<16xi32>
      %swap3A_430 = vector.shape_cast %shift_right_logical3A_424 : vector<16xi32> to vector<1x16xi32>
      tpu.vector_store %arg11[%swap3A_426, %swap3A_427], %swap3A_430 {strides = array<i32>} : memref<8x128xi32, #tpu.memory_space<vmem>>, vector<1x16xi32>,
      %run_scoped3A_431 = arith.constant 1 : i32
      "tpu.region"() ({
        %run_scoped3A_432 = tpu.sem_alloc : memref<!tpu.dma_semaphore, #tpu.memory_space<semaphore_mem>>
        %dma_start3A_433 = arith.constant 0 : i32
        %dma_start3A_434 = tpu.memref_slice %arg11[%run_scoped3A_431, %dma_start3A_433] : memref<8x128xi32, #tpu.memory_space<vmem>> -> memref<1x128xi32, #tpu.memory_space<vmem>>
        %dma_start3A_435 = tpu.memref_squeeze %dma_start3A_434 : memref<1x128xi32, #tpu.memory_space<vmem>> -> memref<128xi32, #tpu.memory_space<vmem>>
        %dma_start3A_436 = arith.constant 0 : i32
        %dma_start3A_437 = arith.constant 0 : i32
        %dma_start3A_438 = tpu.memref_slice %arg8[%dma_start3A_436, %dma_start3A_437] : memref<10016x128xf32, #tpu.memory_space<vmem_shared>> -> memref<10016x128xf32, #tpu.memory_space<vmem_shared>>
        tpu.enqueue_indirect_dma source(%arg13 : memref<128x128xf32, #tpu.memory_space<vmem>>) target(%dma_start3A_438 : memref<10016x128xf32, #tpu.memory_space<vmem_shared>>) offsets(%dma_start3A_435 : memref<128xi32, #tpu.memory_space<vmem>>) semaphore(%run_scoped3A_432 : memref<!tpu.dma_semaphore, #tpu.memory_space<semaphore_mem>>) {add = true}
        %dma_wait3A_439 = arith.constant 0 : i32
        %dma_wait3A_440 = tpu.memref_slice %arg11[%run_scoped3A_431, %dma_wait3A_439] : memref<8x128xi32, #tpu.memory_space<vmem>> -> memref<1x128xi32, #tpu.memory_space<vmem>>
        %dma_wait3A_441 = tpu.memref_squeeze %dma_wait3A_440 : memref<1x128xi32, #tpu.memory_space<vmem>> -> memref<128xi32, #tpu.memory_space<vmem>>
        %dma_wait3A_442 = arith.constant 0 : i32
        %dma_wait3A_443 = arith.constant 0 : i32
        %dma_wait3A_444 = tpu.memref_slice %arg8[%dma_wait3A_442, %dma_wait3A_443] : memref<10016x128xf32, #tpu.memory_space<vmem_shared>> -> memref<10016x128xf32, #tpu.memory_space<vmem_shared>>
        tpu.wait_indirect_dma semaphore(%run_scoped3A_432 : memref<!tpu.dma_semaphore, #tpu.memory_space<semaphore_mem>>) src(%arg13 : memref<128x128xf32, #tpu.memory_space<vmem>>) dst(%dma_wait3A_444 : memref<10016x128xf32, #tpu.memory_space<vmem_shared>>)
        tpu.yield
      }) : () -> ()
    }
    %scan3A_13 = arith.constant 39 : i32
    %dma_wait3A = arith.constant 78 : i32
    %dma_wait3A_14 = arith.constant 0 : i32
    %dma_wait3A_15 = tpu.memref_slice %arg9[%dma_wait3A, %dma_wait3A_14] : memref<80x128xi32, #tpu.memory_space<vmem>> -> memref<1x128xi32, #tpu.memory_space<vmem>>
    %dma_wait3A_16 = tpu.memref_squeeze %dma_wait3A_15 : memref<1x128xi32, #tpu.memory_space<vmem>> -> memref<128xi32, #tpu.memory_space<vmem>>
    %dma_wait3A_17 = arith.constant 0 : i32
    %dma_wait3A_18 = arith.constant 0 : i32
    %dma_wait3A_19 = tpu.memref_slice %arg2[%dma_wait3A_17, %dma_wait3A_18] : memref<10000x128xf32, #tpu.memory_space<hbm>> -> memref<10000x128xf32, #tpu.memory_space<hbm>>
    tpu.wait_indirect_dma semaphore(%arg14 : memref<!tpu.dma_semaphore, #tpu.memory_space<semaphore_mem>>) src(%dma_wait3A_19 : memref<10000x128xf32, #tpu.memory_space<hbm>>) dst(%arg12 : memref<128x128xf32, #tpu.memory_space<vmem>>)
    %dma_start3A_20 = arith.constant 79 : i32
    %dma_start3A_21 = arith.constant 0 : i32
    %dma_start3A_22 = tpu.memref_slice %arg9[%dma_start3A_20, %dma_start3A_21] : memref<80x128xi32, #tpu.memory_space<vmem>> -> memref<1x128xi32, #tpu.memory_space<vmem>>
    %dma_start3A_23 = tpu.memref_squeeze %dma_start3A_22 : memref<1x128xi32, #tpu.memory_space<vmem>> -> memref<128xi32, #tpu.memory_space<vmem>>
    %dma_start3A_24 = arith.constant 0 : i32
    %dma_start3A_25 = arith.constant 0 : i32
    %dma_start3A_26 = tpu.memref_slice %arg2[%dma_start3A_24, %dma_start3A_25] : memref<10000x128xf32, #tpu.memory_space<hbm>> -> memref<10000x128xf32, #tpu.memory_space<hbm>>
    tpu.enqueue_indirect_dma source(%dma_start3A_26 : memref<10000x128xf32, #tpu.memory_space<hbm>>) target(%arg13 : memref<128x128xf32, #tpu.memory_space<vmem>>) offsets(%dma_start3A_23 : memref<128xi32, #tpu.memory_space<vmem>>) semaphore(%arg15 : memref<!tpu.dma_semaphore, #tpu.memory_space<semaphore_mem>>)
    %get3A = arith.constant 4992 : index
    %get3A_27 = tpu.vector_load %arg10[%get3A] {strides = array<i32>} : memref<5120xi32, #tpu.memory_space<vmem>>, vector<16xi32>,
    %get3A_28 = vector.shape_cast %get3A_27 : vector<16xi32> to vector<16xi32>
    %and3A = arith.constant 65535 : i32
    %and3A_29 = vector.broadcast %and3A : i32 to vector<16xi32>
    %and3A_30 = arith.andi %get3A_28, %and3A_29 : vector<16xi32>
    %swap3A = arith.constant 0 : i32
    %swap3A_31 = arith.index_cast %swap3A : i32 to index
    %swap3A_32 = arith.constant 0 : index
    %swap3A_33 = tpu.vector_load %arg11[%swap3A_31, %swap3A_32] {strides = array<i32>} : memref<8x128xi32, #tpu.memory_space<vmem>>, vector<1x16xi32>,
    %swap3A_34 = vector.shape_cast %swap3A_33 : vector<1x16xi32> to vector<16xi32>
    %swap3A_35 = vector.shape_cast %and3A_30 : vector<16xi32> to vector<1x16xi32>
    tpu.vector_store %arg11[%swap3A_31, %swap3A_32], %swap3A_35 {strides = array<i32>} : memref<8x128xi32, #tpu.memory_space<vmem>>, vector<1x16xi32>,
    %shift_right_logical3A = arith.constant 16 : i32
    %shift_right_logical3A_36 = vector.broadcast %shift_right_logical3A : i32 to vector<16xi32>
    %shift_right_logical3A_37 = arith.shrui %get3A_28, %shift_right_logical3A_36 : vector<16xi32>
    %swap3A_38 = arith.constant 0 : i32
    %swap3A_39 = arith.index_cast %swap3A_38 : i32 to index
    %swap3A_40 = arith.constant 64 : index
    %swap3A_41 = tpu.vector_load %arg11[%swap3A_39, %swap3A_40] {strides = array<i32>} : memref<8x128xi32, #tpu.memory_space<vmem>>, vector<1x16xi32>,
    %swap3A_42 = vector.shape_cast %swap3A_41 : vector<1x16xi32> to vector<16xi32>
    %swap3A_43 = vector.shape_cast %shift_right_logical3A_37 : vector<16xi32> to vector<1x16xi32>
    tpu.vector_store %arg11[%swap3A_39, %swap3A_40], %swap3A_43 {strides = array<i32>} : memref<8x128xi32, #tpu.memory_space<vmem>>, vector<1x16xi32>,
    %get3A_44 = arith.constant 5008 : index
    %get3A_45 = tpu.vector_load %arg10[%get3A_44] {strides = array<i32>} : memref<5120xi32, #tpu.memory_space<vmem>>, vector<16xi32>,
    %get3A_46 = vector.shape_cast %get3A_45 : vector<16xi32> to vector<16xi32>
    %and3A_47 = arith.constant 65535 : i32
    %and3A_48 = vector.broadcast %and3A_47 : i32 to vector<16xi32>
    %and3A_49 = arith.andi %get3A_46, %and3A_48 : vector<16xi32>
    %swap3A_50 = arith.constant 0 : i32
    %swap3A_51 = arith.index_cast %swap3A_50 : i32 to index
    %swap3A_52 = arith.constant 16 : index
    %swap3A_53 = tpu.vector_load %arg11[%swap3A_51, %swap3A_52] {strides = array<i32>} : memref<8x128xi32, #tpu.memory_space<vmem>>, vector<1x16xi32>,
    %swap3A_54 = vector.shape_cast %swap3A_53 : vector<1x16xi32> to vector<16xi32>
    %swap3A_55 = vector.shape_cast %and3A_49 : vector<16xi32> to vector<1x16xi32>
    tpu.vector_store %arg11[%swap3A_51, %swap3A_52], %swap3A_55 {strides = array<i32>} : memref<8x128xi32, #tpu.memory_space<vmem>>, vector<1x16xi32>,
    %shift_right_logical3A_56 = arith.constant 16 : i32
    %shift_right_logical3A_57 = vector.broadcast %shift_right_logical3A_56 : i32 to vector<16xi32>
    %shift_right_logical3A_58 = arith.shrui %get3A_46, %shift_right_logical3A_57 : vector<16xi32>
    %swap3A_59 = arith.constant 0 : i32
    %swap3A_60 = arith.index_cast %swap3A_59 : i32 to index
    %swap3A_61 = arith.constant 80 : index
    %swap3A_62 = tpu.vector_load %arg11[%swap3A_60, %swap3A_61] {strides = array<i32>} : memref<8x128xi32, #tpu.memory_space<vmem>>, vector<1x16xi32>,
    %swap3A_63 = vector.shape_cast %swap3A_62 : vector<1x16xi32> to vector<16xi32>
    %swap3A_64 = vector.shape_cast %shift_right_logical3A_58 : vector<16xi32> to vector<1x16xi32>
    tpu.vector_store %arg11[%swap3A_60, %swap3A_61], %swap3A_64 {strides = array<i32>} : memref<8x128xi32, #tpu.memory_space<vmem>>, vector<1x16xi32>,
    %get3A_65 = arith.constant 5024 : index
    %get3A_66 = tpu.vector_load %arg10[%get3A_65] {strides = array<i32>} : memref<5120xi32, #tpu.memory_space<vmem>>, vector<16xi32>,
    %get3A_67 = vector.shape_cast %get3A_66 : vector<16xi32> to vector<16xi32>
    %and3A_68 = arith.constant 65535 : i32
    %and3A_69 = vector.broadcast %and3A_68 : i32 to vector<16xi32>
    %and3A_70 = arith.andi %get3A_67, %and3A_69 : vector<16xi32>
    %swap3A_71 = arith.constant 0 : i32
    %swap3A_72 = arith.index_cast %swap3A_71 : i32 to index
    %swap3A_73 = arith.constant 32 : index
    %swap3A_74 = tpu.vector_load %arg11[%swap3A_72, %swap3A_73] {strides = array<i32>} : memref<8x128xi32, #tpu.memory_space<vmem>>, vector<1x16xi32>,
    %swap3A_75 = vector.shape_cast %swap3A_74 : vector<1x16xi32> to vector<16xi32>
    %swap3A_76 = vector.shape_cast %and3A_70 : vector<16xi32> to vector<1x16xi32>
    tpu.vector_store %arg11[%swap3A_72, %swap3A_73], %swap3A_76 {strides = array<i32>} : memref<8x128xi32, #tpu.memory_space<vmem>>, vector<1x16xi32>,
    %shift_right_logical3A_77 = arith.constant 16 : i32
    %shift_right_logical3A_78 = vector.broadcast %shift_right_logical3A_77 : i32 to vector<16xi32>
    %shift_right_logical3A_79 = arith.shrui %get3A_67, %shift_right_logical3A_78 : vector<16xi32>
    %swap3A_80 = arith.constant 0 : i32
    %swap3A_81 = arith.index_cast %swap3A_80 : i32 to index
    %swap3A_82 = arith.constant 96 : index
    %swap3A_83 = tpu.vector_load %arg11[%swap3A_81, %swap3A_82] {strides = array<i32>} : memref<8x128xi32, #tpu.memory_space<vmem>>, vector<1x16xi32>,
    %swap3A_84 = vector.shape_cast %swap3A_83 : vector<1x16xi32> to vector<16xi32>
    %swap3A_85 = vector.shape_cast %shift_right_logical3A_79 : vector<16xi32> to vector<1x16xi32>
    tpu.vector_store %arg11[%swap3A_81, %swap3A_82], %swap3A_85 {strides = array<i32>} : memref<8x128xi32, #tpu.memory_space<vmem>>, vector<1x16xi32>,
    %get3A_86 = arith.constant 5040 : index
    %get3A_87 = tpu.vector_load %arg10[%get3A_86] {strides = array<i32>} : memref<5120xi32, #tpu.memory_space<vmem>>, vector<16xi32>,
    %get3A_88 = vector.shape_cast %get3A_87 : vector<16xi32> to vector<16xi32>
    %and3A_89 = arith.constant 65535 : i32
    %and3A_90 = vector.broadcast %and3A_89 : i32 to vector<16xi32>
    %and3A_91 = arith.andi %get3A_88, %and3A_90 : vector<16xi32>
    %swap3A_92 = arith.constant 0 : i32
    %swap3A_93 = arith.index_cast %swap3A_92 : i32 to index
    %swap3A_94 = arith.constant 48 : index
    %swap3A_95 = tpu.vector_load %arg11[%swap3A_93, %swap3A_94] {strides = array<i32>} : memref<8x128xi32, #tpu.memory_space<vmem>>, vector<1x16xi32>,
    %swap3A_96 = vector.shape_cast %swap3A_95 : vector<1x16xi32> to vector<16xi32>
    %swap3A_97 = vector.shape_cast %and3A_91 : vector<16xi32> to vector<1x16xi32>
    tpu.vector_store %arg11[%swap3A_93, %swap3A_94], %swap3A_97 {strides = array<i32>} : memref<8x128xi32, #tpu.memory_space<vmem>>, vector<1x16xi32>,
    %shift_right_logical3A_98 = arith.constant 16 : i32
    %shift_right_logical3A_99 = vector.broadcast %shift_right_logical3A_98 : i32 to vector<16xi32>
    %shift_right_logical3A_100 = arith.shrui %get3A_88, %shift_right_logical3A_99 : vector<16xi32>
    %swap3A_101 = arith.constant 0 : i32
    %swap3A_102 = arith.index_cast %swap3A_101 : i32 to index
    %swap3A_103 = arith.constant 112 : index
    %swap3A_104 = tpu.vector_load %arg11[%swap3A_102, %swap3A_103] {strides = array<i32>} : memref<8x128xi32, #tpu.memory_space<vmem>>, vector<1x16xi32>,
    %swap3A_105 = vector.shape_cast %swap3A_104 : vector<1x16xi32> to vector<16xi32>
    %swap3A_106 = vector.shape_cast %shift_right_logical3A_100 : vector<16xi32> to vector<1x16xi32>
    tpu.vector_store %arg11[%swap3A_102, %swap3A_103], %swap3A_106 {strides = array<i32>} : memref<8x128xi32, #tpu.memory_space<vmem>>, vector<1x16xi32>,
    %run_scoped3A = arith.constant 0 : i32
    "tpu.region"() ({
      %run_scoped3A_207 = tpu.sem_alloc : memref<!tpu.dma_semaphore, #tpu.memory_space<semaphore_mem>>
      %dma_start3A_208 = arith.constant 0 : i32
      %dma_start3A_209 = tpu.memref_slice %arg11[%run_scoped3A, %dma_start3A_208] : memref<8x128xi32, #tpu.memory_space<vmem>> -> memref<1x128xi32, #tpu.memory_space<vmem>>
      %dma_start3A_210 = tpu.memref_squeeze %dma_start3A_209 : memref<1x128xi32, #tpu.memory_space<vmem>> -> memref<128xi32, #tpu.memory_space<vmem>>
      %dma_start3A_211 = arith.constant 0 : i32
      %dma_start3A_212 = arith.constant 0 : i32
      %dma_start3A_213 = tpu.memref_slice %arg8[%dma_start3A_211, %dma_start3A_212] : memref<10016x128xf32, #tpu.memory_space<vmem_shared>> -> memref<10016x128xf32, #tpu.memory_space<vmem_shared>>
      tpu.enqueue_indirect_dma source(%arg12 : memref<128x128xf32, #tpu.memory_space<vmem>>) target(%dma_start3A_213 : memref<10016x128xf32, #tpu.memory_space<vmem_shared>>) offsets(%dma_start3A_210 : memref<128xi32, #tpu.memory_space<vmem>>) semaphore(%run_scoped3A_207 : memref<!tpu.dma_semaphore, #tpu.memory_space<semaphore_mem>>) {add = true}
      %dma_wait3A_214 = arith.constant 0 : i32
      %dma_wait3A_215 = tpu.memref_slice %arg11[%run_scoped3A, %dma_wait3A_214] : memref<8x128xi32, #tpu.memory_space<vmem>> -> memref<1x128xi32, #tpu.memory_space<vmem>>
      %dma_wait3A_216 = tpu.memref_squeeze %dma_wait3A_215 : memref<1x128xi32, #tpu.memory_space<vmem>> -> memref<128xi32, #tpu.memory_space<vmem>>
      %dma_wait3A_217 = arith.constant 0 : i32
      %dma_wait3A_218 = arith.constant 0 : i32
      %dma_wait3A_219 = tpu.memref_slice %arg8[%dma_wait3A_217, %dma_wait3A_218] : memref<10016x128xf32, #tpu.memory_space<vmem_shared>> -> memref<10016x128xf32, #tpu.memory_space<vmem_shared>>
      tpu.wait_indirect_dma semaphore(%run_scoped3A_207 : memref<!tpu.dma_semaphore, #tpu.memory_space<semaphore_mem>>) src(%arg12 : memref<128x128xf32, #tpu.memory_space<vmem>>) dst(%dma_wait3A_219 : memref<10016x128xf32, #tpu.memory_space<vmem_shared>>)
      tpu.yield
    }) : () -> ()
    %dma_wait3A_107 = arith.constant 79 : i32
    %dma_wait3A_108 = arith.constant 0 : i32
    %dma_wait3A_109 = tpu.memref_slice %arg9[%dma_wait3A_107, %dma_wait3A_108] : memref<80x128xi32, #tpu.memory_space<vmem>> -> memref<1x128xi32, #tpu.memory_space<vmem>>
    %dma_wait3A_110 = tpu.memref_squeeze %dma_wait3A_109 : memref<1x128xi32, #tpu.memory_space<vmem>> -> memref<128xi32, #tpu.memory_space<vmem>>
    %dma_wait3A_111 = arith.constant 0 : i32
    %dma_wait3A_112 = arith.constant 0 : i32
    %dma_wait3A_113 = tpu.memref_slice %arg2[%dma_wait3A_111, %dma_wait3A_112] : memref<10000x128xf32, #tpu.memory_space<hbm>> -> memref<10000x128xf32, #tpu.memory_space<hbm>>
    tpu.wait_indirect_dma semaphore(%arg15 : memref<!tpu.dma_semaphore, #tpu.memory_space<semaphore_mem>>) src(%dma_wait3A_113 : memref<10000x128xf32, #tpu.memory_space<hbm>>) dst(%arg13 : memref<128x128xf32, #tpu.memory_space<vmem>>)
    %get3A_114 = arith.constant 5056 : index
    %get3A_115 = tpu.vector_load %arg10[%get3A_114] {strides = array<i32>} : memref<5120xi32, #tpu.memory_space<vmem>>, vector<16xi32>,
    %get3A_116 = vector.shape_cast %get3A_115 : vector<16xi32> to vector<16xi32>
    %and3A_117 = arith.constant 65535 : i32
    %and3A_118 = vector.broadcast %and3A_117 : i32 to vector<16xi32>
    %and3A_119 = arith.andi %get3A_116, %and3A_118 : vector<16xi32>
    %swap3A_120 = arith.constant 1 : i32
    %swap3A_121 = arith.index_cast %swap3A_120 : i32 to index
    %swap3A_122 = arith.constant 0 : index
    %swap3A_123 = tpu.vector_load %arg11[%swap3A_121, %swap3A_122] {strides = array<i32>} : memref<8x128xi32, #tpu.memory_space<vmem>>, vector<1x16xi32>,
    %swap3A_124 = vector.shape_cast %swap3A_123 : vector<1x16xi32> to vector<16xi32>
    %swap3A_125 = vector.shape_cast %and3A_119 : vector<16xi32> to vector<1x16xi32>
    tpu.vector_store %arg11[%swap3A_121, %swap3A_122], %swap3A_125 {strides = array<i32>} : memref<8x128xi32, #tpu.memory_space<vmem>>, vector<1x16xi32>,
    %shift_right_logical3A_126 = arith.constant 16 : i32
    %shift_right_logical3A_127 = vector.broadcast %shift_right_logical3A_126 : i32 to vector<16xi32>
    %shift_right_logical3A_128 = arith.shrui %get3A_116, %shift_right_logical3A_127 : vector<16xi32>
    %swap3A_129 = arith.constant 1 : i32
    %swap3A_130 = arith.index_cast %swap3A_129 : i32 to index
    %swap3A_131 = arith.constant 64 : index
    %swap3A_132 = tpu.vector_load %arg11[%swap3A_130, %swap3A_131] {strides = array<i32>} : memref<8x128xi32, #tpu.memory_space<vmem>>, vector<1x16xi32>,
    %swap3A_133 = vector.shape_cast %swap3A_132 : vector<1x16xi32> to vector<16xi32>
    %swap3A_134 = vector.shape_cast %shift_right_logical3A_128 : vector<16xi32> to vector<1x16xi32>
    tpu.vector_store %arg11[%swap3A_130, %swap3A_131], %swap3A_134 {strides = array<i32>} : memref<8x128xi32, #tpu.memory_space<vmem>>, vector<1x16xi32>,
    %get3A_135 = arith.constant 5072 : index
    %get3A_136 = tpu.vector_load %arg10[%get3A_135] {strides = array<i32>} : memref<5120xi32, #tpu.memory_space<vmem>>, vector<16xi32>,
    %get3A_137 = vector.shape_cast %get3A_136 : vector<16xi32> to vector<16xi32>
    %and3A_138 = arith.constant 65535 : i32
    %and3A_139 = vector.broadcast %and3A_138 : i32 to vector<16xi32>
    %and3A_140 = arith.andi %get3A_137, %and3A_139 : vector<16xi32>
    %swap3A_141 = arith.constant 1 : i32
    %swap3A_142 = arith.index_cast %swap3A_141 : i32 to index
    %swap3A_143 = arith.constant 16 : index
    %swap3A_144 = tpu.vector_load %arg11[%swap3A_142, %swap3A_143] {strides = array<i32>} : memref<8x128xi32, #tpu.memory_space<vmem>>, vector<1x16xi32>,
    %swap3A_145 = vector.shape_cast %swap3A_144 : vector<1x16xi32> to vector<16xi32>
    %swap3A_146 = vector.shape_cast %and3A_140 : vector<16xi32> to vector<1x16xi32>
    tpu.vector_store %arg11[%swap3A_142, %swap3A_143], %swap3A_146 {strides = array<i32>} : memref<8x128xi32, #tpu.memory_space<vmem>>, vector<1x16xi32>,
    %shift_right_logical3A_147 = arith.constant 16 : i32
    %shift_right_logical3A_148 = vector.broadcast %shift_right_logical3A_147 : i32 to vector<16xi32>
    %shift_right_logical3A_149 = arith.shrui %get3A_137, %shift_right_logical3A_148 : vector<16xi32>
    %swap3A_150 = arith.constant 1 : i32
    %swap3A_151 = arith.index_cast %swap3A_150 : i32 to index
    %swap3A_152 = arith.constant 80 : index
    %swap3A_153 = tpu.vector_load %arg11[%swap3A_151, %swap3A_152] {strides = array<i32>} : memref<8x128xi32, #tpu.memory_space<vmem>>, vector<1x16xi32>,
    %swap3A_154 = vector.shape_cast %swap3A_153 : vector<1x16xi32> to vector<16xi32>
    %swap3A_155 = vector.shape_cast %shift_right_logical3A_149 : vector<16xi32> to vector<1x16xi32>
    tpu.vector_store %arg11[%swap3A_151, %swap3A_152], %swap3A_155 {strides = array<i32>} : memref<8x128xi32, #tpu.memory_space<vmem>>, vector<1x16xi32>,
    %get3A_156 = arith.constant 5088 : index
    %get3A_157 = tpu.vector_load %arg10[%get3A_156] {strides = array<i32>} : memref<5120xi32, #tpu.memory_space<vmem>>, vector<16xi32>,
    %get3A_158 = vector.shape_cast %get3A_157 : vector<16xi32> to vector<16xi32>
    %and3A_159 = arith.constant 65535 : i32
    %and3A_160 = vector.broadcast %and3A_159 : i32 to vector<16xi32>
    %and3A_161 = arith.andi %get3A_158, %and3A_160 : vector<16xi32>
    %swap3A_162 = arith.constant 1 : i32
    %swap3A_163 = arith.index_cast %swap3A_162 : i32 to index
    %swap3A_164 = arith.constant 32 : index
    %swap3A_165 = tpu.vector_load %arg11[%swap3A_163, %swap3A_164] {strides = array<i32>} : memref<8x128xi32, #tpu.memory_space<vmem>>, vector<1x16xi32>,
    %swap3A_166 = vector.shape_cast %swap3A_165 : vector<1x16xi32> to vector<16xi32>
    %swap3A_167 = vector.shape_cast %and3A_161 : vector<16xi32> to vector<1x16xi32>
    tpu.vector_store %arg11[%swap3A_163, %swap3A_164], %swap3A_167 {strides = array<i32>} : memref<8x128xi32, #tpu.memory_space<vmem>>, vector<1x16xi32>,
    %shift_right_logical3A_168 = arith.constant 16 : i32
    %shift_right_logical3A_169 = vector.broadcast %shift_right_logical3A_168 : i32 to vector<16xi32>
    %shift_right_logical3A_170 = arith.shrui %get3A_158, %shift_right_logical3A_169 : vector<16xi32>
    %swap3A_171 = arith.constant 1 : i32
    %swap3A_172 = arith.index_cast %swap3A_171 : i32 to index
    %swap3A_173 = arith.constant 96 : index
    %swap3A_174 = tpu.vector_load %arg11[%swap3A_172, %swap3A_173] {strides = array<i32>} : memref<8x128xi32, #tpu.memory_space<vmem>>, vector<1x16xi32>,
    %swap3A_175 = vector.shape_cast %swap3A_174 : vector<1x16xi32> to vector<16xi32>
    %swap3A_176 = vector.shape_cast %shift_right_logical3A_170 : vector<16xi32> to vector<1x16xi32>
    tpu.vector_store %arg11[%swap3A_172, %swap3A_173], %swap3A_176 {strides = array<i32>} : memref<8x128xi32, #tpu.memory_space<vmem>>, vector<1x16xi32>,
    %get3A_177 = arith.constant 5104 : index
    %get3A_178 = tpu.vector_load %arg10[%get3A_177] {strides = array<i32>} : memref<5120xi32, #tpu.memory_space<vmem>>, vector<16xi32>,
    %get3A_179 = vector.shape_cast %get3A_178 : vector<16xi32> to vector<16xi32>
    %and3A_180 = arith.constant 65535 : i32
    %and3A_181 = vector.broadcast %and3A_180 : i32 to vector<16xi32>
    %and3A_182 = arith.andi %get3A_179, %and3A_181 : vector<16xi32>
    %swap3A_183 = arith.constant 1 : i32
    %swap3A_184 = arith.index_cast %swap3A_183 : i32 to index
    %swap3A_185 = arith.constant 48 : index
    %swap3A_186 = tpu.vector_load %arg11[%swap3A_184, %swap3A_185] {strides = array<i32>} : memref<8x128xi32, #tpu.memory_space<vmem>>, vector<1x16xi32>,
    %swap3A_187 = vector.shape_cast %swap3A_186 : vector<1x16xi32> to vector<16xi32>
    %swap3A_188 = vector.shape_cast %and3A_182 : vector<16xi32> to vector<1x16xi32>
    tpu.vector_store %arg11[%swap3A_184, %swap3A_185], %swap3A_188 {strides = array<i32>} : memref<8x128xi32, #tpu.memory_space<vmem>>, vector<1x16xi32>,
    %shift_right_logical3A_189 = arith.constant 16 : i32
    %shift_right_logical3A_190 = vector.broadcast %shift_right_logical3A_189 : i32 to vector<16xi32>
    %shift_right_logical3A_191 = arith.shrui %get3A_179, %shift_right_logical3A_190 : vector<16xi32>
    %swap3A_192 = arith.constant 1 : i32
    %swap3A_193 = arith.index_cast %swap3A_192 : i32 to index
    %swap3A_194 = arith.constant 112 : index
    %swap3A_195 = tpu.vector_load %arg11[%swap3A_193, %swap3A_194] {strides = array<i32>} : memref<8x128xi32, #tpu.memory_space<vmem>>, vector<1x16xi32>,
    %swap3A_196 = vector.shape_cast %swap3A_195 : vector<1x16xi32> to vector<16xi32>
    %swap3A_197 = vector.shape_cast %shift_right_logical3A_191 : vector<16xi32> to vector<1x16xi32>
    tpu.vector_store %arg11[%swap3A_193, %swap3A_194], %swap3A_197 {strides = array<i32>} : memref<8x128xi32, #tpu.memory_space<vmem>>, vector<1x16xi32>,
    %run_scoped3A_198 = arith.constant 1 : i32
    "tpu.region"() ({
      %run_scoped3A_207 = tpu.sem_alloc : memref<!tpu.dma_semaphore, #tpu.memory_space<semaphore_mem>>
      %dma_start3A_208 = arith.constant 0 : i32
      %dma_start3A_209 = tpu.memref_slice %arg11[%run_scoped3A_198, %dma_start3A_208] : memref<8x128xi32, #tpu.memory_space<vmem>> -> memref<1x128xi32, #tpu.memory_space<vmem>>
      %dma_start3A_210 = tpu.memref_squeeze %dma_start3A_209 : memref<1x128xi32, #tpu.memory_space<vmem>> -> memref<128xi32, #tpu.memory_space<vmem>>
      %dma_start3A_211 = arith.constant 0 : i32
      %dma_start3A_212 = arith.constant 0 : i32
      %dma_start3A_213 = tpu.memref_slice %arg8[%dma_start3A_211, %dma_start3A_212] : memref<10016x128xf32, #tpu.memory_space<vmem_shared>> -> memref<10016x128xf32, #tpu.memory_space<vmem_shared>>
      tpu.enqueue_indirect_dma source(%arg13 : memref<128x128xf32, #tpu.memory_space<vmem>>) target(%dma_start3A_213 : memref<10016x128xf32, #tpu.memory_space<vmem_shared>>) offsets(%dma_start3A_210 : memref<128xi32, #tpu.memory_space<vmem>>) semaphore(%run_scoped3A_207 : memref<!tpu.dma_semaphore, #tpu.memory_space<semaphore_mem>>) {add = true}
      %dma_wait3A_214 = arith.constant 0 : i32
      %dma_wait3A_215 = tpu.memref_slice %arg11[%run_scoped3A_198, %dma_wait3A_214] : memref<8x128xi32, #tpu.memory_space<vmem>> -> memref<1x128xi32, #tpu.memory_space<vmem>>
      %dma_wait3A_216 = tpu.memref_squeeze %dma_wait3A_215 : memref<1x128xi32, #tpu.memory_space<vmem>> -> memref<128xi32, #tpu.memory_space<vmem>>
      %dma_wait3A_217 = arith.constant 0 : i32
      %dma_wait3A_218 = arith.constant 0 : i32
      %dma_wait3A_219 = tpu.memref_slice %arg8[%dma_wait3A_217, %dma_wait3A_218] : memref<10016x128xf32, #tpu.memory_space<vmem_shared>> -> memref<10016x128xf32, #tpu.memory_space<vmem_shared>>
      tpu.wait_indirect_dma semaphore(%run_scoped3A_207 : memref<!tpu.dma_semaphore, #tpu.memory_space<semaphore_mem>>) src(%arg13 : memref<128x128xf32, #tpu.memory_space<vmem>>) dst(%dma_wait3A_219 : memref<10016x128xf32, #tpu.memory_space<vmem_shared>>)
      tpu.yield
    }) : () -> ()
    %barrier3A_199 = arith.constant 0 : index
    tpu.barrier barrier_id(%barrier3A_199)
    %eq3A = arith.constant 0 : i32
    %eq3A_200 = arith.cmpi eq, %arg0, %eq3A : i32
    %convert_element_type3A = arith.extui %eq3A_200 : i1 to i32
    %cond3A = arith.constant 0 : i32
    %cond3A_201 = arith.cmpi ne, %convert_element_type3A, %cond3A : i32
    scf.if %cond3A_201 {
      %mul3A_207 = arith.constant 624 : i32
      %mul3A_208 = arith.muli %arg1, %mul3A_207 : i32
      %mul3A_209 = arith.constant 624 : i32
      %mul3A_210 = arith.muli %arg1, %mul3A_209 : i32
      "tpu.region"() ({
        %run_scoped3A_211 = tpu.sem_alloc : memref<!tpu.dma_semaphore, #tpu.memory_space<semaphore_mem>>
        %dma_start3A_212 = arith.constant 0 : i32
        %dma_start3A_213 = tpu.memref_slice %arg6[%mul3A_210, %dma_start3A_212] : memref<10000x128xf32, #tpu.memory_space<hbm>> -> memref<640x128xf32, #tpu.memory_space<hbm>>
        %dma_start3A_214 = arith.constant 0 : i32
        %dma_start3A_215 = tpu.memref_slice %arg8[%mul3A_208, %dma_start3A_214] : memref<10016x128xf32, #tpu.memory_space<vmem_shared>> -> memref<640x128xf32, #tpu.memory_space<vmem_shared>>
        tpu.enqueue_dma source(%dma_start3A_215 : memref<640x128xf32, #tpu.memory_space<vmem_shared>>) target(%dma_start3A_213 : memref<640x128xf32, #tpu.memory_space<hbm>>) target_semaphore(%run_scoped3A_211 : memref<!tpu.dma_semaphore, #tpu.memory_space<semaphore_mem>>)
        %dma_wait3A_216 = arith.constant 0 : i32
        %dma_wait3A_217 = tpu.memref_slice %arg6[%mul3A_210, %dma_wait3A_216] : memref<10000x128xf32, #tpu.memory_space<hbm>> -> memref<640x128xf32, #tpu.memory_space<hbm>>
        %dma_wait3A_218 = arith.constant 0 : i32
        %dma_wait3A_219 = tpu.memref_slice %arg8[%mul3A_208, %dma_wait3A_218] : memref<10016x128xf32, #tpu.memory_space<vmem_shared>> -> memref<640x128xf32, #tpu.memory_space<vmem_shared>>
        tpu.wait_dma2 semaphore(%run_scoped3A_211 : memref<!tpu.dma_semaphore, #tpu.memory_space<semaphore_mem>>) src(%dma_wait3A_219 : memref<640x128xf32, #tpu.memory_space<vmem_shared>>) dst(%dma_wait3A_217 : memref<640x128xf32, #tpu.memory_space<hbm>>)
        tpu.yield
      }) : () -> ()
    } else {
    }
    %eq3A_202 = arith.constant 1 : i32
    %eq3A_203 = arith.cmpi eq, %arg0, %eq3A_202 : i32
    %convert_element_type3A_204 = arith.extui %eq3A_203 : i1 to i32
    %cond3A_205 = arith.constant 0 : i32
    %cond3A_206 = arith.cmpi ne, %convert_element_type3A_204, %cond3A_205 : i32
    scf.if %cond3A_206 {
      %mul3A_207 = arith.constant 624 : i32
      %mul3A_208 = arith.muli %arg1, %mul3A_207 : i32
      %mul3A_209 = arith.constant 624 : i32
      %mul3A_210 = arith.muli %arg1, %mul3A_209 : i32
      "tpu.region"() ({
        %run_scoped3A_211 = tpu.sem_alloc : memref<!tpu.dma_semaphore, #tpu.memory_space<semaphore_mem>>
        %dma_start3A_212 = arith.constant 0 : i32
        %dma_start3A_213 = tpu.memref_slice %arg7[%mul3A_210, %dma_start3A_212] : memref<10000x128xf32, #tpu.memory_space<hbm>> -> memref<640x128xf32, #tpu.memory_space<hbm>>
        %dma_start3A_214 = arith.constant 0 : i32
        %dma_start3A_215 = tpu.memref_slice %arg8[%mul3A_208, %dma_start3A_214] : memref<10016x128xf32, #tpu.memory_space<vmem_shared>> -> memref<640x128xf32, #tpu.memory_space<vmem_shared>>
        tpu.enqueue_dma source(%dma_start3A_215 : memref<640x128xf32, #tpu.memory_space<vmem_shared>>) target(%dma_start3A_213 : memref<640x128xf32, #tpu.memory_space<hbm>>) target_semaphore(%run_scoped3A_211 : memref<!tpu.dma_semaphore, #tpu.memory_space<semaphore_mem>>)
        %dma_wait3A_216 = arith.constant 0 : i32
        %dma_wait3A_217 = tpu.memref_slice %arg7[%mul3A_210, %dma_wait3A_216] : memref<10000x128xf32, #tpu.memory_space<hbm>> -> memref<640x128xf32, #tpu.memory_space<hbm>>
        %dma_wait3A_218 = arith.constant 0 : i32
        %dma_wait3A_219 = tpu.memref_slice %arg8[%mul3A_208, %dma_wait3A_218] : memref<10016x128xf32, #tpu.memory_space<vmem_shared>> -> memref<640x128xf32, #tpu.memory_space<vmem_shared>>
        tpu.wait_dma2 semaphore(%run_scoped3A_211 : memref<!tpu.dma_semaphore, #tpu.memory_space<semaphore_mem>>) src(%dma_wait3A_219 : memref<640x128xf32, #tpu.memory_space<vmem_shared>>) dst(%dma_wait3A_217 : memref<640x128xf32, #tpu.memory_space<hbm>>)
        tpu.yield
      }) : () -> ()
    } else {
    }
    return
  }
}

#map = affine_map<(d0, d1) -> (0, 0)>
#map1 = affine_map<(d0, d1) -> (0, 0, 0)>
module attributes {stable_mosaic.version = 14 : i64} {
  func.func @seg_sum(%arg0: i32, %arg1: i32, %arg2: memref<10000x128xf32, #tpu.memory_space<hbm>>, %arg3: memref<32x80x128xi32, #tpu.memory_space<hbm>>, %arg4: memref<32x5120xi32, #tpu.memory_space<hbm>>, %arg5: memref<640x128xf32, #tpu.memory_space<hbm>>, %arg6: memref<10000x128xf32, #tpu.memory_space<hbm>>, %arg7: memref<10000x128xf32, #tpu.memory_space<hbm>>, %arg8: memref<10016x128xf32, #tpu.memory_space<vmem_shared>>, %arg9: memref<80x128xi32, #tpu.memory_space<vmem>>, %arg10: memref<5120xi32, #tpu.memory_space<vmem>>, %arg11: memref<8x128xi32, #tpu.memory_space<vmem>>, %arg12: memref<128x128xf32, #tpu.memory_space<vmem>>, %arg13: memref<128x128xf32, #tpu.memory_space<vmem>>, %arg14: memref<!tpu.dma_semaphore, #tpu.memory_space<semaphore_mem>>, %arg15: memref<!tpu.dma_semaphore, #tpu.memory_space<semaphore_mem>>) attributes {dimension_semantics = [#tpu.dimension_semantics<core_parallel>, #tpu.dimension_semantics<subcore_parallel>], iteration_bounds = array<i64: 2, 16>, scalar_prefetch = 0 : i64, scratch_operands = 8 : i64, tpu.core_type = #tpu.core_type<sc_vector_subcore>, window_params = [{transform_indices = #map}, {transform_indices = #map1}, {transform_indices = #map}, {transform_indices = #map}, {transform_indices = #map}, {transform_indices = #map}]} {
    %mul3A = arith.constant 2 : i32
    %mul3A_0 = arith.muli %arg1, %mul3A : i32
    %add3A = arith.addi %mul3A_0, %arg0 : i32
    %mul3A_1 = arith.constant 624 : i32
    %mul3A_2 = arith.muli %arg1, %mul3A_1 : i32
    "tpu.region"() ({
      %run_scoped3A_207 = tpu.sem_alloc : memref<!tpu.dma_semaphore, #tpu.memory_space<semaphore_mem>>
      %dma_start3A_208 = arith.constant 0 : i32
      %dma_start3A_209 = tpu.memref_slice %arg8[%mul3A_2, %dma_start3A_208] : memref<10016x128xf32, #tpu.memory_space<vmem_shared>> -> memref<640x128xf32, #tpu.memory_space<vmem_shared>>
      tpu.enqueue_dma source(%arg5 : memref<640x128xf32, #tpu.memory_space<hbm>>) target(%dma_start3A_209 : memref<640x128xf32, #tpu.memory_space<vmem_shared>>) target_semaphore(%run_scoped3A_207 : memref<!tpu.dma_semaphore, #tpu.memory_space<semaphore_mem>>)
      %dma_wait3A_210 = arith.constant 0 : i32
      %dma_wait3A_211 = tpu.memref_slice %arg8[%mul3A_2, %dma_wait3A_210] : memref<10016x128xf32, #tpu.memory_space<vmem_shared>> -> memref<640x128xf32, #tpu.memory_space<vmem_shared>>
      tpu.wait_dma2 semaphore(%run_scoped3A_207 : memref<!tpu.dma_semaphore, #tpu.memory_space<semaphore_mem>>) src(%arg5 : memref<640x128xf32, #tpu.memory_space<hbm>>) dst(%dma_wait3A_211 : memref<640x128xf32, #tpu.memory_space<vmem_shared>>)
      tpu.yield
    }) : () -> ()
    "tpu.region"() ({
      %run_scoped3A_207 = tpu.sem_alloc : memref<!tpu.dma_semaphore, #tpu.memory_space<semaphore_mem>>
      %dma_start3A_208 = arith.constant 0 : i32
      %dma_start3A_209 = arith.constant 0 : i32
      %dma_start3A_210 = tpu.memref_slice %arg3[%add3A, %dma_start3A_208, %dma_start3A_209] : memref<32x80x128xi32, #tpu.memory_space<hbm>> -> memref<1x80x128xi32, #tpu.memory_space<hbm>>
      %dma_start3A_211 = tpu.memref_squeeze %dma_start3A_210 : memref<1x80x128xi32, #tpu.memory_space<hbm>> -> memref<80x128xi32, #tpu.memory_space<hbm>>
      %dma_start3A_212 = arith.constant 0 : i32
      %dma_start3A_213 = arith.constant 0 : i32
      %dma_start3A_214 = tpu.memref_slice %arg3[%add3A, %dma_start3A_212, %dma_start3A_213] : memref<32x80x128xi32, #tpu.memory_space<hbm>> -> memref<1x80x128xi32, #tpu.memory_space<hbm>>
      %dma_start3A_215 = tpu.memref_squeeze %dma_start3A_214 : memref<1x80x128xi32, #tpu.memory_space<hbm>> -> memref<80x128xi32, #tpu.memory_space<hbm>>
      tpu.enqueue_dma source(%dma_start3A_215 : memref<80x128xi32, #tpu.memory_space<hbm>>) target(%arg9 : memref<80x128xi32, #tpu.memory_space<vmem>>) target_semaphore(%run_scoped3A_207 : memref<!tpu.dma_semaphore, #tpu.memory_space<semaphore_mem>>)
      %dma_wait3A_216 = arith.constant 0 : i32
      %dma_wait3A_217 = arith.constant 0 : i32
      %dma_wait3A_218 = tpu.memref_slice %arg3[%add3A, %dma_wait3A_216, %dma_wait3A_217] : memref<32x80x128xi32, #tpu.memory_space<hbm>> -> memref<1x80x128xi32, #tpu.memory_space<hbm>>
      %dma_wait3A_219 = tpu.memref_squeeze %dma_wait3A_218 : memref<1x80x128xi32, #tpu.memory_space<hbm>> -> memref<80x128xi32, #tpu.memory_space<hbm>>
      %dma_wait3A_220 = arith.constant 0 : i32
      %dma_wait3A_221 = arith.constant 0 : i32
      %dma_wait3A_222 = tpu.memref_slice %arg3[%add3A, %dma_wait3A_220, %dma_wait3A_221] : memref<32x80x128xi32, #tpu.memory_space<hbm>> -> memref<1x80x128xi32, #tpu.memory_space<hbm>>
      %dma_wait3A_223 = tpu.memref_squeeze %dma_wait3A_222 : memref<1x80x128xi32, #tpu.memory_space<hbm>> -> memref<80x128xi32, #tpu.memory_space<hbm>>
      tpu.wait_dma2 semaphore(%run_scoped3A_207 : memref<!tpu.dma_semaphore, #tpu.memory_space<semaphore_mem>>) src(%dma_wait3A_223 : memref<80x128xi32, #tpu.memory_space<hbm>>) dst(%arg9 : memref<80x128xi32, #tpu.memory_space<vmem>>)
      tpu.yield
    }) : () -> ()
    "tpu.region"() ({
      %run_scoped3A_207 = tpu.sem_alloc : memref<!tpu.dma_semaphore, #tpu.memory_space<semaphore_mem>>
      %dma_start3A_208 = arith.constant 0 : i32
      %dma_start3A_209 = tpu.memref_slice %arg4[%add3A, %dma_start3A_208] : memref<32x5120xi32, #tpu.memory_space<hbm>> -> memref<1x5120xi32, #tpu.memory_space<hbm>>
      %dma_start3A_210 = tpu.memref_squeeze %dma_start3A_209 : memref<1x5120xi32, #tpu.memory_space<hbm>> -> memref<5120xi32, #tpu.memory_space<hbm>>
      %dma_start3A_211 = arith.constant 0 : i32
      %dma_start3A_212 = tpu.memref_slice %arg4[%add3A, %dma_start3A_211] : memref<32x5120xi32, #tpu.memory_space<hbm>> -> memref<1x5120xi32, #tpu.memory_space<hbm>>
      %dma_start3A_213 = tpu.memref_squeeze %dma_start3A_212 : memref<1x5120xi32, #tpu.memory_space<hbm>> -> memref<5120xi32, #tpu.memory_space<hbm>>
      tpu.enqueue_dma source(%dma_start3A_213 : memref<5120xi32, #tpu.memory_space<hbm>>) target(%arg10 : memref<5120xi32, #tpu.memory_space<vmem>>) target_semaphore(%run_scoped3A_207 : memref<!tpu.dma_semaphore, #tpu.memory_space<semaphore_mem>>)
      %dma_wait3A_214 = arith.constant 0 : i32
      %dma_wait3A_215 = tpu.memref_slice %arg4[%add3A, %dma_wait3A_214] : memref<32x5120xi32, #tpu.memory_space<hbm>> -> memref<1x5120xi32, #tpu.memory_space<hbm>>
      %dma_wait3A_216 = tpu.memref_squeeze %dma_wait3A_215 : memref<1x5120xi32, #tpu.memory_space<hbm>> -> memref<5120xi32, #tpu.memory_space<hbm>>
      %dma_wait3A_217 = arith.constant 0 : i32
      %dma_wait3A_218 = tpu.memref_slice %arg4[%add3A, %dma_wait3A_217] : memref<32x5120xi32, #tpu.memory_space<hbm>> -> memref<1x5120xi32, #tpu.memory_space<hbm>>
      %dma_wait3A_219 = tpu.memref_squeeze %dma_wait3A_218 : memref<1x5120xi32, #tpu.memory_space<hbm>> -> memref<5120xi32, #tpu.memory_space<hbm>>
      tpu.wait_dma2 semaphore(%run_scoped3A_207 : memref<!tpu.dma_semaphore, #tpu.memory_space<semaphore_mem>>) src(%dma_wait3A_219 : memref<5120xi32, #tpu.memory_space<hbm>>) dst(%arg10 : memref<5120xi32, #tpu.memory_space<vmem>>)
      tpu.yield
    }) : () -> ()
    %barrier3A = arith.constant 0 : index
    tpu.barrier barrier_id(%barrier3A)
    %dma_start3A = arith.constant 0 : i32
    %dma_start3A_3 = arith.constant 0 : i32
    %dma_start3A_4 = tpu.memref_slice %arg9[%dma_start3A, %dma_start3A_3] : memref<80x128xi32, #tpu.memory_space<vmem>> -> memref<1x128xi32, #tpu.memory_space<vmem>>
    %dma_start3A_5 = tpu.memref_squeeze %dma_start3A_4 : memref<1x128xi32, #tpu.memory_space<vmem>> -> memref<128xi32, #tpu.memory_space<vmem>>
    %dma_start3A_6 = arith.constant 0 : i32
    %dma_start3A_7 = arith.constant 0 : i32
    %dma_start3A_8 = tpu.memref_slice %arg2[%dma_start3A_6, %dma_start3A_7] : memref<10000x128xf32, #tpu.memory_space<hbm>> -> memref<10000x128xf32, #tpu.memory_space<hbm>>
    tpu.enqueue_indirect_dma source(%dma_start3A_8 : memref<10000x128xf32, #tpu.memory_space<hbm>>) target(%arg12 : memref<128x128xf32, #tpu.memory_space<vmem>>) offsets(%dma_start3A_5 : memref<128xi32, #tpu.memory_space<vmem>>) semaphore(%arg14 : memref<!tpu.dma_semaphore, #tpu.memory_space<semaphore_mem>>)
    %scan3A = arith.constant 0 : i32
    %scan3A_9 = arith.constant 0 : i32
    %scan3A_10 = arith.constant 39 : i32
    %scan3A_11 = arith.addi %scan3A_9, %scan3A_10 : i32
    %scan3A_12 = arith.constant 1 : i32
    scf.for %scan3A_207 = %scan3A_9 to %scan3A_11 step %scan3A_12  : i32 {
      %mul3A_208 = arith.constant 2 : i32
      %mul3A_209 = arith.muli %mul3A_208, %scan3A_207 : i32
      %dma_wait3A_210 = arith.constant 0 : i32
      %dma_wait3A_211 = tpu.memref_slice %arg9[%mul3A_209, %dma_wait3A_210] : memref<80x128xi32, #tpu.memory_space<vmem>> -> memref<1x128xi32, #tpu.memory_space<vmem>>
      %dma_wait3A_212 = tpu.memref_squeeze %dma_wait3A_211 : memref<1x128xi32, #tpu.memory_space<vmem>> -> memref<128xi32, #tpu.memory_space<vmem>>
      %dma_wait3A_213 = arith.constant 0 : i32
      %dma_wait3A_214 = arith.constant 0 : i32
      %dma_wait3A_215 = tpu.memref_slice %arg2[%dma_wait3A_213, %dma_wait3A_214] : memref<10000x128xf32, #tpu.memory_space<hbm>> -> memref<10000x128xf32, #tpu.memory_space<hbm>>
      tpu.wait_indirect_dma semaphore(%arg14 : memref<!tpu.dma_semaphore, #tpu.memory_space<semaphore_mem>>) src(%dma_wait3A_215 : memref<10000x128xf32, #tpu.memory_space<hbm>>) dst(%arg12 : memref<128x128xf32, #tpu.memory_space<vmem>>)
      %add3A_216 = arith.constant 1 : i32
      %add3A_217 = arith.addi %mul3A_209, %add3A_216 : i32
      %dma_start3A_218 = arith.constant 0 : i32
      %dma_start3A_219 = tpu.memref_slice %arg9[%add3A_217, %dma_start3A_218] : memref<80x128xi32, #tpu.memory_space<vmem>> -> memref<1x128xi32, #tpu.memory_space<vmem>>
      %dma_start3A_220 = tpu.memref_squeeze %dma_start3A_219 : memref<1x128xi32, #tpu.memory_space<vmem>> -> memref<128xi32, #tpu.memory_space<vmem>>
      %dma_start3A_221 = arith.constant 0 : i32
      %dma_start3A_222 = arith.constant 0 : i32
      %dma_start3A_223 = tpu.memref_slice %arg2[%dma_start3A_221, %dma_start3A_222] : memref<10000x128xf32, #tpu.memory_space<hbm>> -> memref<10000x128xf32, #tpu.memory_space<hbm>>
      tpu.enqueue_indirect_dma source(%dma_start3A_223 : memref<10000x128xf32, #tpu.memory_space<hbm>>) target(%arg13 : memref<128x128xf32, #tpu.memory_space<vmem>>) offsets(%dma_start3A_220 : memref<128xi32, #tpu.memory_space<vmem>>) semaphore(%arg15 : memref<!tpu.dma_semaphore, #tpu.memory_space<semaphore_mem>>)
      %mul3A_224 = arith.constant 64 : i32
      %mul3A_225 = arith.muli %mul3A_209, %mul3A_224 : i32
      %add3A_226 = arith.constant 0 : i32
      %add3A_227 = arith.addi %mul3A_225, %add3A_226 : i32
      %get3A_228 = arith.index_cast %add3A_227 : i32 to index
      %get3A_229 = tpu.vector_load %arg10[%get3A_228] {strides = array<i32>} : memref<5120xi32, #tpu.memory_space<vmem>>, vector<16xi32>,
      %get3A_230 = vector.shape_cast %get3A_229 : vector<16xi32> to vector<16xi32>
      %and3A_231 = arith.constant 65535 : i32
      %and3A_232 = vector.broadcast %and3A_231 : i32 to vector<16xi32>
      %and3A_233 = arith.andi %get3A_230, %and3A_232 : vector<16xi32>
      %swap3A_234 = arith.constant 0 : i32
      %swap3A_235 = arith.index_cast %swap3A_234 : i32 to index
      %swap3A_236 = arith.constant 0 : index
      %swap3A_237 = tpu.vector_load %arg11[%swap3A_235, %swap3A_236] {strides = array<i32>} : memref<8x128xi32, #tpu.memory_space<vmem>>, vector<1x16xi32>,
      %swap3A_238 = vector.shape_cast %swap3A_237 : vector<1x16xi32> to vector<16xi32>
      %swap3A_239 = vector.shape_cast %and3A_233 : vector<16xi32> to vector<1x16xi32>
      tpu.vector_store %arg11[%swap3A_235, %swap3A_236], %swap3A_239 {strides = array<i32>} : memref<8x128xi32, #tpu.memory_space<vmem>>, vector<1x16xi32>,
      %shift_right_logical3A_240 = arith.constant 16 : i32
      %shift_right_logical3A_241 = vector.broadcast %shift_right_logical3A_240 : i32 to vector<16xi32>
      %shift_right_logical3A_242 = arith.shrui %get3A_230, %shift_right_logical3A_241 : vector<16xi32>
      %swap3A_243 = arith.constant 0 : i32
      %swap3A_244 = arith.index_cast %swap3A_243 : i32 to index
      %swap3A_245 = arith.constant 64 : index
      %swap3A_246 = tpu.vector_load %arg11[%swap3A_244, %swap3A_245] {strides = array<i32>} : memref<8x128xi32, #tpu.memory_space<vmem>>, vector<1x16xi32>,
      %swap3A_247 = vector.shape_cast %swap3A_246 : vector<1x16xi32> to vector<16xi32>
      %swap3A_248 = vector.shape_cast %shift_right_logical3A_242 : vector<16xi32> to vector<1x16xi32>
      tpu.vector_store %arg11[%swap3A_244, %swap3A_245], %swap3A_248 {strides = array<i32>} : memref<8x128xi32, #tpu.memory_space<vmem>>, vector<1x16xi32>,
      %add3A_249 = arith.constant 16 : i32
      %add3A_250 = arith.addi %mul3A_225, %add3A_249 : i32
      %get3A_251 = arith.index_cast %add3A_250 : i32 to index
      %get3A_252 = tpu.vector_load %arg10[%get3A_251] {strides = array<i32>} : memref<5120xi32, #tpu.memory_space<vmem>>, vector<16xi32>,
      %get3A_253 = vector.shape_cast %get3A_252 : vector<16xi32> to vector<16xi32>
      %and3A_254 = arith.constant 65535 : i32
      %and3A_255 = vector.broadcast %and3A_254 : i32 to vector<16xi32>
      %and3A_256 = arith.andi %get3A_253, %and3A_255 : vector<16xi32>
      %swap3A_257 = arith.constant 0 : i32
      %swap3A_258 = arith.index_cast %swap3A_257 : i32 to index
      %swap3A_259 = arith.constant 16 : index
      %swap3A_260 = tpu.vector_load %arg11[%swap3A_258, %swap3A_259] {strides = array<i32>} : memref<8x128xi32, #tpu.memory_space<vmem>>, vector<1x16xi32>,
      %swap3A_261 = vector.shape_cast %swap3A_260 : vector<1x16xi32> to vector<16xi32>
      %swap3A_262 = vector.shape_cast %and3A_256 : vector<16xi32> to vector<1x16xi32>
      tpu.vector_store %arg11[%swap3A_258, %swap3A_259], %swap3A_262 {strides = array<i32>} : memref<8x128xi32, #tpu.memory_space<vmem>>, vector<1x16xi32>,
      %shift_right_logical3A_263 = arith.constant 16 : i32
      %shift_right_logical3A_264 = vector.broadcast %shift_right_logical3A_263 : i32 to vector<16xi32>
      %shift_right_logical3A_265 = arith.shrui %get3A_253, %shift_right_logical3A_264 : vector<16xi32>
      %swap3A_266 = arith.constant 0 : i32
      %swap3A_267 = arith.index_cast %swap3A_266 : i32 to index
      %swap3A_268 = arith.constant 80 : index
      %swap3A_269 = tpu.vector_load %arg11[%swap3A_267, %swap3A_268] {strides = array<i32>} : memref<8x128xi32, #tpu.memory_space<vmem>>, vector<1x16xi32>,
      %swap3A_270 = vector.shape_cast %swap3A_269 : vector<1x16xi32> to vector<16xi32>
      %swap3A_271 = vector.shape_cast %shift_right_logical3A_265 : vector<16xi32> to vector<1x16xi32>
      tpu.vector_store %arg11[%swap3A_267, %swap3A_268], %swap3A_271 {strides = array<i32>} : memref<8x128xi32, #tpu.memory_space<vmem>>, vector<1x16xi32>,
      %add3A_272 = arith.constant 32 : i32
      %add3A_273 = arith.addi %mul3A_225, %add3A_272 : i32
      %get3A_274 = arith.index_cast %add3A_273 : i32 to index
      %get3A_275 = tpu.vector_load %arg10[%get3A_274] {strides = array<i32>} : memref<5120xi32, #tpu.memory_space<vmem>>, vector<16xi32>,
      %get3A_276 = vector.shape_cast %get3A_275 : vector<16xi32> to vector<16xi32>
      %and3A_277 = arith.constant 65535 : i32
      %and3A_278 = vector.broadcast %and3A_277 : i32 to vector<16xi32>
      %and3A_279 = arith.andi %get3A_276, %and3A_278 : vector<16xi32>
      %swap3A_280 = arith.constant 0 : i32
      %swap3A_281 = arith.index_cast %swap3A_280 : i32 to index
      %swap3A_282 = arith.constant 32 : index
      %swap3A_283 = tpu.vector_load %arg11[%swap3A_281, %swap3A_282] {strides = array<i32>} : memref<8x128xi32, #tpu.memory_space<vmem>>, vector<1x16xi32>,
      %swap3A_284 = vector.shape_cast %swap3A_283 : vector<1x16xi32> to vector<16xi32>
      %swap3A_285 = vector.shape_cast %and3A_279 : vector<16xi32> to vector<1x16xi32>
      tpu.vector_store %arg11[%swap3A_281, %swap3A_282], %swap3A_285 {strides = array<i32>} : memref<8x128xi32, #tpu.memory_space<vmem>>, vector<1x16xi32>,
      %shift_right_logical3A_286 = arith.constant 16 : i32
      %shift_right_logical3A_287 = vector.broadcast %shift_right_logical3A_286 : i32 to vector<16xi32>
      %shift_right_logical3A_288 = arith.shrui %get3A_276, %shift_right_logical3A_287 : vector<16xi32>
      %swap3A_289 = arith.constant 0 : i32
      %swap3A_290 = arith.index_cast %swap3A_289 : i32 to index
      %swap3A_291 = arith.constant 96 : index
      %swap3A_292 = tpu.vector_load %arg11[%swap3A_290, %swap3A_291] {strides = array<i32>} : memref<8x128xi32, #tpu.memory_space<vmem>>, vector<1x16xi32>,
      %swap3A_293 = vector.shape_cast %swap3A_292 : vector<1x16xi32> to vector<16xi32>
      %swap3A_294 = vector.shape_cast %shift_right_logical3A_288 : vector<16xi32> to vector<1x16xi32>
      tpu.vector_store %arg11[%swap3A_290, %swap3A_291], %swap3A_294 {strides = array<i32>} : memref<8x128xi32, #tpu.memory_space<vmem>>, vector<1x16xi32>,
      %add3A_295 = arith.constant 48 : i32
      %add3A_296 = arith.addi %mul3A_225, %add3A_295 : i32
      %get3A_297 = arith.index_cast %add3A_296 : i32 to index
      %get3A_298 = tpu.vector_load %arg10[%get3A_297] {strides = array<i32>} : memref<5120xi32, #tpu.memory_space<vmem>>, vector<16xi32>,
      %get3A_299 = vector.shape_cast %get3A_298 : vector<16xi32> to vector<16xi32>
      %and3A_300 = arith.constant 65535 : i32
      %and3A_301 = vector.broadcast %and3A_300 : i32 to vector<16xi32>
      %and3A_302 = arith.andi %get3A_299, %and3A_301 : vector<16xi32>
      %swap3A_303 = arith.constant 0 : i32
      %swap3A_304 = arith.index_cast %swap3A_303 : i32 to index
      %swap3A_305 = arith.constant 48 : index
      %swap3A_306 = tpu.vector_load %arg11[%swap3A_304, %swap3A_305] {strides = array<i32>} : memref<8x128xi32, #tpu.memory_space<vmem>>, vector<1x16xi32>,
      %swap3A_307 = vector.shape_cast %swap3A_306 : vector<1x16xi32> to vector<16xi32>
      %swap3A_308 = vector.shape_cast %and3A_302 : vector<16xi32> to vector<1x16xi32>
      tpu.vector_store %arg11[%swap3A_304, %swap3A_305], %swap3A_308 {strides = array<i32>} : memref<8x128xi32, #tpu.memory_space<vmem>>, vector<1x16xi32>,
      %shift_right_logical3A_309 = arith.constant 16 : i32
      %shift_right_logical3A_310 = vector.broadcast %shift_right_logical3A_309 : i32 to vector<16xi32>
      %shift_right_logical3A_311 = arith.shrui %get3A_299, %shift_right_logical3A_310 : vector<16xi32>
      %swap3A_312 = arith.constant 0 : i32
      %swap3A_313 = arith.index_cast %swap3A_312 : i32 to index
      %swap3A_314 = arith.constant 112 : index
      %swap3A_315 = tpu.vector_load %arg11[%swap3A_313, %swap3A_314] {strides = array<i32>} : memref<8x128xi32, #tpu.memory_space<vmem>>, vector<1x16xi32>,
      %swap3A_316 = vector.shape_cast %swap3A_315 : vector<1x16xi32> to vector<16xi32>
      %swap3A_317 = vector.shape_cast %shift_right_logical3A_311 : vector<16xi32> to vector<1x16xi32>
      tpu.vector_store %arg11[%swap3A_313, %swap3A_314], %swap3A_317 {strides = array<i32>} : memref<8x128xi32, #tpu.memory_space<vmem>>, vector<1x16xi32>,
      %run_scoped3A_318 = arith.constant 0 : i32
      "tpu.region"() ({
        %run_scoped3A_432 = tpu.sem_alloc : memref<!tpu.dma_semaphore, #tpu.memory_space<semaphore_mem>>
        %dma_start3A_433 = arith.constant 0 : i32
        %dma_start3A_434 = tpu.memref_slice %arg11[%run_scoped3A_318, %dma_start3A_433] : memref<8x128xi32, #tpu.memory_space<vmem>> -> memref<1x128xi32, #tpu.memory_space<vmem>>
        %dma_start3A_435 = tpu.memref_squeeze %dma_start3A_434 : memref<1x128xi32, #tpu.memory_space<vmem>> -> memref<128xi32, #tpu.memory_space<vmem>>
        %dma_start3A_436 = arith.constant 0 : i32
        %dma_start3A_437 = arith.constant 0 : i32
        %dma_start3A_438 = tpu.memref_slice %arg8[%dma_start3A_436, %dma_start3A_437] : memref<10016x128xf32, #tpu.memory_space<vmem_shared>> -> memref<10016x128xf32, #tpu.memory_space<vmem_shared>>
        tpu.enqueue_indirect_dma source(%arg12 : memref<128x128xf32, #tpu.memory_space<vmem>>) target(%dma_start3A_438 : memref<10016x128xf32, #tpu.memory_space<vmem_shared>>) offsets(%dma_start3A_435 : memref<128xi32, #tpu.memory_space<vmem>>) semaphore(%run_scoped3A_432 : memref<!tpu.dma_semaphore, #tpu.memory_space<semaphore_mem>>) {add = true}
        %dma_wait3A_439 = arith.constant 0 : i32
        %dma_wait3A_440 = tpu.memref_slice %arg11[%run_scoped3A_318, %dma_wait3A_439] : memref<8x128xi32, #tpu.memory_space<vmem>> -> memref<1x128xi32, #tpu.memory_space<vmem>>
        %dma_wait3A_441 = tpu.memref_squeeze %dma_wait3A_440 : memref<1x128xi32, #tpu.memory_space<vmem>> -> memref<128xi32, #tpu.memory_space<vmem>>
        %dma_wait3A_442 = arith.constant 0 : i32
        %dma_wait3A_443 = arith.constant 0 : i32
        %dma_wait3A_444 = tpu.memref_slice %arg8[%dma_wait3A_442, %dma_wait3A_443] : memref<10016x128xf32, #tpu.memory_space<vmem_shared>> -> memref<10016x128xf32, #tpu.memory_space<vmem_shared>>
        tpu.wait_indirect_dma semaphore(%run_scoped3A_432 : memref<!tpu.dma_semaphore, #tpu.memory_space<semaphore_mem>>) src(%arg12 : memref<128x128xf32, #tpu.memory_space<vmem>>) dst(%dma_wait3A_444 : memref<10016x128xf32, #tpu.memory_space<vmem_shared>>)
        tpu.yield
      }) : () -> ()
      %add3A_319 = arith.constant 1 : i32
      %add3A_320 = arith.addi %mul3A_209, %add3A_319 : i32
      %dma_wait3A_321 = arith.constant 0 : i32
      %dma_wait3A_322 = tpu.memref_slice %arg9[%add3A_320, %dma_wait3A_321] : memref<80x128xi32, #tpu.memory_space<vmem>> -> memref<1x128xi32, #tpu.memory_space<vmem>>
      %dma_wait3A_323 = tpu.memref_squeeze %dma_wait3A_322 : memref<1x128xi32, #tpu.memory_space<vmem>> -> memref<128xi32, #tpu.memory_space<vmem>>
      %dma_wait3A_324 = arith.constant 0 : i32
      %dma_wait3A_325 = arith.constant 0 : i32
      %dma_wait3A_326 = tpu.memref_slice %arg2[%dma_wait3A_324, %dma_wait3A_325] : memref<10000x128xf32, #tpu.memory_space<hbm>> -> memref<10000x128xf32, #tpu.memory_space<hbm>>
      tpu.wait_indirect_dma semaphore(%arg15 : memref<!tpu.dma_semaphore, #tpu.memory_space<semaphore_mem>>) src(%dma_wait3A_326 : memref<10000x128xf32, #tpu.memory_space<hbm>>) dst(%arg13 : memref<128x128xf32, #tpu.memory_space<vmem>>)
      %add3A_327 = arith.constant 2 : i32
      %add3A_328 = arith.addi %mul3A_209, %add3A_327 : i32
      %dma_start3A_329 = arith.constant 0 : i32
      %dma_start3A_330 = tpu.memref_slice %arg9[%add3A_328, %dma_start3A_329] : memref<80x128xi32, #tpu.memory_space<vmem>> -> memref<1x128xi32, #tpu.memory_space<vmem>>
      %dma_start3A_331 = tpu.memref_squeeze %dma_start3A_330 : memref<1x128xi32, #tpu.memory_space<vmem>> -> memref<128xi32, #tpu.memory_space<vmem>>
      %dma_start3A_332 = arith.constant 0 : i32
      %dma_start3A_333 = arith.constant 0 : i32
      %dma_start3A_334 = tpu.memref_slice %arg2[%dma_start3A_332, %dma_start3A_333] : memref<10000x128xf32, #tpu.memory_space<hbm>> -> memref<10000x128xf32, #tpu.memory_space<hbm>>
      tpu.enqueue_indirect_dma source(%dma_start3A_334 : memref<10000x128xf32, #tpu.memory_space<hbm>>) target(%arg12 : memref<128x128xf32, #tpu.memory_space<vmem>>) offsets(%dma_start3A_331 : memref<128xi32, #tpu.memory_space<vmem>>) semaphore(%arg14 : memref<!tpu.dma_semaphore, #tpu.memory_space<semaphore_mem>>)
      %add3A_335 = arith.constant 1 : i32
      %add3A_336 = arith.addi %mul3A_209, %add3A_335 : i32
      %mul3A_337 = arith.constant 64 : i32
      %mul3A_338 = arith.muli %add3A_336, %mul3A_337 : i32
      %add3A_339 = arith.constant 0 : i32
      %add3A_340 = arith.addi %mul3A_338, %add3A_339 : i32
      %get3A_341 = arith.index_cast %add3A_340 : i32 to index
      %get3A_342 = tpu.vector_load %arg10[%get3A_341] {strides = array<i32>} : memref<5120xi32, #tpu.memory_space<vmem>>, vector<16xi32>,
      %get3A_343 = vector.shape_cast %get3A_342 : vector<16xi32> to vector<16xi32>
      %and3A_344 = arith.constant 65535 : i32
      %and3A_345 = vector.broadcast %and3A_344 : i32 to vector<16xi32>
      %and3A_346 = arith.andi %get3A_343, %and3A_345 : vector<16xi32>
      %swap3A_347 = arith.constant 1 : i32
      %swap3A_348 = arith.index_cast %swap3A_347 : i32 to index
      %swap3A_349 = arith.constant 0 : index
      %swap3A_350 = tpu.vector_load %arg11[%swap3A_348, %swap3A_349] {strides = array<i32>} : memref<8x128xi32, #tpu.memory_space<vmem>>, vector<1x16xi32>,
      %swap3A_351 = vector.shape_cast %swap3A_350 : vector<1x16xi32> to vector<16xi32>
      %swap3A_352 = vector.shape_cast %and3A_346 : vector<16xi32> to vector<1x16xi32>
      tpu.vector_store %arg11[%swap3A_348, %swap3A_349], %swap3A_352 {strides = array<i32>} : memref<8x128xi32, #tpu.memory_space<vmem>>, vector<1x16xi32>,
      %shift_right_logical3A_353 = arith.constant 16 : i32
      %shift_right_logical3A_354 = vector.broadcast %shift_right_logical3A_353 : i32 to vector<16xi32>
      %shift_right_logical3A_355 = arith.shrui %get3A_343, %shift_right_logical3A_354 : vector<16xi32>
      %swap3A_356 = arith.constant 1 : i32
      %swap3A_357 = arith.index_cast %swap3A_356 : i32 to index
      %swap3A_358 = arith.constant 64 : index
      %swap3A_359 = tpu.vector_load %arg11[%swap3A_357, %swap3A_358] {strides = array<i32>} : memref<8x128xi32, #tpu.memory_space<vmem>>, vector<1x16xi32>,
      %swap3A_360 = vector.shape_cast %swap3A_359 : vector<1x16xi32> to vector<16xi32>
      %swap3A_361 = vector.shape_cast %shift_right_logical3A_355 : vector<16xi32> to vector<1x16xi32>
      tpu.vector_store %arg11[%swap3A_357, %swap3A_358], %swap3A_361 {strides = array<i32>} : memref<8x128xi32, #tpu.memory_space<vmem>>, vector<1x16xi32>,
      %add3A_362 = arith.constant 16 : i32
      %add3A_363 = arith.addi %mul3A_338, %add3A_362 : i32
      %get3A_364 = arith.index_cast %add3A_363 : i32 to index
      %get3A_365 = tpu.vector_load %arg10[%get3A_364] {strides = array<i32>} : memref<5120xi32, #tpu.memory_space<vmem>>, vector<16xi32>,
      %get3A_366 = vector.shape_cast %get3A_365 : vector<16xi32> to vector<16xi32>
      %and3A_367 = arith.constant 65535 : i32
      %and3A_368 = vector.broadcast %and3A_367 : i32 to vector<16xi32>
      %and3A_369 = arith.andi %get3A_366, %and3A_368 : vector<16xi32>
      %swap3A_370 = arith.constant 1 : i32
      %swap3A_371 = arith.index_cast %swap3A_370 : i32 to index
      %swap3A_372 = arith.constant 16 : index
      %swap3A_373 = tpu.vector_load %arg11[%swap3A_371, %swap3A_372] {strides = array<i32>} : memref<8x128xi32, #tpu.memory_space<vmem>>, vector<1x16xi32>,
      %swap3A_374 = vector.shape_cast %swap3A_373 : vector<1x16xi32> to vector<16xi32>
      %swap3A_375 = vector.shape_cast %and3A_369 : vector<16xi32> to vector<1x16xi32>
      tpu.vector_store %arg11[%swap3A_371, %swap3A_372], %swap3A_375 {strides = array<i32>} : memref<8x128xi32, #tpu.memory_space<vmem>>, vector<1x16xi32>,
      %shift_right_logical3A_376 = arith.constant 16 : i32
      %shift_right_logical3A_377 = vector.broadcast %shift_right_logical3A_376 : i32 to vector<16xi32>
      %shift_right_logical3A_378 = arith.shrui %get3A_366, %shift_right_logical3A_377 : vector<16xi32>
      %swap3A_379 = arith.constant 1 : i32
      %swap3A_380 = arith.index_cast %swap3A_379 : i32 to index
      %swap3A_381 = arith.constant 80 : index
      %swap3A_382 = tpu.vector_load %arg11[%swap3A_380, %swap3A_381] {strides = array<i32>} : memref<8x128xi32, #tpu.memory_space<vmem>>, vector<1x16xi32>,
      %swap3A_383 = vector.shape_cast %swap3A_382 : vector<1x16xi32> to vector<16xi32>
      %swap3A_384 = vector.shape_cast %shift_right_logical3A_378 : vector<16xi32> to vector<1x16xi32>
      tpu.vector_store %arg11[%swap3A_380, %swap3A_381], %swap3A_384 {strides = array<i32>} : memref<8x128xi32, #tpu.memory_space<vmem>>, vector<1x16xi32>,
      %add3A_385 = arith.constant 32 : i32
      %add3A_386 = arith.addi %mul3A_338, %add3A_385 : i32
      %get3A_387 = arith.index_cast %add3A_386 : i32 to index
      %get3A_388 = tpu.vector_load %arg10[%get3A_387] {strides = array<i32>} : memref<5120xi32, #tpu.memory_space<vmem>>, vector<16xi32>,
      %get3A_389 = vector.shape_cast %get3A_388 : vector<16xi32> to vector<16xi32>
      %and3A_390 = arith.constant 65535 : i32
      %and3A_391 = vector.broadcast %and3A_390 : i32 to vector<16xi32>
      %and3A_392 = arith.andi %get3A_389, %and3A_391 : vector<16xi32>
      %swap3A_393 = arith.constant 1 : i32
      %swap3A_394 = arith.index_cast %swap3A_393 : i32 to index
      %swap3A_395 = arith.constant 32 : index
      %swap3A_396 = tpu.vector_load %arg11[%swap3A_394, %swap3A_395] {strides = array<i32>} : memref<8x128xi32, #tpu.memory_space<vmem>>, vector<1x16xi32>,
      %swap3A_397 = vector.shape_cast %swap3A_396 : vector<1x16xi32> to vector<16xi32>
      %swap3A_398 = vector.shape_cast %and3A_392 : vector<16xi32> to vector<1x16xi32>
      tpu.vector_store %arg11[%swap3A_394, %swap3A_395], %swap3A_398 {strides = array<i32>} : memref<8x128xi32, #tpu.memory_space<vmem>>, vector<1x16xi32>,
      %shift_right_logical3A_399 = arith.constant 16 : i32
      %shift_right_logical3A_400 = vector.broadcast %shift_right_logical3A_399 : i32 to vector<16xi32>
      %shift_right_logical3A_401 = arith.shrui %get3A_389, %shift_right_logical3A_400 : vector<16xi32>
      %swap3A_402 = arith.constant 1 : i32
      %swap3A_403 = arith.index_cast %swap3A_402 : i32 to index
      %swap3A_404 = arith.constant 96 : index
      %swap3A_405 = tpu.vector_load %arg11[%swap3A_403, %swap3A_404] {strides = array<i32>} : memref<8x128xi32, #tpu.memory_space<vmem>>, vector<1x16xi32>,
      %swap3A_406 = vector.shape_cast %swap3A_405 : vector<1x16xi32> to vector<16xi32>
      %swap3A_407 = vector.shape_cast %shift_right_logical3A_401 : vector<16xi32> to vector<1x16xi32>
      tpu.vector_store %arg11[%swap3A_403, %swap3A_404], %swap3A_407 {strides = array<i32>} : memref<8x128xi32, #tpu.memory_space<vmem>>, vector<1x16xi32>,
      %add3A_408 = arith.constant 48 : i32
      %add3A_409 = arith.addi %mul3A_338, %add3A_408 : i32
      %get3A_410 = arith.index_cast %add3A_409 : i32 to index
      %get3A_411 = tpu.vector_load %arg10[%get3A_410] {strides = array<i32>} : memref<5120xi32, #tpu.memory_space<vmem>>, vector<16xi32>,
      %get3A_412 = vector.shape_cast %get3A_411 : vector<16xi32> to vector<16xi32>
      %and3A_413 = arith.constant 65535 : i32
      %and3A_414 = vector.broadcast %and3A_413 : i32 to vector<16xi32>
      %and3A_415 = arith.andi %get3A_412, %and3A_414 : vector<16xi32>
      %swap3A_416 = arith.constant 1 : i32
      %swap3A_417 = arith.index_cast %swap3A_416 : i32 to index
      %swap3A_418 = arith.constant 48 : index
      %swap3A_419 = tpu.vector_load %arg11[%swap3A_417, %swap3A_418] {strides = array<i32>} : memref<8x128xi32, #tpu.memory_space<vmem>>, vector<1x16xi32>,
      %swap3A_420 = vector.shape_cast %swap3A_419 : vector<1x16xi32> to vector<16xi32>
      %swap3A_421 = vector.shape_cast %and3A_415 : vector<16xi32> to vector<1x16xi32>
      tpu.vector_store %arg11[%swap3A_417, %swap3A_418], %swap3A_421 {strides = array<i32>} : memref<8x128xi32, #tpu.memory_space<vmem>>, vector<1x16xi32>,
      %shift_right_logical3A_422 = arith.constant 16 : i32
      %shift_right_logical3A_423 = vector.broadcast %shift_right_logical3A_422 : i32 to vector<16xi32>
      %shift_right_logical3A_424 = arith.shrui %get3A_412, %shift_right_logical3A_423 : vector<16xi32>
      %swap3A_425 = arith.constant 1 : i32
      %swap3A_426 = arith.index_cast %swap3A_425 : i32 to index
      %swap3A_427 = arith.constant 112 : index
      %swap3A_428 = tpu.vector_load %arg11[%swap3A_426, %swap3A_427] {strides = array<i32>} : memref<8x128xi32, #tpu.memory_space<vmem>>, vector<1x16xi32>,
      %swap3A_429 = vector.shape_cast %swap3A_428 : vector<1x16xi32> to vector<16xi32>
      %swap3A_430 = vector.shape_cast %shift_right_logical3A_424 : vector<16xi32> to vector<1x16xi32>
      tpu.vector_store %arg11[%swap3A_426, %swap3A_427], %swap3A_430 {strides = array<i32>} : memref<8x128xi32, #tpu.memory_space<vmem>>, vector<1x16xi32>,
      %run_scoped3A_431 = arith.constant 1 : i32
      "tpu.region"() ({
        %run_scoped3A_432 = tpu.sem_alloc : memref<!tpu.dma_semaphore, #tpu.memory_space<semaphore_mem>>
        %dma_start3A_433 = arith.constant 0 : i32
        %dma_start3A_434 = tpu.memref_slice %arg11[%run_scoped3A_431, %dma_start3A_433] : memref<8x128xi32, #tpu.memory_space<vmem>> -> memref<1x128xi32, #tpu.memory_space<vmem>>
        %dma_start3A_435 = tpu.memref_squeeze %dma_start3A_434 : memref<1x128xi32, #tpu.memory_space<vmem>> -> memref<128xi32, #tpu.memory_space<vmem>>
        %dma_start3A_436 = arith.constant 0 : i32
        %dma_start3A_437 = arith.constant 0 : i32
        %dma_start3A_438 = tpu.memref_slice %arg8[%dma_start3A_436, %dma_start3A_437] : memref<10016x128xf32, #tpu.memory_space<vmem_shared>> -> memref<10016x128xf32, #tpu.memory_space<vmem_shared>>
        tpu.enqueue_indirect_dma source(%arg13 : memref<128x128xf32, #tpu.memory_space<vmem>>) target(%dma_start3A_438 : memref<10016x128xf32, #tpu.memory_space<vmem_shared>>) offsets(%dma_start3A_435 : memref<128xi32, #tpu.memory_space<vmem>>) semaphore(%run_scoped3A_432 : memref<!tpu.dma_semaphore, #tpu.memory_space<semaphore_mem>>) {add = true}
        %dma_wait3A_439 = arith.constant 0 : i32
        %dma_wait3A_440 = tpu.memref_slice %arg11[%run_scoped3A_431, %dma_wait3A_439] : memref<8x128xi32, #tpu.memory_space<vmem>> -> memref<1x128xi32, #tpu.memory_space<vmem>>
        %dma_wait3A_441 = tpu.memref_squeeze %dma_wait3A_440 : memref<1x128xi32, #tpu.memory_space<vmem>> -> memref<128xi32, #tpu.memory_space<vmem>>
        %dma_wait3A_442 = arith.constant 0 : i32
        %dma_wait3A_443 = arith.constant 0 : i32
        %dma_wait3A_444 = tpu.memref_slice %arg8[%dma_wait3A_442, %dma_wait3A_443] : memref<10016x128xf32, #tpu.memory_space<vmem_shared>> -> memref<10016x128xf32, #tpu.memory_space<vmem_shared>>
        tpu.wait_indirect_dma semaphore(%run_scoped3A_432 : memref<!tpu.dma_semaphore, #tpu.memory_space<semaphore_mem>>) src(%arg13 : memref<128x128xf32, #tpu.memory_space<vmem>>) dst(%dma_wait3A_444 : memref<10016x128xf32, #tpu.memory_space<vmem_shared>>)
        tpu.yield
      }) : () -> ()
    }
    %scan3A_13 = arith.constant 39 : i32
    %dma_wait3A = arith.constant 78 : i32
    %dma_wait3A_14 = arith.constant 0 : i32
    %dma_wait3A_15 = tpu.memref_slice %arg9[%dma_wait3A, %dma_wait3A_14] : memref<80x128xi32, #tpu.memory_space<vmem>> -> memref<1x128xi32, #tpu.memory_space<vmem>>
    %dma_wait3A_16 = tpu.memref_squeeze %dma_wait3A_15 : memref<1x128xi32, #tpu.memory_space<vmem>> -> memref<128xi32, #tpu.memory_space<vmem>>
    %dma_wait3A_17 = arith.constant 0 : i32
    %dma_wait3A_18 = arith.constant 0 : i32
    %dma_wait3A_19 = tpu.memref_slice %arg2[%dma_wait3A_17, %dma_wait3A_18] : memref<10000x128xf32, #tpu.memory_space<hbm>> -> memref<10000x128xf32, #tpu.memory_space<hbm>>
    tpu.wait_indirect_dma semaphore(%arg14 : memref<!tpu.dma_semaphore, #tpu.memory_space<semaphore_mem>>) src(%dma_wait3A_19 : memref<10000x128xf32, #tpu.memory_space<hbm>>) dst(%arg12 : memref<128x128xf32, #tpu.memory_space<vmem>>)
    %dma_start3A_20 = arith.constant 79 : i32
    %dma_start3A_21 = arith.constant 0 : i32
    %dma_start3A_22 = tpu.memref_slice %arg9[%dma_start3A_20, %dma_start3A_21] : memref<80x128xi32, #tpu.memory_space<vmem>> -> memref<1x128xi32, #tpu.memory_space<vmem>>
    %dma_start3A_23 = tpu.memref_squeeze %dma_start3A_22 : memref<1x128xi32, #tpu.memory_space<vmem>> -> memref<128xi32, #tpu.memory_space<vmem>>
    %dma_start3A_24 = arith.constant 0 : i32
    %dma_start3A_25 = arith.constant 0 : i32
    %dma_start3A_26 = tpu.memref_slice %arg2[%dma_start3A_24, %dma_start3A_25] : memref<10000x128xf32, #tpu.memory_space<hbm>> -> memref<10000x128xf32, #tpu.memory_space<hbm>>
    tpu.enqueue_indirect_dma source(%dma_start3A_26 : memref<10000x128xf32, #tpu.memory_space<hbm>>) target(%arg13 : memref<128x128xf32, #tpu.memory_space<vmem>>) offsets(%dma_start3A_23 : memref<128xi32, #tpu.memory_space<vmem>>) semaphore(%arg15 : memref<!tpu.dma_semaphore, #tpu.memory_space<semaphore_mem>>)
    %get3A = arith.constant 4992 : index
    %get3A_27 = tpu.vector_load %arg10[%get3A] {strides = array<i32>} : memref<5120xi32, #tpu.memory_space<vmem>>, vector<16xi32>,
    %get3A_28 = vector.shape_cast %get3A_27 : vector<16xi32> to vector<16xi32>
    %and3A = arith.constant 65535 : i32
    %and3A_29 = vector.broadcast %and3A : i32 to vector<16xi32>
    %and3A_30 = arith.andi %get3A_28, %and3A_29 : vector<16xi32>
    %swap3A = arith.constant 0 : i32
    %swap3A_31 = arith.index_cast %swap3A : i32 to index
    %swap3A_32 = arith.constant 0 : index
    %swap3A_33 = tpu.vector_load %arg11[%swap3A_31, %swap3A_32] {strides = array<i32>} : memref<8x128xi32, #tpu.memory_space<vmem>>, vector<1x16xi32>,
    %swap3A_34 = vector.shape_cast %swap3A_33 : vector<1x16xi32> to vector<16xi32>
    %swap3A_35 = vector.shape_cast %and3A_30 : vector<16xi32> to vector<1x16xi32>
    tpu.vector_store %arg11[%swap3A_31, %swap3A_32], %swap3A_35 {strides = array<i32>} : memref<8x128xi32, #tpu.memory_space<vmem>>, vector<1x16xi32>,
    %shift_right_logical3A = arith.constant 16 : i32
    %shift_right_logical3A_36 = vector.broadcast %shift_right_logical3A : i32 to vector<16xi32>
    %shift_right_logical3A_37 = arith.shrui %get3A_28, %shift_right_logical3A_36 : vector<16xi32>
    %swap3A_38 = arith.constant 0 : i32
    %swap3A_39 = arith.index_cast %swap3A_38 : i32 to index
    %swap3A_40 = arith.constant 64 : index
    %swap3A_41 = tpu.vector_load %arg11[%swap3A_39, %swap3A_40] {strides = array<i32>} : memref<8x128xi32, #tpu.memory_space<vmem>>, vector<1x16xi32>,
    %swap3A_42 = vector.shape_cast %swap3A_41 : vector<1x16xi32> to vector<16xi32>
    %swap3A_43 = vector.shape_cast %shift_right_logical3A_37 : vector<16xi32> to vector<1x16xi32>
    tpu.vector_store %arg11[%swap3A_39, %swap3A_40], %swap3A_43 {strides = array<i32>} : memref<8x128xi32, #tpu.memory_space<vmem>>, vector<1x16xi32>,
    %get3A_44 = arith.constant 5008 : index
    %get3A_45 = tpu.vector_load %arg10[%get3A_44] {strides = array<i32>} : memref<5120xi32, #tpu.memory_space<vmem>>, vector<16xi32>,
    %get3A_46 = vector.shape_cast %get3A_45 : vector<16xi32> to vector<16xi32>
    %and3A_47 = arith.constant 65535 : i32
    %and3A_48 = vector.broadcast %and3A_47 : i32 to vector<16xi32>
    %and3A_49 = arith.andi %get3A_46, %and3A_48 : vector<16xi32>
    %swap3A_50 = arith.constant 0 : i32
    %swap3A_51 = arith.index_cast %swap3A_50 : i32 to index
    %swap3A_52 = arith.constant 16 : index
    %swap3A_53 = tpu.vector_load %arg11[%swap3A_51, %swap3A_52] {strides = array<i32>} : memref<8x128xi32, #tpu.memory_space<vmem>>, vector<1x16xi32>,
    %swap3A_54 = vector.shape_cast %swap3A_53 : vector<1x16xi32> to vector<16xi32>
    %swap3A_55 = vector.shape_cast %and3A_49 : vector<16xi32> to vector<1x16xi32>
    tpu.vector_store %arg11[%swap3A_51, %swap3A_52], %swap3A_55 {strides = array<i32>} : memref<8x128xi32, #tpu.memory_space<vmem>>, vector<1x16xi32>,
    %shift_right_logical3A_56 = arith.constant 16 : i32
    %shift_right_logical3A_57 = vector.broadcast %shift_right_logical3A_56 : i32 to vector<16xi32>
    %shift_right_logical3A_58 = arith.shrui %get3A_46, %shift_right_logical3A_57 : vector<16xi32>
    %swap3A_59 = arith.constant 0 : i32
    %swap3A_60 = arith.index_cast %swap3A_59 : i32 to index
    %swap3A_61 = arith.constant 80 : index
    %swap3A_62 = tpu.vector_load %arg11[%swap3A_60, %swap3A_61] {strides = array<i32>} : memref<8x128xi32, #tpu.memory_space<vmem>>, vector<1x16xi32>,
    %swap3A_63 = vector.shape_cast %swap3A_62 : vector<1x16xi32> to vector<16xi32>
    %swap3A_64 = vector.shape_cast %shift_right_logical3A_58 : vector<16xi32> to vector<1x16xi32>
    tpu.vector_store %arg11[%swap3A_60, %swap3A_61], %swap3A_64 {strides = array<i32>} : memref<8x128xi32, #tpu.memory_space<vmem>>, vector<1x16xi32>,
    %get3A_65 = arith.constant 5024 : index
    %get3A_66 = tpu.vector_load %arg10[%get3A_65] {strides = array<i32>} : memref<5120xi32, #tpu.memory_space<vmem>>, vector<16xi32>,
    %get3A_67 = vector.shape_cast %get3A_66 : vector<16xi32> to vector<16xi32>
    %and3A_68 = arith.constant 65535 : i32
    %and3A_69 = vector.broadcast %and3A_68 : i32 to vector<16xi32>
    %and3A_70 = arith.andi %get3A_67, %and3A_69 : vector<16xi32>
    %swap3A_71 = arith.constant 0 : i32
    %swap3A_72 = arith.index_cast %swap3A_71 : i32 to index
    %swap3A_73 = arith.constant 32 : index
    %swap3A_74 = tpu.vector_load %arg11[%swap3A_72, %swap3A_73] {strides = array<i32>} : memref<8x128xi32, #tpu.memory_space<vmem>>, vector<1x16xi32>,
    %swap3A_75 = vector.shape_cast %swap3A_74 : vector<1x16xi32> to vector<16xi32>
    %swap3A_76 = vector.shape_cast %and3A_70 : vector<16xi32> to vector<1x16xi32>
    tpu.vector_store %arg11[%swap3A_72, %swap3A_73], %swap3A_76 {strides = array<i32>} : memref<8x128xi32, #tpu.memory_space<vmem>>, vector<1x16xi32>,
    %shift_right_logical3A_77 = arith.constant 16 : i32
    %shift_right_logical3A_78 = vector.broadcast %shift_right_logical3A_77 : i32 to vector<16xi32>
    %shift_right_logical3A_79 = arith.shrui %get3A_67, %shift_right_logical3A_78 : vector<16xi32>
    %swap3A_80 = arith.constant 0 : i32
    %swap3A_81 = arith.index_cast %swap3A_80 : i32 to index
    %swap3A_82 = arith.constant 96 : index
    %swap3A_83 = tpu.vector_load %arg11[%swap3A_81, %swap3A_82] {strides = array<i32>} : memref<8x128xi32, #tpu.memory_space<vmem>>, vector<1x16xi32>,
    %swap3A_84 = vector.shape_cast %swap3A_83 : vector<1x16xi32> to vector<16xi32>
    %swap3A_85 = vector.shape_cast %shift_right_logical3A_79 : vector<16xi32> to vector<1x16xi32>
    tpu.vector_store %arg11[%swap3A_81, %swap3A_82], %swap3A_85 {strides = array<i32>} : memref<8x128xi32, #tpu.memory_space<vmem>>, vector<1x16xi32>,
    %get3A_86 = arith.constant 5040 : index
    %get3A_87 = tpu.vector_load %arg10[%get3A_86] {strides = array<i32>} : memref<5120xi32, #tpu.memory_space<vmem>>, vector<16xi32>,
    %get3A_88 = vector.shape_cast %get3A_87 : vector<16xi32> to vector<16xi32>
    %and3A_89 = arith.constant 65535 : i32
    %and3A_90 = vector.broadcast %and3A_89 : i32 to vector<16xi32>
    %and3A_91 = arith.andi %get3A_88, %and3A_90 : vector<16xi32>
    %swap3A_92 = arith.constant 0 : i32
    %swap3A_93 = arith.index_cast %swap3A_92 : i32 to index
    %swap3A_94 = arith.constant 48 : index
    %swap3A_95 = tpu.vector_load %arg11[%swap3A_93, %swap3A_94] {strides = array<i32>} : memref<8x128xi32, #tpu.memory_space<vmem>>, vector<1x16xi32>,
    %swap3A_96 = vector.shape_cast %swap3A_95 : vector<1x16xi32> to vector<16xi32>
    %swap3A_97 = vector.shape_cast %and3A_91 : vector<16xi32> to vector<1x16xi32>
    tpu.vector_store %arg11[%swap3A_93, %swap3A_94], %swap3A_97 {strides = array<i32>} : memref<8x128xi32, #tpu.memory_space<vmem>>, vector<1x16xi32>,
    %shift_right_logical3A_98 = arith.constant 16 : i32
    %shift_right_logical3A_99 = vector.broadcast %shift_right_logical3A_98 : i32 to vector<16xi32>
    %shift_right_logical3A_100 = arith.shrui %get3A_88, %shift_right_logical3A_99 : vector<16xi32>
    %swap3A_101 = arith.constant 0 : i32
    %swap3A_102 = arith.index_cast %swap3A_101 : i32 to index
    %swap3A_103 = arith.constant 112 : index
    %swap3A_104 = tpu.vector_load %arg11[%swap3A_102, %swap3A_103] {strides = array<i32>} : memref<8x128xi32, #tpu.memory_space<vmem>>, vector<1x16xi32>,
    %swap3A_105 = vector.shape_cast %swap3A_104 : vector<1x16xi32> to vector<16xi32>
    %swap3A_106 = vector.shape_cast %shift_right_logical3A_100 : vector<16xi32> to vector<1x16xi32>
    tpu.vector_store %arg11[%swap3A_102, %swap3A_103], %swap3A_106 {strides = array<i32>} : memref<8x128xi32, #tpu.memory_space<vmem>>, vector<1x16xi32>,
    %run_scoped3A = arith.constant 0 : i32
    "tpu.region"() ({
      %run_scoped3A_207 = tpu.sem_alloc : memref<!tpu.dma_semaphore, #tpu.memory_space<semaphore_mem>>
      %dma_start3A_208 = arith.constant 0 : i32
      %dma_start3A_209 = tpu.memref_slice %arg11[%run_scoped3A, %dma_start3A_208] : memref<8x128xi32, #tpu.memory_space<vmem>> -> memref<1x128xi32, #tpu.memory_space<vmem>>
      %dma_start3A_210 = tpu.memref_squeeze %dma_start3A_209 : memref<1x128xi32, #tpu.memory_space<vmem>> -> memref<128xi32, #tpu.memory_space<vmem>>
      %dma_start3A_211 = arith.constant 0 : i32
      %dma_start3A_212 = arith.constant 0 : i32
      %dma_start3A_213 = tpu.memref_slice %arg8[%dma_start3A_211, %dma_start3A_212] : memref<10016x128xf32, #tpu.memory_space<vmem_shared>> -> memref<10016x128xf32, #tpu.memory_space<vmem_shared>>
      tpu.enqueue_indirect_dma source(%arg12 : memref<128x128xf32, #tpu.memory_space<vmem>>) target(%dma_start3A_213 : memref<10016x128xf32, #tpu.memory_space<vmem_shared>>) offsets(%dma_start3A_210 : memref<128xi32, #tpu.memory_space<vmem>>) semaphore(%run_scoped3A_207 : memref<!tpu.dma_semaphore, #tpu.memory_space<semaphore_mem>>) {add = true}
      %dma_wait3A_214 = arith.constant 0 : i32
      %dma_wait3A_215 = tpu.memref_slice %arg11[%run_scoped3A, %dma_wait3A_214] : memref<8x128xi32, #tpu.memory_space<vmem>> -> memref<1x128xi32, #tpu.memory_space<vmem>>
      %dma_wait3A_216 = tpu.memref_squeeze %dma_wait3A_215 : memref<1x128xi32, #tpu.memory_space<vmem>> -> memref<128xi32, #tpu.memory_space<vmem>>
      %dma_wait3A_217 = arith.constant 0 : i32
      %dma_wait3A_218 = arith.constant 0 : i32
      %dma_wait3A_219 = tpu.memref_slice %arg8[%dma_wait3A_217, %dma_wait3A_218] : memref<10016x128xf32, #tpu.memory_space<vmem_shared>> -> memref<10016x128xf32, #tpu.memory_space<vmem_shared>>
      tpu.wait_indirect_dma semaphore(%run_scoped3A_207 : memref<!tpu.dma_semaphore, #tpu.memory_space<semaphore_mem>>) src(%arg12 : memref<128x128xf32, #tpu.memory_space<vmem>>) dst(%dma_wait3A_219 : memref<10016x128xf32, #tpu.memory_space<vmem_shared>>)
      tpu.yield
    }) : () -> ()
    %dma_wait3A_107 = arith.constant 79 : i32
    %dma_wait3A_108 = arith.constant 0 : i32
    %dma_wait3A_109 = tpu.memref_slice %arg9[%dma_wait3A_107, %dma_wait3A_108] : memref<80x128xi32, #tpu.memory_space<vmem>> -> memref<1x128xi32, #tpu.memory_space<vmem>>
    %dma_wait3A_110 = tpu.memref_squeeze %dma_wait3A_109 : memref<1x128xi32, #tpu.memory_space<vmem>> -> memref<128xi32, #tpu.memory_space<vmem>>
    %dma_wait3A_111 = arith.constant 0 : i32
    %dma_wait3A_112 = arith.constant 0 : i32
    %dma_wait3A_113 = tpu.memref_slice %arg2[%dma_wait3A_111, %dma_wait3A_112] : memref<10000x128xf32, #tpu.memory_space<hbm>> -> memref<10000x128xf32, #tpu.memory_space<hbm>>
    tpu.wait_indirect_dma semaphore(%arg15 : memref<!tpu.dma_semaphore, #tpu.memory_space<semaphore_mem>>) src(%dma_wait3A_113 : memref<10000x128xf32, #tpu.memory_space<hbm>>) dst(%arg13 : memref<128x128xf32, #tpu.memory_space<vmem>>)
    %get3A_114 = arith.constant 5056 : index
    %get3A_115 = tpu.vector_load %arg10[%get3A_114] {strides = array<i32>} : memref<5120xi32, #tpu.memory_space<vmem>>, vector<16xi32>,
    %get3A_116 = vector.shape_cast %get3A_115 : vector<16xi32> to vector<16xi32>
    %and3A_117 = arith.constant 65535 : i32
    %and3A_118 = vector.broadcast %and3A_117 : i32 to vector<16xi32>
    %and3A_119 = arith.andi %get3A_116, %and3A_118 : vector<16xi32>
    %swap3A_120 = arith.constant 1 : i32
    %swap3A_121 = arith.index_cast %swap3A_120 : i32 to index
    %swap3A_122 = arith.constant 0 : index
    %swap3A_123 = tpu.vector_load %arg11[%swap3A_121, %swap3A_122] {strides = array<i32>} : memref<8x128xi32, #tpu.memory_space<vmem>>, vector<1x16xi32>,
    %swap3A_124 = vector.shape_cast %swap3A_123 : vector<1x16xi32> to vector<16xi32>
    %swap3A_125 = vector.shape_cast %and3A_119 : vector<16xi32> to vector<1x16xi32>
    tpu.vector_store %arg11[%swap3A_121, %swap3A_122], %swap3A_125 {strides = array<i32>} : memref<8x128xi32, #tpu.memory_space<vmem>>, vector<1x16xi32>,
    %shift_right_logical3A_126 = arith.constant 16 : i32
    %shift_right_logical3A_127 = vector.broadcast %shift_right_logical3A_126 : i32 to vector<16xi32>
    %shift_right_logical3A_128 = arith.shrui %get3A_116, %shift_right_logical3A_127 : vector<16xi32>
    %swap3A_129 = arith.constant 1 : i32
    %swap3A_130 = arith.index_cast %swap3A_129 : i32 to index
    %swap3A_131 = arith.constant 64 : index
    %swap3A_132 = tpu.vector_load %arg11[%swap3A_130, %swap3A_131] {strides = array<i32>} : memref<8x128xi32, #tpu.memory_space<vmem>>, vector<1x16xi32>,
    %swap3A_133 = vector.shape_cast %swap3A_132 : vector<1x16xi32> to vector<16xi32>
    %swap3A_134 = vector.shape_cast %shift_right_logical3A_128 : vector<16xi32> to vector<1x16xi32>
    tpu.vector_store %arg11[%swap3A_130, %swap3A_131], %swap3A_134 {strides = array<i32>} : memref<8x128xi32, #tpu.memory_space<vmem>>, vector<1x16xi32>,
    %get3A_135 = arith.constant 5072 : index
    %get3A_136 = tpu.vector_load %arg10[%get3A_135] {strides = array<i32>} : memref<5120xi32, #tpu.memory_space<vmem>>, vector<16xi32>,
    %get3A_137 = vector.shape_cast %get3A_136 : vector<16xi32> to vector<16xi32>
    %and3A_138 = arith.constant 65535 : i32
    %and3A_139 = vector.broadcast %and3A_138 : i32 to vector<16xi32>
    %and3A_140 = arith.andi %get3A_137, %and3A_139 : vector<16xi32>
    %swap3A_141 = arith.constant 1 : i32
    %swap3A_142 = arith.index_cast %swap3A_141 : i32 to index
    %swap3A_143 = arith.constant 16 : index
    %swap3A_144 = tpu.vector_load %arg11[%swap3A_142, %swap3A_143] {strides = array<i32>} : memref<8x128xi32, #tpu.memory_space<vmem>>, vector<1x16xi32>,
    %swap3A_145 = vector.shape_cast %swap3A_144 : vector<1x16xi32> to vector<16xi32>
    %swap3A_146 = vector.shape_cast %and3A_140 : vector<16xi32> to vector<1x16xi32>
    tpu.vector_store %arg11[%swap3A_142, %swap3A_143], %swap3A_146 {strides = array<i32>} : memref<8x128xi32, #tpu.memory_space<vmem>>, vector<1x16xi32>,
    %shift_right_logical3A_147 = arith.constant 16 : i32
    %shift_right_logical3A_148 = vector.broadcast %shift_right_logical3A_147 : i32 to vector<16xi32>
    %shift_right_logical3A_149 = arith.shrui %get3A_137, %shift_right_logical3A_148 : vector<16xi32>
    %swap3A_150 = arith.constant 1 : i32
    %swap3A_151 = arith.index_cast %swap3A_150 : i32 to index
    %swap3A_152 = arith.constant 80 : index
    %swap3A_153 = tpu.vector_load %arg11[%swap3A_151, %swap3A_152] {strides = array<i32>} : memref<8x128xi32, #tpu.memory_space<vmem>>, vector<1x16xi32>,
    %swap3A_154 = vector.shape_cast %swap3A_153 : vector<1x16xi32> to vector<16xi32>
    %swap3A_155 = vector.shape_cast %shift_right_logical3A_149 : vector<16xi32> to vector<1x16xi32>
    tpu.vector_store %arg11[%swap3A_151, %swap3A_152], %swap3A_155 {strides = array<i32>} : memref<8x128xi32, #tpu.memory_space<vmem>>, vector<1x16xi32>,
    %get3A_156 = arith.constant 5088 : index
    %get3A_157 = tpu.vector_load %arg10[%get3A_156] {strides = array<i32>} : memref<5120xi32, #tpu.memory_space<vmem>>, vector<16xi32>,
    %get3A_158 = vector.shape_cast %get3A_157 : vector<16xi32> to vector<16xi32>
    %and3A_159 = arith.constant 65535 : i32
    %and3A_160 = vector.broadcast %and3A_159 : i32 to vector<16xi32>
    %and3A_161 = arith.andi %get3A_158, %and3A_160 : vector<16xi32>
    %swap3A_162 = arith.constant 1 : i32
    %swap3A_163 = arith.index_cast %swap3A_162 : i32 to index
    %swap3A_164 = arith.constant 32 : index
    %swap3A_165 = tpu.vector_load %arg11[%swap3A_163, %swap3A_164] {strides = array<i32>} : memref<8x128xi32, #tpu.memory_space<vmem>>, vector<1x16xi32>,
    %swap3A_166 = vector.shape_cast %swap3A_165 : vector<1x16xi32> to vector<16xi32>
    %swap3A_167 = vector.shape_cast %and3A_161 : vector<16xi32> to vector<1x16xi32>
    tpu.vector_store %arg11[%swap3A_163, %swap3A_164], %swap3A_167 {strides = array<i32>} : memref<8x128xi32, #tpu.memory_space<vmem>>, vector<1x16xi32>,
    %shift_right_logical3A_168 = arith.constant 16 : i32
    %shift_right_logical3A_169 = vector.broadcast %shift_right_logical3A_168 : i32 to vector<16xi32>
    %shift_right_logical3A_170 = arith.shrui %get3A_158, %shift_right_logical3A_169 : vector<16xi32>
    %swap3A_171 = arith.constant 1 : i32
    %swap3A_172 = arith.index_cast %swap3A_171 : i32 to index
    %swap3A_173 = arith.constant 96 : index
    %swap3A_174 = tpu.vector_load %arg11[%swap3A_172, %swap3A_173] {strides = array<i32>} : memref<8x128xi32, #tpu.memory_space<vmem>>, vector<1x16xi32>,
    %swap3A_175 = vector.shape_cast %swap3A_174 : vector<1x16xi32> to vector<16xi32>
    %swap3A_176 = vector.shape_cast %shift_right_logical3A_170 : vector<16xi32> to vector<1x16xi32>
    tpu.vector_store %arg11[%swap3A_172, %swap3A_173], %swap3A_176 {strides = array<i32>} : memref<8x128xi32, #tpu.memory_space<vmem>>, vector<1x16xi32>,
    %get3A_177 = arith.constant 5104 : index
    %get3A_178 = tpu.vector_load %arg10[%get3A_177] {strides = array<i32>} : memref<5120xi32, #tpu.memory_space<vmem>>, vector<16xi32>,
    %get3A_179 = vector.shape_cast %get3A_178 : vector<16xi32> to vector<16xi32>
    %and3A_180 = arith.constant 65535 : i32
    %and3A_181 = vector.broadcast %and3A_180 : i32 to vector<16xi32>
    %and3A_182 = arith.andi %get3A_179, %and3A_181 : vector<16xi32>
    %swap3A_183 = arith.constant 1 : i32
    %swap3A_184 = arith.index_cast %swap3A_183 : i32 to index
    %swap3A_185 = arith.constant 48 : index
    %swap3A_186 = tpu.vector_load %arg11[%swap3A_184, %swap3A_185] {strides = array<i32>} : memref<8x128xi32, #tpu.memory_space<vmem>>, vector<1x16xi32>,
    %swap3A_187 = vector.shape_cast %swap3A_186 : vector<1x16xi32> to vector<16xi32>
    %swap3A_188 = vector.shape_cast %and3A_182 : vector<16xi32> to vector<1x16xi32>
    tpu.vector_store %arg11[%swap3A_184, %swap3A_185], %swap3A_188 {strides = array<i32>} : memref<8x128xi32, #tpu.memory_space<vmem>>, vector<1x16xi32>,
    %shift_right_logical3A_189 = arith.constant 16 : i32
    %shift_right_logical3A_190 = vector.broadcast %shift_right_logical3A_189 : i32 to vector<16xi32>
    %shift_right_logical3A_191 = arith.shrui %get3A_179, %shift_right_logical3A_190 : vector<16xi32>
    %swap3A_192 = arith.constant 1 : i32
    %swap3A_193 = arith.index_cast %swap3A_192 : i32 to index
    %swap3A_194 = arith.constant 112 : index
    %swap3A_195 = tpu.vector_load %arg11[%swap3A_193, %swap3A_194] {strides = array<i32>} : memref<8x128xi32, #tpu.memory_space<vmem>>, vector<1x16xi32>,
    %swap3A_196 = vector.shape_cast %swap3A_195 : vector<1x16xi32> to vector<16xi32>
    %swap3A_197 = vector.shape_cast %shift_right_logical3A_191 : vector<16xi32> to vector<1x16xi32>
    tpu.vector_store %arg11[%swap3A_193, %swap3A_194], %swap3A_197 {strides = array<i32>} : memref<8x128xi32, #tpu.memory_space<vmem>>, vector<1x16xi32>,
    %run_scoped3A_198 = arith.constant 1 : i32
    "tpu.region"() ({
      %run_scoped3A_207 = tpu.sem_alloc : memref<!tpu.dma_semaphore, #tpu.memory_space<semaphore_mem>>
      %dma_start3A_208 = arith.constant 0 : i32
      %dma_start3A_209 = tpu.memref_slice %arg11[%run_scoped3A_198, %dma_start3A_208] : memref<8x128xi32, #tpu.memory_space<vmem>> -> memref<1x128xi32, #tpu.memory_space<vmem>>
      %dma_start3A_210 = tpu.memref_squeeze %dma_start3A_209 : memref<1x128xi32, #tpu.memory_space<vmem>> -> memref<128xi32, #tpu.memory_space<vmem>>
      %dma_start3A_211 = arith.constant 0 : i32
      %dma_start3A_212 = arith.constant 0 : i32
      %dma_start3A_213 = tpu.memref_slice %arg8[%dma_start3A_211, %dma_start3A_212] : memref<10016x128xf32, #tpu.memory_space<vmem_shared>> -> memref<10016x128xf32, #tpu.memory_space<vmem_shared>>
      tpu.enqueue_indirect_dma source(%arg13 : memref<128x128xf32, #tpu.memory_space<vmem>>) target(%dma_start3A_213 : memref<10016x128xf32, #tpu.memory_space<vmem_shared>>) offsets(%dma_start3A_210 : memref<128xi32, #tpu.memory_space<vmem>>) semaphore(%run_scoped3A_207 : memref<!tpu.dma_semaphore, #tpu.memory_space<semaphore_mem>>) {add = true}
      %dma_wait3A_214 = arith.constant 0 : i32
      %dma_wait3A_215 = tpu.memref_slice %arg11[%run_scoped3A_198, %dma_wait3A_214] : memref<8x128xi32, #tpu.memory_space<vmem>> -> memref<1x128xi32, #tpu.memory_space<vmem>>
      %dma_wait3A_216 = tpu.memref_squeeze %dma_wait3A_215 : memref<1x128xi32, #tpu.memory_space<vmem>> -> memref<128xi32, #tpu.memory_space<vmem>>
      %dma_wait3A_217 = arith.constant 0 : i32
      %dma_wait3A_218 = arith.constant 0 : i32
      %dma_wait3A_219 = tpu.memref_slice %arg8[%dma_wait3A_217, %dma_wait3A_218] : memref<10016x128xf32, #tpu.memory_space<vmem_shared>> -> memref<10016x128xf32, #tpu.memory_space<vmem_shared>>
      tpu.wait_indirect_dma semaphore(%run_scoped3A_207 : memref<!tpu.dma_semaphore, #tpu.memory_space<semaphore_mem>>) src(%arg13 : memref<128x128xf32, #tpu.memory_space<vmem>>) dst(%dma_wait3A_219 : memref<10016x128xf32, #tpu.memory_space<vmem_shared>>)
      tpu.yield
    }) : () -> ()
    %barrier3A_199 = arith.constant 0 : index
    tpu.barrier barrier_id(%barrier3A_199)
    %eq3A = arith.constant 0 : i32
    %eq3A_200 = arith.cmpi eq, %arg0, %eq3A : i32
    %convert_element_type3A = arith.extui %eq3A_200 : i1 to i32
    %cond3A = arith.constant 0 : i32
    %cond3A_201 = arith.cmpi ne, %convert_element_type3A, %cond3A : i32
    scf.if %cond3A_201 {
      %mul3A_207 = arith.constant 624 : i32
      %mul3A_208 = arith.muli %arg1, %mul3A_207 : i32
      %mul3A_209 = arith.constant 624 : i32
      %mul3A_210 = arith.muli %arg1, %mul3A_209 : i32
      "tpu.region"() ({
        %run_scoped3A_211 = tpu.sem_alloc : memref<!tpu.dma_semaphore, #tpu.memory_space<semaphore_mem>>
        %dma_start3A_212 = arith.constant 0 : i32
        %dma_start3A_213 = tpu.memref_slice %arg6[%mul3A_210, %dma_start3A_212] : memref<10000x128xf32, #tpu.memory_space<hbm>> -> memref<640x128xf32, #tpu.memory_space<hbm>>
        %dma_start3A_214 = arith.constant 0 : i32
        %dma_start3A_215 = tpu.memref_slice %arg8[%mul3A_208, %dma_start3A_214] : memref<10016x128xf32, #tpu.memory_space<vmem_shared>> -> memref<640x128xf32, #tpu.memory_space<vmem_shared>>
        tpu.enqueue_dma source(%dma_start3A_215 : memref<640x128xf32, #tpu.memory_space<vmem_shared>>) target(%dma_start3A_213 : memref<640x128xf32, #tpu.memory_space<hbm>>) target_semaphore(%run_scoped3A_211 : memref<!tpu.dma_semaphore, #tpu.memory_space<semaphore_mem>>)
        %dma_wait3A_216 = arith.constant 0 : i32
        %dma_wait3A_217 = tpu.memref_slice %arg6[%mul3A_210, %dma_wait3A_216] : memref<10000x128xf32, #tpu.memory_space<hbm>> -> memref<640x128xf32, #tpu.memory_space<hbm>>
        %dma_wait3A_218 = arith.constant 0 : i32
        %dma_wait3A_219 = tpu.memref_slice %arg8[%mul3A_208, %dma_wait3A_218] : memref<10016x128xf32, #tpu.memory_space<vmem_shared>> -> memref<640x128xf32, #tpu.memory_space<vmem_shared>>
        tpu.wait_dma2 semaphore(%run_scoped3A_211 : memref<!tpu.dma_semaphore, #tpu.memory_space<semaphore_mem>>) src(%dma_wait3A_219 : memref<640x128xf32, #tpu.memory_space<vmem_shared>>) dst(%dma_wait3A_217 : memref<640x128xf32, #tpu.memory_space<hbm>>)
        tpu.yield
      }) : () -> ()
    } else {
    }
    %eq3A_202 = arith.constant 1 : i32
    %eq3A_203 = arith.cmpi eq, %arg0, %eq3A_202 : i32
    %convert_element_type3A_204 = arith.extui %eq3A_203 : i1 to i32
    %cond3A_205 = arith.constant 0 : i32
    %cond3A_206 = arith.cmpi ne, %convert_element_type3A_204, %cond3A_205 : i32
    scf.if %cond3A_206 {
      %mul3A_207 = arith.constant 624 : i32
      %mul3A_208 = arith.muli %arg1, %mul3A_207 : i32
      %mul3A_209 = arith.constant 624 : i32
      %mul3A_210 = arith.muli %arg1, %mul3A_209 : i32
      "tpu.region"() ({
        %run_scoped3A_211 = tpu.sem_alloc : memref<!tpu.dma_semaphore, #tpu.memory_space<semaphore_mem>>
        %dma_start3A_212 = arith.constant 0 : i32
        %dma_start3A_213 = tpu.memref_slice %arg7[%mul3A_210, %dma_start3A_212] : memref<10000x128xf32, #tpu.memory_space<hbm>> -> memref<640x128xf32, #tpu.memory_space<hbm>>
        %dma_start3A_214 = arith.constant 0 : i32
        %dma_start3A_215 = tpu.memref_slice %arg8[%mul3A_208, %dma_start3A_214] : memref<10016x128xf32, #tpu.memory_space<vmem_shared>> -> memref<640x128xf32, #tpu.memory_space<vmem_shared>>
        tpu.enqueue_dma source(%dma_start3A_215 : memref<640x128xf32, #tpu.memory_space<vmem_shared>>) target(%dma_start3A_213 : memref<640x128xf32, #tpu.memory_space<hbm>>) target_semaphore(%run_scoped3A_211 : memref<!tpu.dma_semaphore, #tpu.memory_space<semaphore_mem>>)
        %dma_wait3A_216 = arith.constant 0 : i32
        %dma_wait3A_217 = tpu.memref_slice %arg7[%mul3A_210, %dma_wait3A_216] : memref<10000x128xf32, #tpu.memory_space<hbm>> -> memref<640x128xf32, #tpu.memory_space<hbm>>
        %dma_wait3A_218 = arith.constant 0 : i32
        %dma_wait3A_219 = tpu.memref_slice %arg8[%mul3A_208, %dma_wait3A_218] : memref<10016x128xf32, #tpu.memory_space<vmem_shared>> -> memref<640x128xf32, #tpu.memory_space<vmem_shared>>
        tpu.wait_dma2 semaphore(%run_scoped3A_211 : memref<!tpu.dma_semaphore, #tpu.memory_space<semaphore_mem>>) src(%dma_wait3A_219 : memref<640x128xf32, #tpu.memory_space<vmem_shared>>) dst(%dma_wait3A_217 : memref<640x128xf32, #tpu.memory_space<hbm>>)
        tpu.yield
      }) : () -> ()
    } else {
    }
    return
  }
}

module attributes {stable_mosaic.version = 14 : i64} {
  func.func @body(%arg0: i32, %arg1: memref<2000x128xf32, #tpu.memory_space<vmem>>, %arg2: memref<128x128xf32, #tpu.memory_space<vmem>>, %arg3: memref<2000x128xf32, #tpu.memory_space<vmem>>) attributes {dimension_semantics = [#tpu.dimension_semantics<arbitrary>], iteration_bounds = array<i64: 5>, scalar_prefetch = 0 : i64, scratch_operands = 0 : i64, tpu.core_type = #tpu.core_type<tc>, window_params = [{transform_indices = @transform_0, window_bounds = array<i64: 2000, 128>}, {pipeline_mode = #tpu.pipeline_mode<synchronous>, transform_indices = @transform_1, window_bounds = array<i64: 128, 128>}, {transform_indices = @transform_2, window_bounds = array<i64: 2000, 128>}]} {
    %get3A = arith.constant 0 : index
    %get3A_0 = arith.constant 0 : index
    %get3A_1 = vector.load %arg1[%get3A, %get3A_0] : memref<2000x128xf32, #tpu.memory_space<vmem>>, vector<2000x128xf32>
    %get3A_2 = arith.constant 0 : index
    %get3A_3 = arith.constant 0 : index
    %get3A_4 = vector.load %arg2[%get3A_2, %get3A_3] : memref<128x128xf32, #tpu.memory_space<vmem>>, vector<128x128xf32>
    %dot_general3A = arith.constant dense<0.000000e+00> : vector<2000x128xf32>
    %dot_general3A_5 = tpu.matmul %get3A_1, %get3A_4, %dot_general3A {dimension_numbers = #tpu.dot_dimension_numbers<[1], [0], [0], [1], [0, 0, 1, 1], [], []>, precision = #tpu.contract_precision<fp32>, transpose_lhs_hint = false} : vector<2000x128xf32>, vector<128x128xf32>, vector<2000x128xf32> -> vector<2000x128xf32>
    %swap3A = arith.constant 0 : index
    %swap3A_6 = arith.constant 0 : index
    %swap3A_7 = vector.load %arg3[%swap3A, %swap3A_6] : memref<2000x128xf32, #tpu.memory_space<vmem>>, vector<2000x128xf32>
    tpu.vector_store %arg3[%swap3A, %swap3A_6], %dot_general3A_5 {strides = array<i32>} : memref<2000x128xf32, #tpu.memory_space<vmem>>, vector<2000x128xf32>,
    return
  }
  func.func @transform_0(%arg0: i32) -> (i32, i32) {
    %c0_i32 = arith.constant 0 : i32
    %c0_i32_0 = arith.constant 0 : i32
    return %arg0, %c0_i32 : i32, i32
  }
  func.func @transform_1(%arg0: i32) -> (i32, i32) {
    %c0_i32 = arith.constant 0 : i32
    %c0_i32_0 = arith.constant 0 : i32
    %c0_i32_1 = arith.constant 0 : i32
    return %c0_i32, %c0_i32_0 : i32, i32
  }
  func.func @transform_2(%arg0: i32) -> (i32, i32) {
    %c0_i32 = arith.constant 0 : i32
    %c0_i32_0 = arith.constant 0 : i32
    return %arg0, %c0_i32 : i32, i32
  }
}

module attributes {stable_mosaic.version = 14 : i64} {
  func.func @body(%arg0: i32, %arg1: memref<2000x128xf32, #tpu.memory_space<vmem>>, %arg2: memref<2000x128xf32, #tpu.memory_space<vmem>>, %arg3: memref<2000x128xf32, #tpu.memory_space<vmem>>, %arg4: memref<128x128xf32, #tpu.memory_space<vmem>>, %arg5: memref<1x128xf32, #tpu.memory_space<vmem>>, %arg6: memref<1x128xf32, #tpu.memory_space<vmem>>, %arg7: memref<1x128xf32, #tpu.memory_space<vmem>>, %arg8: memref<128x128xf32, #tpu.memory_space<vmem>>, %arg9: memref<2000x128xf32, #tpu.memory_space<vmem>>, %arg10: memref<2000x128xf32, #tpu.memory_space<vmem>>) attributes {dimension_semantics = [#tpu.dimension_semantics<arbitrary>], iteration_bounds = array<i64: 5>, scalar_prefetch = 0 : i64, scratch_operands = 0 : i64, tpu.core_type = #tpu.core_type<tc>, window_params = [{transform_indices = @transform_0, window_bounds = array<i64: 2000, 128>}, {transform_indices = @transform_1, window_bounds = array<i64: 2000, 128>}, {transform_indices = @transform_2, window_bounds = array<i64: 2000, 128>}, {pipeline_mode = #tpu.pipeline_mode<synchronous>, transform_indices = @transform_3, window_bounds = array<i64: 128, 128>}, {pipeline_mode = #tpu.pipeline_mode<synchronous>, transform_indices = @transform_4, window_bounds = array<i64: 1, 128>}, {pipeline_mode = #tpu.pipeline_mode<synchronous>, transform_indices = @transform_5, window_bounds = array<i64: 1, 128>}, {pipeline_mode = #tpu.pipeline_mode<synchronous>, transform_indices = @transform_6, window_bounds = array<i64: 1, 128>}, {pipeline_mode = #tpu.pipeline_mode<synchronous>, transform_indices = @transform_7, window_bounds = array<i64: 128, 128>}, {transform_indices = @transform_8, window_bounds = array<i64: 2000, 128>}, {transform_indices = @transform_9, window_bounds = array<i64: 2000, 128>}]} {
    %get3A = arith.constant 0 : index
    %get3A_0 = arith.constant 0 : index
    %get3A_1 = vector.load %arg1[%get3A, %get3A_0] : memref<2000x128xf32, #tpu.memory_space<vmem>>, vector<2000x128xf32>
    %get3A_2 = arith.constant 0 : index
    %get3A_3 = arith.constant 0 : index
    %get3A_4 = vector.load %arg4[%get3A_2, %get3A_3] : memref<128x128xf32, #tpu.memory_space<vmem>>, vector<128x128xf32>
    %dot_general3A = arith.constant dense<0.000000e+00> : vector<2000x128xf32>
    %dot_general3A_5 = tpu.matmul %get3A_1, %get3A_4, %dot_general3A {dimension_numbers = #tpu.dot_dimension_numbers<[1], [0], [0], [1], [0, 0, 1, 1], [], []>, precision = #tpu.contract_precision<fp32>, transpose_lhs_hint = false} : vector<2000x128xf32>, vector<128x128xf32>, vector<2000x128xf32> -> vector<2000x128xf32>
    %get3A_6 = arith.constant 0 : index
    %get3A_7 = arith.constant 0 : index
    %get3A_8 = vector.load %arg2[%get3A_6, %get3A_7] : memref<2000x128xf32, #tpu.memory_space<vmem>>, vector<2000x128xf32>
    %add3A = arith.addf %dot_general3A_5, %get3A_8 : vector<2000x128xf32>
    %get3A_9 = arith.constant 0 : index
    %get3A_10 = arith.constant 0 : index
    %get3A_11 = vector.load %arg3[%get3A_9, %get3A_10] : memref<2000x128xf32, #tpu.memory_space<vmem>>, vector<2000x128xf32>
    %add3A_12 = arith.addf %add3A, %get3A_11 : vector<2000x128xf32>
    %get3A_13 = arith.constant 0 : index
    %get3A_14 = arith.constant 0 : index
    %get3A_15 = vector.load %arg5[%get3A_13, %get3A_14] : memref<1x128xf32, #tpu.memory_space<vmem>>, vector<1x128xf32>
    %add3A_16 = vector.broadcast %get3A_15 : vector<1x128xf32> to vector<2000x128xf32>
    %add3A_17 = arith.addf %add3A_12, %add3A_16 : vector<2000x128xf32>
    %reduce_sum3A = arith.constant dense<0.000000e+00> : vector<2000xf32>
    %reduce_sum3A_18 = vector.multi_reduction <add>, %add3A_17, %reduce_sum3A [1] : vector<2000x128xf32> to vector<2000xf32>
    %broadcast_in_dim3A = vector.shape_cast %reduce_sum3A_18 : vector<2000xf32> to vector<2000x1xf32>
    %div3A = arith.constant 1.280000e+02 : f32
    %div3A_19 = vector.broadcast %div3A : f32 to vector<2000x1xf32>
    %div3A_20 = arith.divf %broadcast_in_dim3A, %div3A_19 : vector<2000x1xf32>
    %sub3A = vector.broadcast %div3A_20 : vector<2000x1xf32> to vector<2000x128xf32>
    %sub3A_21 = arith.subf %add3A_17, %sub3A : vector<2000x128xf32>
    %mul3A = arith.mulf %sub3A_21, %sub3A_21 : vector<2000x128xf32>
    %reduce_sum3A_22 = arith.constant dense<0.000000e+00> : vector<2000xf32>
    %reduce_sum3A_23 = vector.multi_reduction <add>, %mul3A, %reduce_sum3A_22 [1] : vector<2000x128xf32> to vector<2000xf32>
    %broadcast_in_dim3A_24 = vector.shape_cast %reduce_sum3A_23 : vector<2000xf32> to vector<2000x1xf32>
    %div3A_25 = arith.constant 1.280000e+02 : f32
    %div3A_26 = vector.broadcast %div3A_25 : f32 to vector<2000x1xf32>
    %div3A_27 = arith.divf %broadcast_in_dim3A_24, %div3A_26 : vector<2000x1xf32>
    %add3A_28 = arith.constant 9.99999974E-6 : f32
    %add3A_29 = vector.broadcast %add3A_28 : f32 to vector<2000x1xf32>
    %add3A_30 = arith.addf %div3A_27, %add3A_29 : vector<2000x1xf32>
    %rsqrt3A = math.rsqrt %add3A_30 : vector<2000x1xf32>
    %mul3A_31 = vector.broadcast %rsqrt3A : vector<2000x1xf32> to vector<2000x128xf32>
    %mul3A_32 = arith.mulf %sub3A_21, %mul3A_31 : vector<2000x128xf32>
    %get3A_33 = arith.constant 0 : index
    %get3A_34 = arith.constant 0 : index
    %get3A_35 = vector.load %arg6[%get3A_33, %get3A_34] : memref<1x128xf32, #tpu.memory_space<vmem>>, vector<1x128xf32>
    %mul3A_36 = vector.broadcast %get3A_35 : vector<1x128xf32> to vector<2000x128xf32>
    %mul3A_37 = arith.mulf %mul3A_32, %mul3A_36 : vector<2000x128xf32>
    %get3A_38 = arith.constant 0 : index
    %get3A_39 = arith.constant 0 : index
    %get3A_40 = vector.load %arg7[%get3A_38, %get3A_39] : memref<1x128xf32, #tpu.memory_space<vmem>>, vector<1x128xf32>
    %add3A_41 = vector.broadcast %get3A_40 : vector<1x128xf32> to vector<2000x128xf32>
    %add3A_42 = arith.addf %mul3A_37, %add3A_41 : vector<2000x128xf32>
    %max3A = arith.constant 0.000000e+00 : f32
    %max3A_43 = vector.broadcast %max3A : f32 to vector<2000x128xf32>
    %max3A_44 = arith.maximumf %add3A_42, %max3A_43 : vector<2000x128xf32>
    %swap3A = arith.constant 0 : index
    %swap3A_45 = arith.constant 0 : index
    %swap3A_46 = vector.load %arg9[%swap3A, %swap3A_45] : memref<2000x128xf32, #tpu.memory_space<vmem>>, vector<2000x128xf32>
    tpu.vector_store %arg9[%swap3A, %swap3A_45], %max3A_44 {strides = array<i32>} : memref<2000x128xf32, #tpu.memory_space<vmem>>, vector<2000x128xf32>,
    %get3A_47 = arith.constant 0 : index
    %get3A_48 = arith.constant 0 : index
    %get3A_49 = vector.load %arg8[%get3A_47, %get3A_48] : memref<128x128xf32, #tpu.memory_space<vmem>>, vector<128x128xf32>
    %dot_general3A_50 = arith.constant dense<0.000000e+00> : vector<2000x128xf32>
    %dot_general3A_51 = tpu.matmul %max3A_44, %get3A_49, %dot_general3A_50 {dimension_numbers = #tpu.dot_dimension_numbers<[1], [0], [0], [1], [0, 0, 1, 1], [], []>, precision = #tpu.contract_precision<fp32>, transpose_lhs_hint = false} : vector<2000x128xf32>, vector<128x128xf32>, vector<2000x128xf32> -> vector<2000x128xf32>
    %swap3A_52 = arith.constant 0 : index
    %swap3A_53 = arith.constant 0 : index
    %swap3A_54 = vector.load %arg10[%swap3A_52, %swap3A_53] : memref<2000x128xf32, #tpu.memory_space<vmem>>, vector<2000x128xf32>
    tpu.vector_store %arg10[%swap3A_52, %swap3A_53], %dot_general3A_51 {strides = array<i32>} : memref<2000x128xf32, #tpu.memory_space<vmem>>, vector<2000x128xf32>,
    return
  }
  func.func @transform_0(%arg0: i32) -> (i32, i32) {
    %c0_i32 = arith.constant 0 : i32
    %c0_i32_0 = arith.constant 0 : i32
    return %arg0, %c0_i32 : i32, i32
  }
  func.func @transform_1(%arg0: i32) -> (i32, i32) {
    %c0_i32 = arith.constant 0 : i32
    %c0_i32_0 = arith.constant 0 : i32
    return %arg0, %c0_i32 : i32, i32
  }
  func.func @transform_2(%arg0: i32) -> (i32, i32) {
    %c0_i32 = arith.constant 0 : i32
    %c0_i32_0 = arith.constant 0 : i32
    return %arg0, %c0_i32 : i32, i32
  }
  func.func @transform_3(%arg0: i32) -> (i32, i32) {
    %c0_i32 = arith.constant 0 : i32
    %c0_i32_0 = arith.constant 0 : i32
    %c0_i32_1 = arith.constant 0 : i32
    return %c0_i32, %c0_i32_0 : i32, i32
  }
  func.func @transform_4(%arg0: i32) -> (i32, i32) {
    %c0_i32 = arith.constant 0 : i32
    %c0_i32_0 = arith.constant 0 : i32
    %c0_i32_1 = arith.constant 0 : i32
    return %c0_i32, %c0_i32_0 : i32, i32
  }
  func.func @transform_5(%arg0: i32) -> (i32, i32) {
    %c0_i32 = arith.constant 0 : i32
    %c0_i32_0 = arith.constant 0 : i32
    %c0_i32_1 = arith.constant 0 : i32
    return %c0_i32, %c0_i32_0 : i32, i32
  }
  func.func @transform_6(%arg0: i32) -> (i32, i32) {
    %c0_i32 = arith.constant 0 : i32
    %c0_i32_0 = arith.constant 0 : i32
    %c0_i32_1 = arith.constant 0 : i32
    return %c0_i32, %c0_i32_0 : i32, i32
  }
  func.func @transform_7(%arg0: i32) -> (i32, i32) {
    %c0_i32 = arith.constant 0 : i32
    %c0_i32_0 = arith.constant 0 : i32
    %c0_i32_1 = arith.constant 0 : i32
    return %c0_i32, %c0_i32_0 : i32, i32
  }
  func.func @transform_8(%arg0: i32) -> (i32, i32) {
    %c0_i32 = arith.constant 0 : i32
    %c0_i32_0 = arith.constant 0 : i32
    return %arg0, %c0_i32 : i32, i32
  }
  func.func @transform_9(%arg0: i32) -> (i32, i32) {
    %c0_i32 = arith.constant 0 : i32
    %c0_i32_0 = arith.constant 0 : i32
    return %arg0, %c0_i32 : i32, i32
  }
}

module attributes {stable_mosaic.version = 14 : i64} {
  func.func @body(%arg0: i32, %arg1: memref<2000x128xf32, #tpu.memory_space<vmem>>, %arg2: memref<2000x128xf32, #tpu.memory_space<vmem>>, %arg3: memref<2000x128xf32, #tpu.memory_space<vmem>>, %arg4: memref<128x128xf32, #tpu.memory_space<vmem>>, %arg5: memref<1x128xf32, #tpu.memory_space<vmem>>, %arg6: memref<1x128xf32, #tpu.memory_space<vmem>>, %arg7: memref<1x128xf32, #tpu.memory_space<vmem>>, %arg8: memref<2000x128xf32, #tpu.memory_space<vmem>>) attributes {dimension_semantics = [#tpu.dimension_semantics<arbitrary>], iteration_bounds = array<i64: 5>, scalar_prefetch = 0 : i64, scratch_operands = 0 : i64, tpu.core_type = #tpu.core_type<tc>, window_params = [{transform_indices = @transform_0, window_bounds = array<i64: 2000, 128>}, {transform_indices = @transform_1, window_bounds = array<i64: 2000, 128>}, {transform_indices = @transform_2, window_bounds = array<i64: 2000, 128>}, {pipeline_mode = #tpu.pipeline_mode<synchronous>, transform_indices = @transform_3, window_bounds = array<i64: 128, 128>}, {pipeline_mode = #tpu.pipeline_mode<synchronous>, transform_indices = @transform_4, window_bounds = array<i64: 1, 128>}, {pipeline_mode = #tpu.pipeline_mode<synchronous>, transform_indices = @transform_5, window_bounds = array<i64: 1, 128>}, {pipeline_mode = #tpu.pipeline_mode<synchronous>, transform_indices = @transform_6, window_bounds = array<i64: 1, 128>}, {transform_indices = @transform_7, window_bounds = array<i64: 2000, 128>}]} {
    %get3A = arith.constant 0 : index
    %get3A_0 = arith.constant 0 : index
    %get3A_1 = vector.load %arg1[%get3A, %get3A_0] : memref<2000x128xf32, #tpu.memory_space<vmem>>, vector<2000x128xf32>
    %get3A_2 = arith.constant 0 : index
    %get3A_3 = arith.constant 0 : index
    %get3A_4 = vector.load %arg4[%get3A_2, %get3A_3] : memref<128x128xf32, #tpu.memory_space<vmem>>, vector<128x128xf32>
    %dot_general3A = arith.constant dense<0.000000e+00> : vector<2000x128xf32>
    %dot_general3A_5 = tpu.matmul %get3A_1, %get3A_4, %dot_general3A {dimension_numbers = #tpu.dot_dimension_numbers<[1], [0], [0], [1], [0, 0, 1, 1], [], []>, precision = #tpu.contract_precision<fp32>, transpose_lhs_hint = false} : vector<2000x128xf32>, vector<128x128xf32>, vector<2000x128xf32> -> vector<2000x128xf32>
    %get3A_6 = arith.constant 0 : index
    %get3A_7 = arith.constant 0 : index
    %get3A_8 = vector.load %arg2[%get3A_6, %get3A_7] : memref<2000x128xf32, #tpu.memory_space<vmem>>, vector<2000x128xf32>
    %add3A = arith.addf %dot_general3A_5, %get3A_8 : vector<2000x128xf32>
    %get3A_9 = arith.constant 0 : index
    %get3A_10 = arith.constant 0 : index
    %get3A_11 = vector.load %arg3[%get3A_9, %get3A_10] : memref<2000x128xf32, #tpu.memory_space<vmem>>, vector<2000x128xf32>
    %add3A_12 = arith.addf %add3A, %get3A_11 : vector<2000x128xf32>
    %get3A_13 = arith.constant 0 : index
    %get3A_14 = arith.constant 0 : index
    %get3A_15 = vector.load %arg5[%get3A_13, %get3A_14] : memref<1x128xf32, #tpu.memory_space<vmem>>, vector<1x128xf32>
    %add3A_16 = vector.broadcast %get3A_15 : vector<1x128xf32> to vector<2000x128xf32>
    %add3A_17 = arith.addf %add3A_12, %add3A_16 : vector<2000x128xf32>
    %reduce_sum3A = arith.constant dense<0.000000e+00> : vector<2000xf32>
    %reduce_sum3A_18 = vector.multi_reduction <add>, %add3A_17, %reduce_sum3A [1] : vector<2000x128xf32> to vector<2000xf32>
    %broadcast_in_dim3A = vector.shape_cast %reduce_sum3A_18 : vector<2000xf32> to vector<2000x1xf32>
    %div3A = arith.constant 1.280000e+02 : f32
    %div3A_19 = vector.broadcast %div3A : f32 to vector<2000x1xf32>
    %div3A_20 = arith.divf %broadcast_in_dim3A, %div3A_19 : vector<2000x1xf32>
    %sub3A = vector.broadcast %div3A_20 : vector<2000x1xf32> to vector<2000x128xf32>
    %sub3A_21 = arith.subf %add3A_17, %sub3A : vector<2000x128xf32>
    %mul3A = arith.mulf %sub3A_21, %sub3A_21 : vector<2000x128xf32>
    %reduce_sum3A_22 = arith.constant dense<0.000000e+00> : vector<2000xf32>
    %reduce_sum3A_23 = vector.multi_reduction <add>, %mul3A, %reduce_sum3A_22 [1] : vector<2000x128xf32> to vector<2000xf32>
    %broadcast_in_dim3A_24 = vector.shape_cast %reduce_sum3A_23 : vector<2000xf32> to vector<2000x1xf32>
    %div3A_25 = arith.constant 1.280000e+02 : f32
    %div3A_26 = vector.broadcast %div3A_25 : f32 to vector<2000x1xf32>
    %div3A_27 = arith.divf %broadcast_in_dim3A_24, %div3A_26 : vector<2000x1xf32>
    %add3A_28 = arith.constant 9.99999974E-6 : f32
    %add3A_29 = vector.broadcast %add3A_28 : f32 to vector<2000x1xf32>
    %add3A_30 = arith.addf %div3A_27, %add3A_29 : vector<2000x1xf32>
    %rsqrt3A = math.rsqrt %add3A_30 : vector<2000x1xf32>
    %mul3A_31 = vector.broadcast %rsqrt3A : vector<2000x1xf32> to vector<2000x128xf32>
    %mul3A_32 = arith.mulf %sub3A_21, %mul3A_31 : vector<2000x128xf32>
    %get3A_33 = arith.constant 0 : index
    %get3A_34 = arith.constant 0 : index
    %get3A_35 = vector.load %arg6[%get3A_33, %get3A_34] : memref<1x128xf32, #tpu.memory_space<vmem>>, vector<1x128xf32>
    %mul3A_36 = vector.broadcast %get3A_35 : vector<1x128xf32> to vector<2000x128xf32>
    %mul3A_37 = arith.mulf %mul3A_32, %mul3A_36 : vector<2000x128xf32>
    %get3A_38 = arith.constant 0 : index
    %get3A_39 = arith.constant 0 : index
    %get3A_40 = vector.load %arg7[%get3A_38, %get3A_39] : memref<1x128xf32, #tpu.memory_space<vmem>>, vector<1x128xf32>
    %add3A_41 = vector.broadcast %get3A_40 : vector<1x128xf32> to vector<2000x128xf32>
    %add3A_42 = arith.addf %mul3A_37, %add3A_41 : vector<2000x128xf32>
    %max3A = arith.constant 0.000000e+00 : f32
    %max3A_43 = vector.broadcast %max3A : f32 to vector<2000x128xf32>
    %max3A_44 = arith.maximumf %add3A_42, %max3A_43 : vector<2000x128xf32>
    %swap3A = arith.constant 0 : index
    %swap3A_45 = arith.constant 0 : index
    %swap3A_46 = vector.load %arg8[%swap3A, %swap3A_45] : memref<2000x128xf32, #tpu.memory_space<vmem>>, vector<2000x128xf32>
    tpu.vector_store %arg8[%swap3A, %swap3A_45], %max3A_44 {strides = array<i32>} : memref<2000x128xf32, #tpu.memory_space<vmem>>, vector<2000x128xf32>,
    return
  }
  func.func @transform_0(%arg0: i32) -> (i32, i32) {
    %c0_i32 = arith.constant 0 : i32
    %c0_i32_0 = arith.constant 0 : i32
    return %arg0, %c0_i32 : i32, i32
  }
  func.func @transform_1(%arg0: i32) -> (i32, i32) {
    %c0_i32 = arith.constant 0 : i32
    %c0_i32_0 = arith.constant 0 : i32
    return %arg0, %c0_i32 : i32, i32
  }
  func.func @transform_2(%arg0: i32) -> (i32, i32) {
    %c0_i32 = arith.constant 0 : i32
    %c0_i32_0 = arith.constant 0 : i32
    return %arg0, %c0_i32 : i32, i32
  }
  func.func @transform_3(%arg0: i32) -> (i32, i32) {
    %c0_i32 = arith.constant 0 : i32
    %c0_i32_0 = arith.constant 0 : i32
    %c0_i32_1 = arith.constant 0 : i32
    return %c0_i32, %c0_i32_0 : i32, i32
  }
  func.func @transform_4(%arg0: i32) -> (i32, i32) {
    %c0_i32 = arith.constant 0 : i32
    %c0_i32_0 = arith.constant 0 : i32
    %c0_i32_1 = arith.constant 0 : i32
    return %c0_i32, %c0_i32_0 : i32, i32
  }
  func.func @transform_5(%arg0: i32) -> (i32, i32) {
    %c0_i32 = arith.constant 0 : i32
    %c0_i32_0 = arith.constant 0 : i32
    %c0_i32_1 = arith.constant 0 : i32
    return %c0_i32, %c0_i32_0 : i32, i32
  }
  func.func @transform_6(%arg0: i32) -> (i32, i32) {
    %c0_i32 = arith.constant 0 : i32
    %c0_i32_0 = arith.constant 0 : i32
    %c0_i32_1 = arith.constant 0 : i32
    return %c0_i32, %c0_i32_0 : i32, i32
  }
  func.func @transform_7(%arg0: i32) -> (i32, i32) {
    %c0_i32 = arith.constant 0 : i32
    %c0_i32_0 = arith.constant 0 : i32
    return %arg0, %c0_i32 : i32, i32
  }
}

</mosaic_0001>

<sc_bundles>
// kernel: kernel.12.cloned.1.call-start
scs
__scs_entry_jumppad:
0x0: {  	(pc) =	sbr.rel $0x88, $3  }
0x1: {  	(tag) =	ssettag $0x0;
	lr =	simm.s32 $0x1  }
0x2: {  	[smem:$0x3F90] =	sst lr;
	_ =	strace $0xD0000000  }
0x3: {  	_ = 	snop  }
0x4: {  	_ = 	snop  }
0x5: {  	_ = 	snop  }
0x6: {  	_ = 	snop  }
0x7: {  	_ = 	snop  }
__scs_overlays_trampoline_lowered:
0x8: {  	[smem:$0x3F9F] =	sst s0  }
0x9: {  	[smem:$0x3FA0] =	sst s1  }
0xa: {  	[smem:$0x3FA1] =	sst s2  }
0xb: {  	[smem:$0x3FA2] =	sst s3  }
0xc: {  	[smem:$0x3FA3] =	sst s4  }
0xd: {  	[smem:$0x3FA4] =	sst s5  }
0xe: {  	[smem:$0x3FA5] =	sst s6  }
0xf: {  	[smem:$0x3FA6] =	sst s7  }
0x10: {  	[smem:$0x3FA7] =	sst s8  }
0x11: {  	[smem:$0x3FA8] =	sst s9;
	s0 =	simm.s32 @!p0 $0x0  }
0x12: {  	s1 =	sld [smem:$0x3F8E];
	s0 =	simm.s32 @p0 $0x1  }
0x13: {  	[smem:$0x3FA9] =	sst s0;
	s0 =	simm.s32 @!p1 $0x0  }
0x14: {  	s2 =	sld [smem:$0x3F8D];
	s0 =	simm.s32 @p1 $0x1  }
0x15: {  	[smem:$0x3FAA] =	sst s0;
	s0 =	simm.s32 @!p2 $0x0  }
0x16: {  	s3 =	sld [smem:$0x3FDB];
	s0 =	simm.s32 @p2 $0x1  }
0x17: {  	s4 =	simm.s32 $0x1BF5;
	[smem:$0x3FAC] =	sst s0  }
0x18: {  	s0 =	sld [smem:$0x3F8F];
	_ =	swait.ge [sflag:s4], $0x0  }
0x19: {  	s7 =	sld [smem:$0x3F90]  }
0x1a: {  	s8 =	sadd.s32 $0xFFFFE003, lr  }
0x1b: {  	s9 =	sadd.s32 $0xFFFFFEF7, lr;
	s5 =	simm.s32 $0xFFFFFFFF;
	p2 =	slt.u32 s8, $0xFFFFF086  }
0x1c: {  	p1 =	slt.u32 s9, $0xF7A;
	s5 =	simm.s32 @!p2 $0x0  }
0x1d: {  	s5 =	simm.s32 @p1 $0x1;
	p0 =	seq.s32 s7, s2  }
0x1e: {  	s7 =	smul.u32 @!p0 $0xF7A, s2;
	p2 =	seq.s32 @!p0 s5, $0x0  }
0x1f: {  	s9 =	smul.u32 $0xF7A, s1;
	s8 =	simm.s32 @!p0 $0x1BF5;
	p2 =	por !p2, p0  }
0x20: {  	[sflag:s8] =	ssyncset.s32 @!p0 $0xFFFFF086;
	s6 =	sadd.s32 @!p0 s3, s7;
	s7 =	simm.s32 @!p0 $0x108  }
0x21: {  	s3 =	sadd.s32 s3, s9;
	s6 =	sadd.s32 @!p0 $0x88, s6;
	s7 =	simm.s32 @p2 $0x1082  }
0x22: {  	[simem:s7], [sflag:s8] =	dma.local @!p0 [hbm:s6], $0xF7A  }
0x23: {  	s9 =	sor.u32 $0xD0000000, s2;
	s6 =	simm.s32 $0x108;
	_ =	swait.ge @!p0 [sflag:s8], $0x0  }
0x24: {  	s3 =	sadd.s32 $0x88, s3;
	s6 =	simm.s32 @!p1 $0x1082;
	[sflag:s4] =	ssyncset.s32 $0xFFFFF086  }
0x25: {  	[simem:s6], [sflag:s4] =	dma.local [hbm:s3], $0xF7A  }
0x26: {  	[smem:$0x3F90] =	sst s1;
	(tag) =	ssettag s2;
	_ =	strace s9  }
0x27: {  	s1 =	sld [smem:$0x3FA0]  }
0x28: {  	s2 =	sld [smem:$0x3FA1]  }
0x29: {  	s4 =	sld [smem:$0x3FA3]  }
0x2a: {  	p0 =	seq.s32 s5, $0x0;
	s5 =	sld [smem:$0x3FA4]  }
0x2b: {  	s6 =	sld [smem:$0x3FA5]  }
0x2c: {  	s7 =	sld [smem:$0x3FA6]  }
0x2d: {  	s3 =	simm.s32 $0x108;
	s8 =	sld [smem:$0x3FA7]  }
0x2e: {  	s3 =	simm.s32 @!p0 $0x1082;
	s9 =	sld [smem:$0x3FA8]  }
0x2f: {  	lr =	sadd.s32 s0, s3;
	s0 =	sld [smem:$0x3F9F]  }
0x30: {  	s3 =	sld [smem:$0x3FA2]  }
0x31: {  	[smem:$0x3FAB] =	sst s10  }
0x32: {  	s10 =	sld [smem:$0x3FA9];
	_ =	sdelay $0x3  }
0x33: {  	p0 =	seq.s32 s10, $0x1;
	s10 =	sld [smem:$0x3FAB];
	_ =	sdelay $0x3  }
0x34: {  	[smem:$0x3FAB] =	sst s10  }
0x35: {  	s10 =	sld [smem:$0x3FAA];
	_ =	sdelay $0x3  }
0x36: {  	p1 =	seq.s32 s10, $0x1;
	s10 =	sld [smem:$0x3FAB];
	_ =	sdelay $0x3  }
0x37: {  	[smem:$0x3FAB] =	sst s10  }
0x38: {  	s10 =	sld [smem:$0x3FAC]  }
0x39: {  	_ = 	snop;
	(pc) =	sbr.ind lr, $3  }
0x3a: {  	_ = 	snop  }
0x3b: {  	_ = 	snop  }
0x3c: {  	p2 =	seq.s32 s10, $0x1;
	s10 =	sld [smem:$0x3FAB]  }
0x3d: {  	_ =	shalt  }
0x3e: {  	_ =	shalt  }
0x3f: {  	_ =	shalt  }
0x40: {  	_ =	shalt  }
0x41: {  	_ =	shalt  }
0x42: {  	_ =	shalt  }
0x43: {  	_ =	shalt  }
0x44: {  	_ =	shalt  }
0x45: {  	_ =	shalt  }
0x46: {  	_ =	shalt  }
0x47: {  	_ =	shalt  }
0x48: {  	_ =	shalt  }
0x49: {  	_ =	shalt  }
0x4a: {  	_ =	shalt  }
0x4b: {  	_ =	shalt  }
0x4c: {  	_ =	shalt  }
0x4d: {  	_ =	shalt  }
0x4e: {  	_ =	shalt  }
0x4f: {  	_ =	shalt  }
0x50: {  	_ =	shalt  }
0x51: {  	_ =	shalt  }
0x52: {  	_ =	shalt  }
0x53: {  	_ =	shalt  }
0x54: {  	_ =	shalt  }
0x55: {  	_ =	shalt  }
0x56: {  	_ =	shalt  }
0x57: {  	_ =	shalt  }
0x58: {  	_ =	shalt  }
0x59: {  	_ =	shalt  }
0x5a: {  	_ =	shalt  }
0x5b: {  	_ =	shalt  }
0x5c: {  	_ =	shalt  }
0x5d: {  	_ =	shalt  }
0x5e: {  	_ =	shalt  }
0x5f: {  	_ =	shalt  }
0x60: {  	_ =	shalt  }
0x61: {  	_ =	shalt  }
0x62: {  	_ =	shalt  }
0x63: {  	_ =	shalt  }
0x64: {  	_ =	shalt  }
0x65: {  	_ =	shalt  }
0x66: {  	_ =	shalt  }
0x67: {  	_ =	shalt  }
0x68: {  	_ =	shalt  }
0x69: {  	_ =	shalt  }
0x6a: {  	_ =	shalt  }
0x6b: {  	_ =	shalt  }
0x6c: {  	_ =	shalt  }
0x6d: {  	_ =	shalt  }
0x6e: {  	_ =	shalt  }
0x6f: {  	_ =	shalt  }
0x70: {  	_ =	shalt  }
0x71: {  	_ =	shalt  }
0x72: {  	_ =	shalt  }
0x73: {  	_ =	shalt  }
0x74: {  	_ =	shalt  }
0x75: {  	_ =	shalt  }
0x76: {  	_ =	shalt  }
0x77: {  	_ =	shalt  }
0x78: {  	_ =	shalt  }
0x79: {  	_ =	shalt  }
0x7a: {  	_ =	shalt  }
0x7b: {  	_ =	shalt  }
0x7c: {  	_ =	shalt  }
0x7d: {  	_ =	shalt  }
0x7e: {  	_ =	shalt  }
0x7f: {  	_ =	shalt  }
0x80: {  	_ =	shalt  }
0x81: {  	_ =	shalt  }
0x82: {  	_ =	shalt  }
0x83: {  	_ =	shalt  }
0x84: {  	_ =	shalt  }
0x85: {  	_ =	shalt  }
0x86: {  	_ =	shalt  }
0x87: {  	_ =	shalt  }
.Lfunc_end0:
.L_simem_size_0:
called_computation.1_lowered:
.L_overlay_start_0:
0x88: {  	s2 =	sld [smem:$0x3FD9]  }
0x89: {  	s3 =	sld [smem:$0x3FFE];
	_ =	sdelay $0x1  }
0x8a: {  	s1 =	srdreg.scid  }
0x8b: {  	s0 =	sand.u32 $0x1, s1  }
0x8c: {  	s17 =	sshll.u32 s0, $0xA;
	s2 =	sadd.s32 s3, s2  }
0x8d: {  	s2 =	sadd.s32 s2, s17  }
0x8e: {  	[smem:$0x3FB7] =	sst s2  }
0x8f: {  	_ = 	snop  }
0x90: {  	s2 =	sld [smem:$0x3FD0];
	(tm) =	ssettm $0x1  }
0x91: {  	s18 =	sld [smem:$0x3FFB];
	_ =	sdelay $0x3  }
0x92: {  	_ =	strace s18  }
0x93: {  	s3 =	sld [smem:$0x3FFC];
	_ =	sdelay $0x3  }
0x94: {  	_ =	strace s3  }
0x95: {  	s3 =	sld [smem:$0x3FFD];
	_ =	sdelay $0x3  }
0x96: {  	_ =	strace s3  }
0x97: {  	_ =	strace $0x8FFFFFFF  }
0x98: {  	s19 =	sld [smem:$0x3FDB];
	_ =	sdelay $0x1  }
0x99: {  	s4 =	simm.s32 $_scs_section_size  }
0x9a: {  	s5 =	simm.s32 $_size__tile_overlayer_lowered;
	s6 =	simm.s32 $_tile_overlayer_lowered  }
0x9b: {  	s22 =	simm.s32 $0x1BFF;
	s21 =	sshll.u32 s6, $0x1;
	s3 =	sadd.s32 s4, s19  }
0x9c: {  	s7 =	simm.s32 $0x0;
	s20 =	sshll.u32 s5, $0x1;
	s5 =	sadd.s32 s21, s3  }
0x9d: {  	[timem:s7], [sflag:s22] =	dma.local [hbm:s5], s20  }
0x9e: {  	_ =	swait.ge [sflag:s22], s20  }
0x9f: {  	s4 =	ssub.s32 $0x0, s20;
	[sflag:s22] =	ssyncset.done $0x0  }
0xa0: {  	[sflag:s22] =	ssyncadd.s32 s4;
	_ =	sdelay $0x1  }
0xa1: {  	s23 =	simm.s32 $0x1B8B  }
0xa2: {  	_ =	swait.ge [sflag:s23], $0x1  }
0xa3: {  	[sflag:s23] =	ssyncset.done $0x0  }
0xa4: {  	s25 =	simm.s32 $0x1B8E;
	s24 =	sld [smem:$0x3FFE];
	[sflag:s23] =	ssyncadd.s32 $0xFFFFFFFF  }
0xa5: {  	s26 =	simm.s32 $execute0_lowered;
	[smem:$0x3FD2] =	sst s25  }
0xa6: {  	s5 =	sshll.u32 s26, $0x1;
	_ =	strace $0x80000049;
	[dreg:$0x1] =	wrdreg $0xFFFFFFFF  }
0xa7: {  	s28 =	simm.s32 $_size_execute0_lowered;
	s3 =	sadd.s32 s3, s5;
	[dreg:$0x0] =	wrdreg $0x0  }
0xa8: {  	s5 =	sshll.u32 s28, $0x1;
	[dreg:$0x2] =	wrdreg s3  }
0xa9: {  	[dreg:$0x3] =	wrdreg s5  }
0xaa: {  	[dreg:$0x4] =	wrdreg $0xC0  }
0xab: {  	_ =	task [dreg:s7], $0x5FFFF  }
0xac: {  	[dreg:$0x1] =	wrdreg $0xFFFFFFFF  }
0xad: {  	[dreg:$0x0] =	wrdreg $0x60  }
0xae: {  	[dreg:$0x2] =	wrdreg s2  }
0xaf: {  	[dreg:$0x3] =	wrdreg s24  }
0xb0: {  	[dreg:$0x4] =	wrdreg $0x0  }
0xb1: {  	[dreg:$0x5] =	wrdreg $0x9  }
0xb2: {  	_ =	task.clear_ibuf [dreg:s7], $0x6FFFF;
	_ =	strace $0x90000049  }
0xb3: {  	s29 =	simm.s32 $0x9;
	_ =	strace $0x8000004B  }
0xb4: {  	_ =	swait.ge [sflag:s29], $0x1  }
0xb5: {  	[sflag:s29] =	ssyncadd.s32 $0xFFFFFFFF  }
0xb6: {  	_ =	strace $0x9000004B  }
0xb7: {  	_ =	sfence  }
0xb8: {  	s30 =	sld [smem:$0x0];
	_ =	sdelay $0x2  }
0xb9: {  	s31 =	sshll.u32 s1, $0xD;
	s1 =	sshrl.u32 s1, $0x2  }
0xba: {  	s3 =	sand.u32 $0x4000, s31;
	s1 =	sadd.s32 s1, s30  }
0xbb: {  	s0 =	sor.u32 s3, s0;
	s1 =	sshll.u32 s1, $0x11  }
0xbc: {  	s0 =	sor.u32 s1, s0  }
0xbd: {  	s0 =	sadd.s32 $0x8F2B, s0  }
0xbe: {  	[sflag:s0] =	ssyncadd.remote.s32 $0x1  }
0xbf: {  	_ =	sfence.sel $0xFFFF  }
0xc0: {  	[dreg:$0x0] =	wrdreg $0xFFFFFFFF;
	(pc) =	sbr.abs _section_cstart, $3  }
0xc1: {  	[dreg:$0x1] =	wrdreg $0xFFFFFFFF  }
0xc2: {  	_ =	task.clear_ibuf [dreg:s7], $0x2FFFF;
	_ =	strace $0x9FFFFFFF  }
0xc3: {  	(tm) =	ssettm $0x7FFFFFFF  }
tec
execute0_lowered:
.L_overlay_start_1:
0x0: {  	(tag) =	ssettag $0x1  }
0x1: {  	s1 =	rddreg [dreg:$0x0]  }
0x2: {  	s2 =	srdreg.scid;
	s10 =	rddreg [dreg:$0x1]  }
0x3: {  	s0 =	stileid.u32;
	s3 =	rddreg [dreg:$0x2]  }
0x4: {  	s4 =	simm.s32 $0x0;
	s14 =	simm.s32 $0x3D400;
	s16 =	simm.s32 $0x16100  }
0x5: {  	s17 =	simm.s32 $0x17900;
	s18 =	simm.s32 $0x1;
	s19 =	simm.s32 $0x1B900  }
0x6: {  	s20 =	simm.s32 $0x17500;
	s21 =	simm.s32 $0x2;
	s22 =	simm.s32 $0x17580  }
0x7: {  	s23 =	simm.s32 $0x16080;
	s24 =	simm.s32 $0x0;
	s7 =	sand.u32 $0x1, s2  }
0x8: {  	s26 =	sshll.u32 s0, $0x1;
	s2 =	rddreg [dreg:$0x3];
	s29 =	smul.u32 $0x4E000, s0  }
0x9: {  	s28 =	sshrl.u32 s0, $0x2;
	[smem:$0x7FF] =	sst s4;
	s15 =	smul.u32 $0x2700, s0  }
0xa: {  	s31 =	sshll.u32 s0, $0x6;
	s5 =	sor.u32 s7, s26;
	s6 =	smul.u32 $0xA000, s28  }
0xb: {  	_ =	strace $0x8000004A;
	s30 =	ssub.s32 $0x2, s7;
	p0 =	seq.s32 s7, $0x1  }
0xc: {  	s8 =	sshll.u32 s5, $0x7;
	s5 =	smul.u32 $0x500, s5;
	s12 =	sshrl.u32 s30, $0x1  }
0xd: {  	s14 =	simm.s32 @!p0 $0x16200;
	s8 =	sand.u32 $0x380, s8;
	s12 =	ssub.s32 s30, s12  }
0xe: {  	s6 =	sor.u32 s6, s8;
	s9 =	sadd.s32 s5, s10;
	s8 =	sshrl.u32 s29, $0x2  }
0xf: {  	s5 =	sadd.s32 $0x13A00, s10;
	s6 =	sshrl.u32 s6, $0x3;
	s13 =	sadd.s32 s8, s3  }
0x10: {  	s7 =	sadd.s32 $0x9A00, s9;
	s9 =	smax.u32 s12, $0x1;
	s12 =	simm.s32 $0x3  }
0x11: {  	s11 =	sadd.s32 s6, s10;
	s6 =	sor.u32 $0x1C03, s31;
	s10 =	sadd.s32 s14, s10  }
0x12: {  	s14 =	simm.s32 $0x80;
	s8 =	sadd.s32 $0x4A00, s11;
	s10 =	sadd.s32 s10, s15  }
0x13: {  	s11 =	sshrl.u32 s13, $0x3;
	s13 =	simm.s32 $0x13900;
	s15 =	simm.s32 $0x400  }
.LBB2_1:
0x14: {  	[spmem:s11], [sflag:s6] =	dma.local [hbm:s5], $0x2800  }
0x15: {  	_ =	swait.ge [sflag:s12], $0x2800  }
0x16: {  	[sflag:s12] =	ssyncset.done $0x0  }
0x17: {  	[sflag:s12] =	ssyncadd.s32 $0xFFFFD800  }
0x18: {  	[tilespmem:s13], [sflag:$0x3] =	stream.linear.gather [hbm4b:s7+s4], $0x2800, $0x38;
	[tilespmem:$0x1F900] =	vst v63  }
0x19: {  	_ =	swait.ge [sflag:s12], $0x2800  }
0x1a: {  	[sflag:s12] =	ssyncset.done $0x0  }
0x1b: {  	[sflag:s12] =	ssyncadd.s32 $0xFFFFD800  }
0x1c: {  	[tilespmem:s16], [sflag:$0x3] =	stream.strided.gather [hbm4b:s8+s14], $0x1400, s15, s14, $0x38;
	[tilespmem:$0x1F900] =	vst v63  }
0x1d: {  	_ =	swait.ge [sflag:s12], $0x1400  }
0x1e: {  	[sflag:s12] =	ssyncset.done $0x0  }
0x1f: {  	[sflag:s12] =	ssyncadd.s32 $0xFFFFEC00  }
0x20: {  	[bflag:$0x0] =	sbarrier.arrive $0xFFFF  }
0x21: {  	[tilespmem:s17], [sflag:$0x1] =	stream.indirect.gather [hbm4b:s1+s14], $0x80, s13, s14, $0xb8;
	[tilespmem:$0x1F900] =	vst v63  }
0x22: {  	_ =	swait.ge [sflag:s18], $0x4000  }
0x23: {  	[sflag:s18] =	ssyncset.done $0x0  }
0x24: {  	s25 =	simm.s32 $0x16120;
	s26 =	simm.s32 $0x13980;
	[sflag:s18] =	ssyncadd.s32 $0xFFFFC000  }
0x25: {  	[tilespmem:s19], [sflag:$0x2] =	stream.indirect.gather [hbm4b:s1+s14], $0x80, s26, s14, $0xb8;
	[tilespmem:$0x1F900] =	vst v63  }
0x26: {  	v0 =	vld [tilespmem:s25+$0xFFFFFFE0];
	_ =	sdelay $0x4  }
0x27: {  	v1 =	vand.u32 $0xFFFF, v0  }
0x28: {  	v0 =	vshrl.u32 v0, $0x10;
	[tilespmem:$0x17500] =	vst v1  }
0x29: {  	[tilespmem:$0x17540] =	vst v0  }
0x2a: {  	v0 =	vld [tilespmem:s25+$0xFFFFFFF0];
	_ =	sdelay $0x4  }
0x2b: {  	v1 =	vand.u32 $0xFFFF, v0  }
0x2c: {  	v0 =	vshrl.u32 v0, $0x10;
	[tilespmem:$0x17510] =	vst v1  }
0x2d: {  	[tilespmem:$0x17550] =	vst v0  }
0x2e: {  	v0 =	vld [tilespmem:s25+$0x0];
	_ =	sdelay $0x4  }
0x2f: {  	v1 =	vand.u32 $0xFFFF, v0  }
0x30: {  	v0 =	vshrl.u32 v0, $0x10;
	[tilespmem:$0x17520] =	vst v1  }
0x31: {  	[tilespmem:$0x17560] =	vst v0  }
0x32: {  	v0 =	vld [tilespmem:s25+$0x10];
	_ =	sdelay $0x4  }
0x33: {  	v1 =	vand.u32 $0xFFFF, v0  }
0x34: {  	v0 =	vshrl.u32 v0, $0x10;
	[tilespmem:$0x17530] =	vst v1  }
0x35: {  	[tilespmem:$0x17570] =	vst v0  }
0x36: {  	[spmem:s3] =	stream.indirect.scatter.add.f32 [tilespmem:s17], [sflag:$0x3], $0x80, s20, s14, $0xb8;
	[tilespmem:$0x1F900] =	vst v63  }
0x37: {  	_ =	swait.ge [sflag:s12], $0x4000  }
0x38: {  	[sflag:s12] =	ssyncset.done $0x0  }
0x39: {  	[sflag:s12] =	ssyncadd.s32 $0xFFFFC000  }
0x3a: {  	_ =	swait.ge [sflag:s21], $0x4000  }
0x3b: {  	[sflag:s21] =	ssyncset.done $0x0  }
0x3c: {  	s26 =	simm.s32 $0x13A00;
	[sflag:s21] =	ssyncadd.s32 $0xFFFFC000  }
0x3d: {  	[tilespmem:s17], [sflag:$0x1] =	stream.indirect.gather [hbm4b:s1+s14], $0x80, s26, s14, $0xb8;
	[tilespmem:$0x1F900] =	vst v63  }
0x3e: {  	v0 =	vld [tilespmem:s25+$0x20];
	_ =	sdelay $0x4  }
0x3f: {  	v1 =	vand.u32 $0xFFFF, v0  }
0x40: {  	s28 =	simm.s32 $0x40;
	v0 =	vshrl.u32 v0, $0x10;
	[tilespmem:$0x17580] =	vst v1  }
0x41: {  	s29 =	sor.u32 $0x50, s28;
	[tilespmem:$0x175C0] =	vst v0  }
0x42: {  	v0 =	vld [tilespmem:s29+$0x16100];
	_ =	sdelay $0x4  }
0x43: {  	v1 =	vand.u32 $0xFFFF, v0  }
0x44: {  	v0 =	vshrl.u32 v0, $0x10;
	[tilespmem:$0x17590] =	vst v1  }
0x45: {  	s30 =	sor.u32 $0x60, s28;
	[tilespmem:$0x175D0] =	vst v0  }
0x46: {  	v0 =	vld [tilespmem:s30+$0x16100];
	_ =	sdelay $0x4  }
0x47: {  	v1 =	vand.u32 $0xFFFF, v0  }
0x48: {  	v0 =	vshrl.u32 v0, $0x10;
	[tilespmem:$0x175A0] =	vst v1  }
0x49: {  	s31 =	sor.u32 $0x70, s28;
	[tilespmem:$0x175E0] =	vst v0  }
0x4a: {  	s28 =	simm.s32 $0xC0;
	v0 =	vld [tilespmem:s31+$0x16100]  }
.LBB2_2:
0x4b: {  	_ =	sdelay $0x1  }
0x4c: {  	p0 =	sne.s32 s28, $0x1340;
	s26 =	sadd.s32 $0x100, s26;
	s25 =	sadd.s32 $0x80, s25  }
0x4d: {  	s29 =	smov.u32 s28;
	s28 =	sadd.s32 $0x80, s28  }
0x4e: {  	v1 =	vand.u32 $0xFFFF, v0;
	v0 =	vshrl.u32 v0, $0x10  }
0x4f: {  	[tilespmem:$0x175B0] =	vst v1  }
0x50: {  	[tilespmem:$0x175F0] =	vst v0  }
0x51: {  	[spmem:s3] =	stream.indirect.scatter.add.f32 [tilespmem:s19], [sflag:$0x3], $0x80, s22, s14, $0xb8;
	[tilespmem:$0x1F900] =	vst v63  }
0x52: {  	_ =	swait.ge [sflag:s12], $0x4000  }
0x53: {  	[sflag:s12] =	ssyncset.done $0x0  }
0x54: {  	[sflag:s12] =	ssyncadd.s32 $0xFFFFC000  }
0x55: {  	_ =	swait.ge [sflag:s18], $0x4000  }
0x56: {  	[sflag:s18] =	ssyncset.done $0x0  }
0x57: {  	s30 =	sadd.s32 $0xFFFFFF80, s26;
	[sflag:s18] =	ssyncadd.s32 $0xFFFFC000  }
0x58: {  	[tilespmem:s19], [sflag:$0x2] =	stream.indirect.gather [hbm4b:s1+s14], $0x80, s30, s14, $0xb8;
	[tilespmem:$0x1F900] =	vst v63  }
0x59: {  	v0 =	vld [tilespmem:s25+$0xFFFFFFE0];
	_ =	sdelay $0x4  }
0x5a: {  	v1 =	vand.u32 $0xFFFF, v0;
	v0 =	vshrl.u32 v0, $0x10  }
0x5b: {  	[tilespmem:$0x17500] =	vst v1  }
0x5c: {  	[tilespmem:$0x17540] =	vst v0  }
0x5d: {  	v0 =	vld [tilespmem:s25+$0xFFFFFFF0];
	_ =	sdelay $0x4  }
0x5e: {  	v1 =	vand.u32 $0xFFFF, v0;
	v0 =	vshrl.u32 v0, $0x10  }
0x5f: {  	[tilespmem:$0x17510] =	vst v1  }
0x60: {  	[tilespmem:$0x17550] =	vst v0  }
0x61: {  	v0 =	vld [tilespmem:s25+$0x0];
	_ =	sdelay $0x4  }
0x62: {  	v1 =	vand.u32 $0xFFFF, v0;
	v0 =	vshrl.u32 v0, $0x10  }
0x63: {  	[tilespmem:$0x17520] =	vst v1  }
0x64: {  	[tilespmem:$0x17560] =	vst v0  }
0x65: {  	v0 =	vld [tilespmem:s25+$0x10];
	_ =	sdelay $0x4  }
0x66: {  	v1 =	vand.u32 $0xFFFF, v0;
	v0 =	vshrl.u32 v0, $0x10  }
0x67: {  	[tilespmem:$0x17530] =	vst v1  }
0x68: {  	[tilespmem:$0x17570] =	vst v0  }
0x69: {  	[spmem:s3] =	stream.indirect.scatter.add.f32 [tilespmem:s17], [sflag:$0x3], $0x80, s20, s14, $0xb8;
	[tilespmem:$0x1F900] =	vst v63  }
0x6a: {  	_ =	swait.ge [sflag:s12], $0x4000  }
0x6b: {  	[sflag:s12] =	ssyncset.done $0x0  }
0x6c: {  	[sflag:s12] =	ssyncadd.s32 $0xFFFFC000  }
0x6d: {  	_ =	swait.ge [sflag:s21], $0x4000  }
0x6e: {  	[sflag:s21] =	ssyncset.done $0x0  }
0x6f: {  	[sflag:s21] =	ssyncadd.s32 $0xFFFFC000  }
0x70: {  	[tilespmem:s17], [sflag:$0x1] =	stream.indirect.gather [hbm4b:s1+s14], $0x80, s26, s14, $0xb8;
	[tilespmem:$0x1F900] =	vst v63  }
0x71: {  	v0 =	vld [tilespmem:s25+$0x20];
	_ =	sdelay $0x1  }
0x72: {  	s30 =	sor.u32 $0x50, s29;
	_ =	sdelay $0x2  }
0x73: {  	v1 =	vand.u32 $0xFFFF, v0;
	v0 =	vshrl.u32 v0, $0x10  }
0x74: {  	[tilespmem:$0x17580] =	vst v1  }
0x75: {  	[tilespmem:$0x175C0] =	vst v0  }
0x76: {  	v0 =	vld [tilespmem:s30+$0x16100]  }
0x77: {  	s30 =	sor.u32 $0x60, s29;
	_ =	sdelay $0x3  }
0x78: {  	v1 =	vand.u32 $0xFFFF, v0;
	v0 =	vshrl.u32 v0, $0x10  }
0x79: {  	[tilespmem:$0x17590] =	vst v1  }
0x7a: {  	[tilespmem:$0x175D0] =	vst v0  }
0x7b: {  	s29 =	sor.u32 $0x70, s29;
	v0 =	vld [tilespmem:s30+$0x16100];
	_ =	sdelay $0x3  }
.Ltmp0:
0x7c: {  	(pc) =	sbr.rel @p0 .LBB2_2-.Ltmp0, $4  }
0x7d: {  	v1 =	vand.u32 $0xFFFF, v0;
	v0 =	vshrl.u32 v0, $0x10  }
0x7e: {  	[tilespmem:$0x175A0] =	vst v1  }
0x7f: {  	[tilespmem:$0x175E0] =	vst v0  }
0x80: {  	v0 =	vld [tilespmem:s29+$0x16100]  }
0x81: {  	_ =	sdelay $0x3  }
0x82: {  	v1 =	vand.u32 $0xFFFF, v0  }
0x83: {  	v43 =	vshrl.u32 v0, $0x10;
	[tilespmem:$0x175B0] =	vst v1  }
0x84: {  	[tilespmem:$0x175F0] =	vst v43  }
0x85: {  	[spmem:s3] =	stream.indirect.scatter.add.f32 [tilespmem:s19], [sflag:$0x3], $0x80, s22, s14, $0xb8;
	[tilespmem:$0x1F900] =	vst v63  }
0x86: {  	_ =	swait.ge [sflag:s12], $0x4000  }
0x87: {  	[sflag:s12] =	ssyncset.done $0x0  }
0x88: {  	[sflag:s12] =	ssyncadd.s32 $0xFFFFC000  }
0x89: {  	_ =	swait.ge [sflag:s18], $0x4000  }
0x8a: {  	[sflag:s18] =	ssyncset.done $0x0  }
0x8b: {  	[sflag:s18] =	ssyncadd.s32 $0xFFFFC000  }
0x8c: {  	[tilespmem:s19], [sflag:$0x2] =	stream.indirect.gather [hbm4b:s1+s14], $0x80, s23, s14, $0xb8;
	[tilespmem:$0x1F900] =	vst v63  }
0x8d: {  	v44 =	vld [tilespmem:$0x17480];
	_ =	sdelay $0x1  }
0x8e: {  	v45 =	vld [tilespmem:$0x17490];
	_ =	sdelay $0x1  }
0x8f: {  	v2 =	vld [tilespmem:$0x174A0]  }
0x90: {  	v3 =	vand.u32 $0xFFFF, v44  }
0x91: {  	v46 =	vld [tilespmem:$0x174B0];
	v0 =	vshrl.u32 v44, $0x10;
	[tilespmem:$0x17500] =	vst v3  }
0x92: {  	v47 =	vand.u32 $0xFFFF, v45;
	[tilespmem:$0x17540] =	vst v0  }
0x93: {  	v48 =	vshrl.u32 v45, $0x10;
	[tilespmem:$0x17510] =	vst v47  }
0x94: {  	v49 =	vand.u32 $0xFFFF, v2;
	[tilespmem:$0x17550] =	vst v48  }
0x95: {  	v50 =	vshrl.u32 v2, $0x10;
	[tilespmem:$0x17520] =	vst v49  }
0x96: {  	v51 =	vand.u32 $0xFFFF, v46;
	[tilespmem:$0x17560] =	vst v50  }
0x97: {  	v52 =	vshrl.u32 v46, $0x10;
	[tilespmem:$0x17530] =	vst v51  }
0x98: {  	[tilespmem:$0x17570] =	vst v52  }
0x99: {  	[spmem:s3] =	stream.indirect.scatter.add.f32 [tilespmem:s17], [sflag:$0x3], $0x80, s20, s14, $0xb8;
	[tilespmem:$0x1F900] =	vst v63  }
0x9a: {  	_ =	swait.ge [sflag:s12], $0x4000  }
0x9b: {  	[sflag:s12] =	ssyncset.done $0x0  }
0x9c: {  	[sflag:s12] =	ssyncadd.s32 $0xFFFFC000  }
0x9d: {  	_ =	swait.ge [sflag:s21], $0x4000  }
0x9e: {  	[sflag:s21] =	ssyncset.done $0x0  }
0x9f: {  	[sflag:s21] =	ssyncadd.s32 $0xFFFFC000  }
0xa0: {  	v53 =	vld [tilespmem:$0x174C0];
	_ =	sdelay $0x1  }
0xa1: {  	v54 =	vld [tilespmem:$0x174D0];
	_ =	sdelay $0x1  }
0xa2: {  	v55 =	vld [tilespmem:$0x174E0]  }
0xa3: {  	v56 =	vand.u32 $0xFFFF, v53  }
0xa4: {  	v57 =	vld [tilespmem:$0x174F0];
	v0 =	vshrl.u32 v53, $0x10;
	[tilespmem:$0x17580] =	vst v56  }
0xa5: {  	v58 =	vand.u32 $0xFFFF, v54;
	[tilespmem:$0x175C0] =	vst v0  }
0xa6: {  	v59 =	vshrl.u32 v54, $0x10;
	[tilespmem:$0x17590] =	vst v58  }
0xa7: {  	v60 =	vand.u32 $0xFFFF, v55;
	[tilespmem:$0x175D0] =	vst v59  }
0xa8: {  	v61 =	vshrl.u32 v55, $0x10;
	[tilespmem:$0x175A0] =	vst v60  }
0xa9: {  	v62 =	vand.u32 $0xFFFF, v57;
	[tilespmem:$0x175E0] =	vst v61  }
0xaa: {  	v63 =	vshrl.u32 v57, $0x10;
	[tilespmem:$0x175B0] =	vst v62  }
0xab: {  	[tilespmem:$0x175F0] =	vst v63  }
0xac: {  	[spmem:s3] =	stream.indirect.scatter.add.f32 [tilespmem:s19], [sflag:$0x3], $0x80, s22, s14, $0xb8;
	[tilespmem:$0x1F900] =	vst v63  }
0xad: {  	_ =	swait.ge [sflag:s12], $0x4000  }
0xae: {  	s24 =	sadd.s32 $0x1, s24;
	[sflag:s12] =	ssyncset.done $0x0  }
0xaf: {  	p0 =	sne.s32 s24, s9;
	[sflag:s12] =	ssyncadd.s32 $0xFFFFC000  }
.Ltmp1:
0xb0: {  	[bflag:$0x0] =	sbarrier.arrive $0xFFFF;
	(pc) =	sbr.rel @p0 .LBB2_1-.Ltmp1, $4  }
0xb1: {  	[hbm:s10], [sflag:s6] =	dma.local [spmem:s11], $0x2800  }
0xb2: {  	_ =	swait.ge [sflag:s12], $0x2800  }
0xb3: {  	[sflag:s12] =	ssyncset.done $0x0  }
0xb4: {  	[sflag:s12] =	ssyncadd.s32 $0xFFFFD800  }
0xb5: {  	_ =	sfence.sel $0x180000  }
0xb6: {  	[bflag:$0x0] =	sbarrier.arrive $0xFFFF  }
0xb7: {  	p0 =	sne.s32 s0, $0x0;
	_ =	strace $0x9000004A  }
0xb8: {  	s0 =	sadd.s32 @!p0 $0x100000, s2;
	[bflag:$0x2] =	sbarrier.arrive $0xFFFF  }
0xb9: {  	[sflag:s0] =	ssyncadd.tile.s32 @!p0 $0x1;
	_ =	shalt  }
.Lfunc_end2:
_tile_overlayer_lowered:
.L_overlay_start_2:
0xba: {  	(tag) =	ssettag $0x2  }
0xbb: {  	s0 =	rddreg [dreg:$0x0];
	s2 =	stileid.u32  }
0xbc: {  	s1 =	rddreg [dreg:$0x1];
	p0 =	sne.s32 s2, $0x0  }
0xbd: {  	s3 =	rddreg [dreg:$0x2];
	[bflag:$0x3] =	sbarrier.arrive $0xFFFF;
	s2 =	simm.s32 @!p0 $0x1C03  }
0xbe: {  	[timem:s3], [sflag:s2] =	dma.local @!p0 [hbm:s0], s1  }
0xbf: {  	s0 =	simm.s32 @!p0 $0x3  }
0xc0: {  	_ =	swait.ge @!p0 [sflag:s0], s1  }
0xc1: {  	s1 =	ssub.s32 @!p0 $0x0, s1;
	[sflag:s0] =	ssyncset.done @!p0 $0x0  }
0xc2: {  	[sflag:s0] =	ssyncadd.s32 @!p0 s1  }
0xc3: {  	[bflag:$0x3] =	sbarrier.arrive $0xFFFF  }
0xc4: {  	_ =	shalt  }

// kernel: kernel.15.cloned.1.call-start
scs
__scs_entry_jumppad:
0x0: {  	(pc) =	sbr.rel $0x88, $3  }
0x1: {  	(tag) =	ssettag $0x0;
	lr =	simm.s32 $0x1  }
0x2: {  	[smem:$0x3F90] =	sst lr;
	_ =	strace $0xD0000000  }
0x3: {  	_ = 	snop  }
0x4: {  	_ = 	snop  }
0x5: {  	_ = 	snop  }
0x6: {  	_ = 	snop  }
0x7: {  	_ = 	snop  }
__scs_overlays_trampoline_lowered:
0x8: {  	[smem:$0x3F9F] =	sst s0  }
0x9: {  	[smem:$0x3FA0] =	sst s1  }
0xa: {  	[smem:$0x3FA1] =	sst s2  }
0xb: {  	[smem:$0x3FA2] =	sst s3  }
0xc: {  	[smem:$0x3FA3] =	sst s4  }
0xd: {  	[smem:$0x3FA4] =	sst s5  }
0xe: {  	[smem:$0x3FA5] =	sst s6  }
0xf: {  	[smem:$0x3FA6] =	sst s7  }
0x10: {  	[smem:$0x3FA7] =	sst s8  }
0x11: {  	[smem:$0x3FA8] =	sst s9;
	s0 =	simm.s32 @!p0 $0x0  }
0x12: {  	s1 =	sld [smem:$0x3F8E];
	s0 =	simm.s32 @p0 $0x1  }
0x13: {  	[smem:$0x3FA9] =	sst s0;
	s0 =	simm.s32 @!p1 $0x0  }
0x14: {  	s2 =	sld [smem:$0x3F8D];
	s0 =	simm.s32 @p1 $0x1  }
0x15: {  	[smem:$0x3FAA] =	sst s0;
	s0 =	simm.s32 @!p2 $0x0  }
0x16: {  	s3 =	sld [smem:$0x3FDB];
	s0 =	simm.s32 @p2 $0x1  }
0x17: {  	s4 =	simm.s32 $0x1BF5;
	[smem:$0x3FAC] =	sst s0  }
0x18: {  	s0 =	sld [smem:$0x3F8F];
	_ =	swait.ge [sflag:s4], $0x0  }
0x19: {  	s7 =	sld [smem:$0x3F90]  }
0x1a: {  	s8 =	sadd.s32 $0xFFFFE003, lr  }
0x1b: {  	s9 =	sadd.s32 $0xFFFFFEF7, lr;
	s5 =	simm.s32 $0xFFFFFFFF;
	p2 =	slt.u32 s8, $0xFFFFF086  }
0x1c: {  	p1 =	slt.u32 s9, $0xF7A;
	s5 =	simm.s32 @!p2 $0x0  }
0x1d: {  	s5 =	simm.s32 @p1 $0x1;
	p0 =	seq.s32 s7, s2  }
0x1e: {  	s7 =	smul.u32 @!p0 $0xF7A, s2;
	p2 =	seq.s32 @!p0 s5, $0x0  }
0x1f: {  	s9 =	smul.u32 $0xF7A, s1;
	s8 =	simm.s32 @!p0 $0x1BF5;
	p2 =	por !p2, p0  }
0x20: {  	[sflag:s8] =	ssyncset.s32 @!p0 $0xFFFFF086;
	s6 =	sadd.s32 @!p0 s3, s7;
	s7 =	simm.s32 @!p0 $0x108  }
0x21: {  	s3 =	sadd.s32 s3, s9;
	s6 =	sadd.s32 @!p0 $0x88, s6;
	s7 =	simm.s32 @p2 $0x1082  }
0x22: {  	[simem:s7], [sflag:s8] =	dma.local @!p0 [hbm:s6], $0xF7A  }
0x23: {  	s9 =	sor.u32 $0xD0000000, s2;
	s6 =	simm.s32 $0x108;
	_ =	swait.ge @!p0 [sflag:s8], $0x0  }
0x24: {  	s3 =	sadd.s32 $0x88, s3;
	s6 =	simm.s32 @!p1 $0x1082;
	[sflag:s4] =	ssyncset.s32 $0xFFFFF086  }
0x25: {  	[simem:s6], [sflag:s4] =	dma.local [hbm:s3], $0xF7A  }
0x26: {  	[smem:$0x3F90] =	sst s1;
	(tag) =	ssettag s2;
	_ =	strace s9  }
0x27: {  	s1 =	sld [smem:$0x3FA0]  }
0x28: {  	s2 =	sld [smem:$0x3FA1]  }
0x29: {  	s4 =	sld [smem:$0x3FA3]  }
0x2a: {  	p0 =	seq.s32 s5, $0x0;
	s5 =	sld [smem:$0x3FA4]  }
0x2b: {  	s6 =	sld [smem:$0x3FA5]  }
0x2c: {  	s7 =	sld [smem:$0x3FA6]  }
0x2d: {  	s3 =	simm.s32 $0x108;
	s8 =	sld [smem:$0x3FA7]  }
0x2e: {  	s3 =	simm.s32 @!p0 $0x1082;
	s9 =	sld [smem:$0x3FA8]  }
0x2f: {  	lr =	sadd.s32 s0, s3;
	s0 =	sld [smem:$0x3F9F]  }
0x30: {  	s3 =	sld [smem:$0x3FA2]  }
0x31: {  	[smem:$0x3FAB] =	sst s10  }
0x32: {  	s10 =	sld [smem:$0x3FA9];
	_ =	sdelay $0x3  }
0x33: {  	p0 =	seq.s32 s10, $0x1;
	s10 =	sld [smem:$0x3FAB];
	_ =	sdelay $0x3  }
0x34: {  	[smem:$0x3FAB] =	sst s10  }
0x35: {  	s10 =	sld [smem:$0x3FAA];
	_ =	sdelay $0x3  }
0x36: {  	p1 =	seq.s32 s10, $0x1;
	s10 =	sld [smem:$0x3FAB];
	_ =	sdelay $0x3  }
0x37: {  	[smem:$0x3FAB] =	sst s10  }
0x38: {  	s10 =	sld [smem:$0x3FAC]  }
0x39: {  	_ = 	snop;
	(pc) =	sbr.ind lr, $3  }
0x3a: {  	_ = 	snop  }
0x3b: {  	_ = 	snop  }
0x3c: {  	p2 =	seq.s32 s10, $0x1;
	s10 =	sld [smem:$0x3FAB]  }
0x3d: {  	_ =	shalt  }
0x3e: {  	_ =	shalt  }
0x3f: {  	_ =	shalt  }
0x40: {  	_ =	shalt  }
0x41: {  	_ =	shalt  }
0x42: {  	_ =	shalt  }
0x43: {  	_ =	shalt  }
0x44: {  	_ =	shalt  }
0x45: {  	_ =	shalt  }
0x46: {  	_ =	shalt  }
0x47: {  	_ =	shalt  }
0x48: {  	_ =	shalt  }
0x49: {  	_ =	shalt  }
0x4a: {  	_ =	shalt  }
0x4b: {  	_ =	shalt  }
0x4c: {  	_ =	shalt  }
0x4d: {  	_ =	shalt  }
0x4e: {  	_ =	shalt  }
0x4f: {  	_ =	shalt  }
0x50: {  	_ =	shalt  }
0x51: {  	_ =	shalt  }
0x52: {  	_ =	shalt  }
0x53: {  	_ =	shalt  }
0x54: {  	_ =	shalt  }
0x55: {  	_ =	shalt  }
0x56: {  	_ =	shalt  }
0x57: {  	_ =	shalt  }
0x58: {  	_ =	shalt  }
0x59: {  	_ =	shalt  }
0x5a: {  	_ =	shalt  }
0x5b: {  	_ =	shalt  }
0x5c: {  	_ =	shalt  }
0x5d: {  	_ =	shalt  }
0x5e: {  	_ =	shalt  }
0x5f: {  	_ =	shalt  }
0x60: {  	_ =	shalt  }
0x61: {  	_ =	shalt  }
0x62: {  	_ =	shalt  }
0x63: {  	_ =	shalt  }
0x64: {  	_ =	shalt  }
0x65: {  	_ =	shalt  }
0x66: {  	_ =	shalt  }
0x67: {  	_ =	shalt  }
0x68: {  	_ =	shalt  }
0x69: {  	_ =	shalt  }
0x6a: {  	_ =	shalt  }
0x6b: {  	_ =	shalt  }
0x6c: {  	_ =	shalt  }
0x6d: {  	_ =	shalt  }
0x6e: {  	_ =	shalt  }
0x6f: {  	_ =	shalt  }
0x70: {  	_ =	shalt  }
0x71: {  	_ =	shalt  }
0x72: {  	_ =	shalt  }
0x73: {  	_ =	shalt  }
0x74: {  	_ =	shalt  }
0x75: {  	_ =	shalt  }
0x76: {  	_ =	shalt  }
0x77: {  	_ =	shalt  }
0x78: {  	_ =	shalt  }
0x79: {  	_ =	shalt  }
0x7a: {  	_ =	shalt  }
0x7b: {  	_ =	shalt  }
0x7c: {  	_ =	shalt  }
0x7d: {  	_ =	shalt  }
0x7e: {  	_ =	shalt  }
0x7f: {  	_ =	shalt  }
0x80: {  	_ =	shalt  }
0x81: {  	_ =	shalt  }
0x82: {  	_ =	shalt  }
0x83: {  	_ =	shalt  }
0x84: {  	_ =	shalt  }
0x85: {  	_ =	shalt  }
0x86: {  	_ =	shalt  }
0x87: {  	_ =	shalt  }
.Lfunc_end0:
.L_simem_size_0:
called_computation.2_lowered:
.L_overlay_start_0:
0x88: {  	s2 =	sld [smem:$0x3FD9]  }
0x89: {  	s3 =	sld [smem:$0x3FFE];
	_ =	sdelay $0x1  }
0x8a: {  	s1 =	srdreg.scid  }
0x8b: {  	s0 =	sand.u32 $0x1, s1  }
0x8c: {  	s17 =	sshll.u32 s0, $0xA;
	s2 =	sadd.s32 s3, s2  }
0x8d: {  	s2 =	sadd.s32 s2, s17  }
0x8e: {  	[smem:$0x3FB7] =	sst s2  }
0x8f: {  	_ = 	snop  }
0x90: {  	s2 =	sld [smem:$0x3FD0];
	(tm) =	ssettm $0x1  }
0x91: {  	s18 =	sld [smem:$0x3FFB];
	_ =	sdelay $0x3  }
0x92: {  	_ =	strace s18  }
0x93: {  	s3 =	sld [smem:$0x3FFC];
	_ =	sdelay $0x3  }
0x94: {  	_ =	strace s3  }
0x95: {  	s3 =	sld [smem:$0x3FFD];
	_ =	sdelay $0x3  }
0x96: {  	_ =	strace s3  }
0x97: {  	_ =	strace $0x8FFFFFFF  }
0x98: {  	s19 =	sld [smem:$0x3FDB];
	_ =	sdelay $0x1  }
0x99: {  	s4 =	simm.s32 $_scs_section_size  }
0x9a: {  	s5 =	simm.s32 $_size__tile_overlayer_lowered;
	s6 =	simm.s32 $_tile_overlayer_lowered  }
0x9b: {  	s22 =	simm.s32 $0x1BFF;
	s21 =	sshll.u32 s6, $0x1;
	s3 =	sadd.s32 s4, s19  }
0x9c: {  	s7 =	simm.s32 $0x0;
	s20 =	sshll.u32 s5, $0x1;
	s5 =	sadd.s32 s21, s3  }
0x9d: {  	[timem:s7], [sflag:s22] =	dma.local [hbm:s5], s20  }
0x9e: {  	_ =	swait.ge [sflag:s22], s20  }
0x9f: {  	s4 =	ssub.s32 $0x0, s20;
	[sflag:s22] =	ssyncset.done $0x0  }
0xa0: {  	[sflag:s22] =	ssyncadd.s32 s4;
	_ =	sdelay $0x1  }
0xa1: {  	s23 =	simm.s32 $0x1B8B  }
0xa2: {  	_ =	swait.ge [sflag:s23], $0x1  }
0xa3: {  	[sflag:s23] =	ssyncset.done $0x0  }
0xa4: {  	s25 =	simm.s32 $0x1B8E;
	s24 =	sld [smem:$0x3FFE];
	[sflag:s23] =	ssyncadd.s32 $0xFFFFFFFF  }
0xa5: {  	s26 =	simm.s32 $execute0_lowered;
	[smem:$0x3FD2] =	sst s25  }
0xa6: {  	s5 =	sshll.u32 s26, $0x1;
	_ =	strace $0x8000004C;
	[dreg:$0x1] =	wrdreg $0xFFFFFFFF  }
0xa7: {  	s28 =	simm.s32 $_size_execute0_lowered;
	s3 =	sadd.s32 s3, s5;
	[dreg:$0x0] =	wrdreg $0x0  }
0xa8: {  	s5 =	sshll.u32 s28, $0x1;
	[dreg:$0x2] =	wrdreg s3  }
0xa9: {  	[dreg:$0x3] =	wrdreg s5  }
0xaa: {  	[dreg:$0x4] =	wrdreg $0xC0  }
0xab: {  	_ =	task [dreg:s7], $0x5FFFF  }
0xac: {  	[dreg:$0x1] =	wrdreg $0xFFFFFFFF  }
0xad: {  	[dreg:$0x0] =	wrdreg $0x60  }
0xae: {  	[dreg:$0x2] =	wrdreg s2  }
0xaf: {  	[dreg:$0x3] =	wrdreg s24  }
0xb0: {  	[dreg:$0x4] =	wrdreg $0x0  }
0xb1: {  	[dreg:$0x5] =	wrdreg $0x9  }
0xb2: {  	_ =	task.clear_ibuf [dreg:s7], $0x6FFFF;
	_ =	strace $0x9000004C  }
0xb3: {  	s29 =	simm.s32 $0x9;
	_ =	strace $0x8000004E  }
0xb4: {  	_ =	swait.ge [sflag:s29], $0x1  }
0xb5: {  	[sflag:s29] =	ssyncadd.s32 $0xFFFFFFFF  }
0xb6: {  	_ =	strace $0x9000004E  }
0xb7: {  	_ =	sfence  }
0xb8: {  	s30 =	sld [smem:$0x0];
	_ =	sdelay $0x2  }
0xb9: {  	s31 =	sshll.u32 s1, $0xD;
	s1 =	sshrl.u32 s1, $0x2  }
0xba: {  	s3 =	sand.u32 $0x4000, s31;
	s1 =	sadd.s32 s1, s30  }
0xbb: {  	s0 =	sor.u32 s3, s0;
	s1 =	sshll.u32 s1, $0x11  }
0xbc: {  	s0 =	sor.u32 s1, s0  }
0xbd: {  	s0 =	sadd.s32 $0x8F2B, s0  }
0xbe: {  	[sflag:s0] =	ssyncadd.remote.s32 $0x1  }
0xbf: {  	_ =	sfence.sel $0xFFFF  }
0xc0: {  	[dreg:$0x0] =	wrdreg $0xFFFFFFFF;
	(pc) =	sbr.abs _section_cstart, $3  }
0xc1: {  	[dreg:$0x1] =	wrdreg $0xFFFFFFFF  }
0xc2: {  	_ =	task.clear_ibuf [dreg:s7], $0x2FFFF;
	_ =	strace $0x9FFFFFFF  }
0xc3: {  	(tm) =	ssettm $0x7FFFFFFF  }
tec
execute0_lowered:
.L_overlay_start_1:
0x0: {  	(tag) =	ssettag $0x1  }
0x1: {  	s1 =	rddreg [dreg:$0x0]  }
0x2: {  	s2 =	srdreg.scid;
	s10 =	rddreg [dreg:$0x1]  }
0x3: {  	s0 =	stileid.u32;
	s3 =	rddreg [dreg:$0x2]  }
0x4: {  	s4 =	simm.s32 $0x0;
	s14 =	simm.s32 $0x3D400;
	s16 =	simm.s32 $0x16100  }
0x5: {  	s17 =	simm.s32 $0x17900;
	s18 =	simm.s32 $0x1;
	s19 =	simm.s32 $0x1B900  }
0x6: {  	s20 =	simm.s32 $0x17500;
	s21 =	simm.s32 $0x2;
	s22 =	simm.s32 $0x17580  }
0x7: {  	s23 =	simm.s32 $0x16080;
	s24 =	simm.s32 $0x0;
	s7 =	sand.u32 $0x1, s2  }
0x8: {  	s26 =	sshll.u32 s0, $0x1;
	s2 =	rddreg [dreg:$0x3];
	s29 =	smul.u32 $0x4E000, s0  }
0x9: {  	s28 =	sshrl.u32 s0, $0x2;
	[smem:$0x7FF] =	sst s4;
	s15 =	smul.u32 $0x2700, s0  }
0xa: {  	s31 =	sshll.u32 s0, $0x6;
	s5 =	sor.u32 s7, s26;
	s6 =	smul.u32 $0xA000, s28  }
0xb: {  	_ =	strace $0x8000004D;
	s30 =	ssub.s32 $0x2, s7;
	p0 =	seq.s32 s7, $0x1  }
0xc: {  	s8 =	sshll.u32 s5, $0x7;
	s5 =	smul.u32 $0x500, s5;
	s12 =	sshrl.u32 s30, $0x1  }
0xd: {  	s14 =	simm.s32 @!p0 $0x16200;
	s8 =	sand.u32 $0x380, s8;
	s12 =	ssub.s32 s30, s12  }
0xe: {  	s6 =	sor.u32 s6, s8;
	s9 =	sadd.s32 s5, s10;
	s8 =	sshrl.u32 s29, $0x2  }
0xf: {  	s5 =	sadd.s32 $0x13A00, s10;
	s6 =	sshrl.u32 s6, $0x3;
	s13 =	sadd.s32 s8, s3  }
0x10: {  	s7 =	sadd.s32 $0x9A00, s9;
	s9 =	smax.u32 s12, $0x1;
	s12 =	simm.s32 $0x3  }
0x11: {  	s11 =	sadd.s32 s6, s10;
	s6 =	sor.u32 $0x1C03, s31;
	s10 =	sadd.s32 s14, s10  }
0x12: {  	s14 =	simm.s32 $0x80;
	s8 =	sadd.s32 $0x4A00, s11;
	s10 =	sadd.s32 s10, s15  }
0x13: {  	s11 =	sshrl.u32 s13, $0x3;
	s13 =	simm.s32 $0x13900;
	s15 =	simm.s32 $0x400  }
.LBB2_1:
0x14: {  	[spmem:s11], [sflag:s6] =	dma.local [hbm:s5], $0x2800  }
0x15: {  	_ =	swait.ge [sflag:s12], $0x2800  }
0x16: {  	[sflag:s12] =	ssyncset.done $0x0  }
0x17: {  	[sflag:s12] =	ssyncadd.s32 $0xFFFFD800  }
0x18: {  	[tilespmem:s13], [sflag:$0x3] =	stream.linear.gather [hbm4b:s7+s4], $0x2800, $0x38;
	[tilespmem:$0x1F900] =	vst v63  }
0x19: {  	_ =	swait.ge [sflag:s12], $0x2800  }
0x1a: {  	[sflag:s12] =	ssyncset.done $0x0  }
0x1b: {  	[sflag:s12] =	ssyncadd.s32 $0xFFFFD800  }
0x1c: {  	[tilespmem:s16], [sflag:$0x3] =	stream.strided.gather [hbm4b:s8+s14], $0x1400, s15, s14, $0x38;
	[tilespmem:$0x1F900] =	vst v63  }
0x1d: {  	_ =	swait.ge [sflag:s12], $0x1400  }
0x1e: {  	[sflag:s12] =	ssyncset.done $0x0  }
0x1f: {  	[sflag:s12] =	ssyncadd.s32 $0xFFFFEC00  }
0x20: {  	[bflag:$0x0] =	sbarrier.arrive $0xFFFF  }
0x21: {  	[tilespmem:s17], [sflag:$0x1] =	stream.indirect.gather [hbm4b:s1+s14], $0x80, s13, s14, $0xb8;
	[tilespmem:$0x1F900] =	vst v63  }
0x22: {  	_ =	swait.ge [sflag:s18], $0x4000  }
0x23: {  	[sflag:s18] =	ssyncset.done $0x0  }
0x24: {  	s25 =	simm.s32 $0x16120;
	s26 =	simm.s32 $0x13980;
	[sflag:s18] =	ssyncadd.s32 $0xFFFFC000  }
0x25: {  	[tilespmem:s19], [sflag:$0x2] =	stream.indirect.gather [hbm4b:s1+s14], $0x80, s26, s14, $0xb8;
	[tilespmem:$0x1F900] =	vst v63  }
0x26: {  	v0 =	vld [tilespmem:s25+$0xFFFFFFE0];
	_ =	sdelay $0x4  }
0x27: {  	v1 =	vand.u32 $0xFFFF, v0  }
0x28: {  	v0 =	vshrl.u32 v0, $0x10;
	[tilespmem:$0x17500] =	vst v1  }
0x29: {  	[tilespmem:$0x17540] =	vst v0  }
0x2a: {  	v0 =	vld [tilespmem:s25+$0xFFFFFFF0];
	_ =	sdelay $0x4  }
0x2b: {  	v1 =	vand.u32 $0xFFFF, v0  }
0x2c: {  	v0 =	vshrl.u32 v0, $0x10;
	[tilespmem:$0x17510] =	vst v1  }
0x2d: {  	[tilespmem:$0x17550] =	vst v0  }
0x2e: {  	v0 =	vld [tilespmem:s25+$0x0];
	_ =	sdelay $0x4  }
0x2f: {  	v1 =	vand.u32 $0xFFFF, v0  }
0x30: {  	v0 =	vshrl.u32 v0, $0x10;
	[tilespmem:$0x17520] =	vst v1  }
0x31: {  	[tilespmem:$0x17560] =	vst v0  }
0x32: {  	v0 =	vld [tilespmem:s25+$0x10];
	_ =	sdelay $0x4  }
0x33: {  	v1 =	vand.u32 $0xFFFF, v0  }
0x34: {  	v0 =	vshrl.u32 v0, $0x10;
	[tilespmem:$0x17530] =	vst v1  }
0x35: {  	[tilespmem:$0x17570] =	vst v0  }
0x36: {  	[spmem:s3] =	stream.indirect.scatter.add.f32 [tilespmem:s17], [sflag:$0x3], $0x80, s20, s14, $0xb8;
	[tilespmem:$0x1F900] =	vst v63  }
0x37: {  	_ =	swait.ge [sflag:s12], $0x4000  }
0x38: {  	[sflag:s12] =	ssyncset.done $0x0  }
0x39: {  	[sflag:s12] =	ssyncadd.s32 $0xFFFFC000  }
0x3a: {  	_ =	swait.ge [sflag:s21], $0x4000  }
0x3b: {  	[sflag:s21] =	ssyncset.done $0x0  }
0x3c: {  	s26 =	simm.s32 $0x13A00;
	[sflag:s21] =	ssyncadd.s32 $0xFFFFC000  }
0x3d: {  	[tilespmem:s17], [sflag:$0x1] =	stream.indirect.gather [hbm4b:s1+s14], $0x80, s26, s14, $0xb8;
	[tilespmem:$0x1F900] =	vst v63  }
0x3e: {  	v0 =	vld [tilespmem:s25+$0x20];
	_ =	sdelay $0x4  }
0x3f: {  	v1 =	vand.u32 $0xFFFF, v0  }
0x40: {  	s28 =	simm.s32 $0x40;
	v0 =	vshrl.u32 v0, $0x10;
	[tilespmem:$0x17580] =	vst v1  }
0x41: {  	s29 =	sor.u32 $0x50, s28;
	[tilespmem:$0x175C0] =	vst v0  }
0x42: {  	v0 =	vld [tilespmem:s29+$0x16100];
	_ =	sdelay $0x4  }
0x43: {  	v1 =	vand.u32 $0xFFFF, v0  }
0x44: {  	v0 =	vshrl.u32 v0, $0x10;
	[tilespmem:$0x17590] =	vst v1  }
0x45: {  	s30 =	sor.u32 $0x60, s28;
	[tilespmem:$0x175D0] =	vst v0  }
0x46: {  	v0 =	vld [tilespmem:s30+$0x16100];
	_ =	sdelay $0x4  }
0x47: {  	v1 =	vand.u32 $0xFFFF, v0  }
0x48: {  	v0 =	vshrl.u32 v0, $0x10;
	[tilespmem:$0x175A0] =	vst v1  }
0x49: {  	s31 =	sor.u32 $0x70, s28;
	[tilespmem:$0x175E0] =	vst v0  }
0x4a: {  	s28 =	simm.s32 $0xC0;
	v0 =	vld [tilespmem:s31+$0x16100]  }
.LBB2_2:
0x4b: {  	_ =	sdelay $0x1  }
0x4c: {  	p0 =	sne.s32 s28, $0x1340;
	s26 =	sadd.s32 $0x100, s26;
	s25 =	sadd.s32 $0x80, s25  }
0x4d: {  	s29 =	smov.u32 s28;
	s28 =	sadd.s32 $0x80, s28  }
0x4e: {  	v1 =	vand.u32 $0xFFFF, v0;
	v0 =	vshrl.u32 v0, $0x10  }
0x4f: {  	[tilespmem:$0x175B0] =	vst v1  }
0x50: {  	[tilespmem:$0x175F0] =	vst v0  }
0x51: {  	[spmem:s3] =	stream.indirect.scatter.add.f32 [tilespmem:s19], [sflag:$0x3], $0x80, s22, s14, $0xb8;
	[tilespmem:$0x1F900] =	vst v63  }
0x52: {  	_ =	swait.ge [sflag:s12], $0x4000  }
0x53: {  	[sflag:s12] =	ssyncset.done $0x0  }
0x54: {  	[sflag:s12] =	ssyncadd.s32 $0xFFFFC000  }
0x55: {  	_ =	swait.ge [sflag:s18], $0x4000  }
0x56: {  	[sflag:s18] =	ssyncset.done $0x0  }
0x57: {  	s30 =	sadd.s32 $0xFFFFFF80, s26;
	[sflag:s18] =	ssyncadd.s32 $0xFFFFC000  }
0x58: {  	[tilespmem:s19], [sflag:$0x2] =	stream.indirect.gather [hbm4b:s1+s14], $0x80, s30, s14, $0xb8;
	[tilespmem:$0x1F900] =	vst v63  }
0x59: {  	v0 =	vld [tilespmem:s25+$0xFFFFFFE0];
	_ =	sdelay $0x4  }
0x5a: {  	v1 =	vand.u32 $0xFFFF, v0;
	v0 =	vshrl.u32 v0, $0x10  }
0x5b: {  	[tilespmem:$0x17500] =	vst v1  }
0x5c: {  	[tilespmem:$0x17540] =	vst v0  }
0x5d: {  	v0 =	vld [tilespmem:s25+$0xFFFFFFF0];
	_ =	sdelay $0x4  }
0x5e: {  	v1 =	vand.u32 $0xFFFF, v0;
	v0 =	vshrl.u32 v0, $0x10  }
0x5f: {  	[tilespmem:$0x17510] =	vst v1  }
0x60: {  	[tilespmem:$0x17550] =	vst v0  }
0x61: {  	v0 =	vld [tilespmem:s25+$0x0];
	_ =	sdelay $0x4  }
0x62: {  	v1 =	vand.u32 $0xFFFF, v0;
	v0 =	vshrl.u32 v0, $0x10  }
0x63: {  	[tilespmem:$0x17520] =	vst v1  }
0x64: {  	[tilespmem:$0x17560] =	vst v0  }
0x65: {  	v0 =	vld [tilespmem:s25+$0x10];
	_ =	sdelay $0x4  }
0x66: {  	v1 =	vand.u32 $0xFFFF, v0;
	v0 =	vshrl.u32 v0, $0x10  }
0x67: {  	[tilespmem:$0x17530] =	vst v1  }
0x68: {  	[tilespmem:$0x17570] =	vst v0  }
0x69: {  	[spmem:s3] =	stream.indirect.scatter.add.f32 [tilespmem:s17], [sflag:$0x3], $0x80, s20, s14, $0xb8;
	[tilespmem:$0x1F900] =	vst v63  }
0x6a: {  	_ =	swait.ge [sflag:s12], $0x4000  }
0x6b: {  	[sflag:s12] =	ssyncset.done $0x0  }
0x6c: {  	[sflag:s12] =	ssyncadd.s32 $0xFFFFC000  }
0x6d: {  	_ =	swait.ge [sflag:s21], $0x4000  }
0x6e: {  	[sflag:s21] =	ssyncset.done $0x0  }
0x6f: {  	[sflag:s21] =	ssyncadd.s32 $0xFFFFC000  }
0x70: {  	[tilespmem:s17], [sflag:$0x1] =	stream.indirect.gather [hbm4b:s1+s14], $0x80, s26, s14, $0xb8;
	[tilespmem:$0x1F900] =	vst v63  }
0x71: {  	v0 =	vld [tilespmem:s25+$0x20];
	_ =	sdelay $0x1  }
0x72: {  	s30 =	sor.u32 $0x50, s29;
	_ =	sdelay $0x2  }
0x73: {  	v1 =	vand.u32 $0xFFFF, v0;
	v0 =	vshrl.u32 v0, $0x10  }
0x74: {  	[tilespmem:$0x17580] =	vst v1  }
0x75: {  	[tilespmem:$0x175C0] =	vst v0  }
0x76: {  	v0 =	vld [tilespmem:s30+$0x16100]  }
0x77: {  	s30 =	sor.u32 $0x60, s29;
	_ =	sdelay $0x3  }
0x78: {  	v1 =	vand.u32 $0xFFFF, v0;
	v0 =	vshrl.u32 v0, $0x10  }
0x79: {  	[tilespmem:$0x17590] =	vst v1  }
0x7a: {  	[tilespmem:$0x175D0] =	vst v0  }
0x7b: {  	s29 =	sor.u32 $0x70, s29;
	v0 =	vld [tilespmem:s30+$0x16100];
	_ =	sdelay $0x3  }
.Ltmp0:
0x7c: {  	(pc) =	sbr.rel @p0 .LBB2_2-.Ltmp0, $4  }
0x7d: {  	v1 =	vand.u32 $0xFFFF, v0;
	v0 =	vshrl.u32 v0, $0x10  }
0x7e: {  	[tilespmem:$0x175A0] =	vst v1  }
0x7f: {  	[tilespmem:$0x175E0] =	vst v0  }
0x80: {  	v0 =	vld [tilespmem:s29+$0x16100]  }
0x81: {  	_ =	sdelay $0x3  }
0x82: {  	v1 =	vand.u32 $0xFFFF, v0  }
0x83: {  	v43 =	vshrl.u32 v0, $0x10;
	[tilespmem:$0x175B0] =	vst v1  }
0x84: {  	[tilespmem:$0x175F0] =	vst v43  }
0x85: {  	[spmem:s3] =	stream.indirect.scatter.add.f32 [tilespmem:s19], [sflag:$0x3], $0x80, s22, s14, $0xb8;
	[tilespmem:$0x1F900] =	vst v63  }
0x86: {  	_ =	swait.ge [sflag:s12], $0x4000  }
0x87: {  	[sflag:s12] =	ssyncset.done $0x0  }
0x88: {  	[sflag:s12] =	ssyncadd.s32 $0xFFFFC000  }
0x89: {  	_ =	swait.ge [sflag:s18], $0x4000  }
0x8a: {  	[sflag:s18] =	ssyncset.done $0x0  }
0x8b: {  	[sflag:s18] =	ssyncadd.s32 $0xFFFFC000  }
0x8c: {  	[tilespmem:s19], [sflag:$0x2] =	stream.indirect.gather [hbm4b:s1+s14], $0x80, s23, s14, $0xb8;
	[tilespmem:$0x1F900] =	vst v63  }
0x8d: {  	v44 =	vld [tilespmem:$0x17480];
	_ =	sdelay $0x1  }
0x8e: {  	v45 =	vld [tilespmem:$0x17490];
	_ =	sdelay $0x1  }
0x8f: {  	v2 =	vld [tilespmem:$0x174A0]  }
0x90: {  	v3 =	vand.u32 $0xFFFF, v44  }
0x91: {  	v46 =	vld [tilespmem:$0x174B0];
	v0 =	vshrl.u32 v44, $0x10;
	[tilespmem:$0x17500] =	vst v3  }
0x92: {  	v47 =	vand.u32 $0xFFFF, v45;
	[tilespmem:$0x17540] =	vst v0  }
0x93: {  	v48 =	vshrl.u32 v45, $0x10;
	[tilespmem:$0x17510] =	vst v47  }
0x94: {  	v49 =	vand.u32 $0xFFFF, v2;
	[tilespmem:$0x17550] =	vst v48  }
0x95: {  	v50 =	vshrl.u32 v2, $0x10;
	[tilespmem:$0x17520] =	vst v49  }
0x96: {  	v51 =	vand.u32 $0xFFFF, v46;
	[tilespmem:$0x17560] =	vst v50  }
0x97: {  	v52 =	vshrl.u32 v46, $0x10;
	[tilespmem:$0x17530] =	vst v51  }
0x98: {  	[tilespmem:$0x17570] =	vst v52  }
0x99: {  	[spmem:s3] =	stream.indirect.scatter.add.f32 [tilespmem:s17], [sflag:$0x3], $0x80, s20, s14, $0xb8;
	[tilespmem:$0x1F900] =	vst v63  }
0x9a: {  	_ =	swait.ge [sflag:s12], $0x4000  }
0x9b: {  	[sflag:s12] =	ssyncset.done $0x0  }
0x9c: {  	[sflag:s12] =	ssyncadd.s32 $0xFFFFC000  }
0x9d: {  	_ =	swait.ge [sflag:s21], $0x4000  }
0x9e: {  	[sflag:s21] =	ssyncset.done $0x0  }
0x9f: {  	[sflag:s21] =	ssyncadd.s32 $0xFFFFC000  }
0xa0: {  	v53 =	vld [tilespmem:$0x174C0];
	_ =	sdelay $0x1  }
0xa1: {  	v54 =	vld [tilespmem:$0x174D0];
	_ =	sdelay $0x1  }
0xa2: {  	v55 =	vld [tilespmem:$0x174E0]  }
0xa3: {  	v56 =	vand.u32 $0xFFFF, v53  }
0xa4: {  	v57 =	vld [tilespmem:$0x174F0];
	v0 =	vshrl.u32 v53, $0x10;
	[tilespmem:$0x17580] =	vst v56  }
0xa5: {  	v58 =	vand.u32 $0xFFFF, v54;
	[tilespmem:$0x175C0] =	vst v0  }
0xa6: {  	v59 =	vshrl.u32 v54, $0x10;
	[tilespmem:$0x17590] =	vst v58  }
0xa7: {  	v60 =	vand.u32 $0xFFFF, v55;
	[tilespmem:$0x175D0] =	vst v59  }
0xa8: {  	v61 =	vshrl.u32 v55, $0x10;
	[tilespmem:$0x175A0] =	vst v60  }
0xa9: {  	v62 =	vand.u32 $0xFFFF, v57;
	[tilespmem:$0x175E0] =	vst v61  }
0xaa: {  	v63 =	vshrl.u32 v57, $0x10;
	[tilespmem:$0x175B0] =	vst v62  }
0xab: {  	[tilespmem:$0x175F0] =	vst v63  }
0xac: {  	[spmem:s3] =	stream.indirect.scatter.add.f32 [tilespmem:s19], [sflag:$0x3], $0x80, s22, s14, $0xb8;
	[tilespmem:$0x1F900] =	vst v63  }
0xad: {  	_ =	swait.ge [sflag:s12], $0x4000  }
0xae: {  	s24 =	sadd.s32 $0x1, s24;
	[sflag:s12] =	ssyncset.done $0x0  }
0xaf: {  	p0 =	sne.s32 s24, s9;
	[sflag:s12] =	ssyncadd.s32 $0xFFFFC000  }
.Ltmp1:
0xb0: {  	[bflag:$0x0] =	sbarrier.arrive $0xFFFF;
	(pc) =	sbr.rel @p0 .LBB2_1-.Ltmp1, $4  }
0xb1: {  	[hbm:s10], [sflag:s6] =	dma.local [spmem:s11], $0x2800  }
0xb2: {  	_ =	swait.ge [sflag:s12], $0x2800  }
0xb3: {  	[sflag:s12] =	ssyncset.done $0x0  }
0xb4: {  	[sflag:s12] =	ssyncadd.s32 $0xFFFFD800  }
0xb5: {  	_ =	sfence.sel $0x180000  }
0xb6: {  	[bflag:$0x0] =	sbarrier.arrive $0xFFFF  }
0xb7: {  	p0 =	sne.s32 s0, $0x0;
	_ =	strace $0x9000004D  }
0xb8: {  	s0 =	sadd.s32 @!p0 $0x100000, s2;
	[bflag:$0x2] =	sbarrier.arrive $0xFFFF  }
0xb9: {  	[sflag:s0] =	ssyncadd.tile.s32 @!p0 $0x1;
	_ =	shalt  }
.Lfunc_end2:
_tile_overlayer_lowered:
.L_overlay_start_2:
0xba: {  	(tag) =	ssettag $0x2  }
0xbb: {  	s0 =	rddreg [dreg:$0x0];
	s2 =	stileid.u32  }
0xbc: {  	s1 =	rddreg [dreg:$0x1];
	p0 =	sne.s32 s2, $0x0  }
0xbd: {  	s3 =	rddreg [dreg:$0x2];
	[bflag:$0x3] =	sbarrier.arrive $0xFFFF;
	s2 =	simm.s32 @!p0 $0x1C03  }
0xbe: {  	[timem:s3], [sflag:s2] =	dma.local @!p0 [hbm:s0], s1  }
0xbf: {  	s0 =	simm.s32 @!p0 $0x3  }
0xc0: {  	_ =	swait.ge @!p0 [sflag:s0], s1  }
0xc1: {  	s1 =	ssub.s32 @!p0 $0x0, s1;
	[sflag:s0] =	ssyncset.done @!p0 $0x0  }
0xc2: {  	[sflag:s0] =	ssyncadd.s32 @!p0 s1  }
0xc3: {  	[bflag:$0x3] =	sbarrier.arrive $0xFFFF  }
0xc4: {  	_ =	shalt  }

// kernel: kernel.9.cloned.1.call-start
scs
__scs_entry_jumppad:
0x0: {  	(pc) =	sbr.rel $0x88, $3  }
0x1: {  	(tag) =	ssettag $0x0;
	lr =	simm.s32 $0x1  }
0x2: {  	[smem:$0x3F90] =	sst lr;
	_ =	strace $0xD0000000  }
0x3: {  	_ = 	snop  }
0x4: {  	_ = 	snop  }
0x5: {  	_ = 	snop  }
0x6: {  	_ = 	snop  }
0x7: {  	_ = 	snop  }
__scs_overlays_trampoline_lowered:
0x8: {  	[smem:$0x3F9F] =	sst s0  }
0x9: {  	[smem:$0x3FA0] =	sst s1  }
0xa: {  	[smem:$0x3FA1] =	sst s2  }
0xb: {  	[smem:$0x3FA2] =	sst s3  }
0xc: {  	[smem:$0x3FA3] =	sst s4  }
0xd: {  	[smem:$0x3FA4] =	sst s5  }
0xe: {  	[smem:$0x3FA5] =	sst s6  }
0xf: {  	[smem:$0x3FA6] =	sst s7  }
0x10: {  	[smem:$0x3FA7] =	sst s8  }
0x11: {  	[smem:$0x3FA8] =	sst s9;
	s0 =	simm.s32 @!p0 $0x0  }
0x12: {  	s1 =	sld [smem:$0x3F8E];
	s0 =	simm.s32 @p0 $0x1  }
0x13: {  	[smem:$0x3FA9] =	sst s0;
	s0 =	simm.s32 @!p1 $0x0  }
0x14: {  	s2 =	sld [smem:$0x3F8D];
	s0 =	simm.s32 @p1 $0x1  }
0x15: {  	[smem:$0x3FAA] =	sst s0;
	s0 =	simm.s32 @!p2 $0x0  }
0x16: {  	s3 =	sld [smem:$0x3FDB];
	s0 =	simm.s32 @p2 $0x1  }
0x17: {  	s4 =	simm.s32 $0x1BF5;
	[smem:$0x3FAC] =	sst s0  }
0x18: {  	s0 =	sld [smem:$0x3F8F];
	_ =	swait.ge [sflag:s4], $0x0  }
0x19: {  	s7 =	sld [smem:$0x3F90]  }
0x1a: {  	s8 =	sadd.s32 $0xFFFFE003, lr  }
0x1b: {  	s9 =	sadd.s32 $0xFFFFFEF7, lr;
	s5 =	simm.s32 $0xFFFFFFFF;
	p2 =	slt.u32 s8, $0xFFFFF086  }
0x1c: {  	p1 =	slt.u32 s9, $0xF7A;
	s5 =	simm.s32 @!p2 $0x0  }
0x1d: {  	s5 =	simm.s32 @p1 $0x1;
	p0 =	seq.s32 s7, s2  }
0x1e: {  	s7 =	smul.u32 @!p0 $0xF7A, s2;
	p2 =	seq.s32 @!p0 s5, $0x0  }
0x1f: {  	s9 =	smul.u32 $0xF7A, s1;
	s8 =	simm.s32 @!p0 $0x1BF5;
	p2 =	por !p2, p0  }
0x20: {  	[sflag:s8] =	ssyncset.s32 @!p0 $0xFFFFF086;
	s6 =	sadd.s32 @!p0 s3, s7;
	s7 =	simm.s32 @!p0 $0x108  }
0x21: {  	s3 =	sadd.s32 s3, s9;
	s6 =	sadd.s32 @!p0 $0x88, s6;
	s7 =	simm.s32 @p2 $0x1082  }
0x22: {  	[simem:s7], [sflag:s8] =	dma.local @!p0 [hbm:s6], $0xF7A  }
0x23: {  	s9 =	sor.u32 $0xD0000000, s2;
	s6 =	simm.s32 $0x108;
	_ =	swait.ge @!p0 [sflag:s8], $0x0  }
0x24: {  	s3 =	sadd.s32 $0x88, s3;
	s6 =	simm.s32 @!p1 $0x1082;
	[sflag:s4] =	ssyncset.s32 $0xFFFFF086  }
0x25: {  	[simem:s6], [sflag:s4] =	dma.local [hbm:s3], $0xF7A  }
0x26: {  	[smem:$0x3F90] =	sst s1;
	(tag) =	ssettag s2;
	_ =	strace s9  }
0x27: {  	s1 =	sld [smem:$0x3FA0]  }
0x28: {  	s2 =	sld [smem:$0x3FA1]  }
0x29: {  	s4 =	sld [smem:$0x3FA3]  }
0x2a: {  	p0 =	seq.s32 s5, $0x0;
	s5 =	sld [smem:$0x3FA4]  }
0x2b: {  	s6 =	sld [smem:$0x3FA5]  }
0x2c: {  	s7 =	sld [smem:$0x3FA6]  }
0x2d: {  	s3 =	simm.s32 $0x108;
	s8 =	sld [smem:$0x3FA7]  }
0x2e: {  	s3 =	simm.s32 @!p0 $0x1082;
	s9 =	sld [smem:$0x3FA8]  }
0x2f: {  	lr =	sadd.s32 s0, s3;
	s0 =	sld [smem:$0x3F9F]  }
0x30: {  	s3 =	sld [smem:$0x3FA2]  }
0x31: {  	[smem:$0x3FAB] =	sst s10  }
0x32: {  	s10 =	sld [smem:$0x3FA9];
	_ =	sdelay $0x3  }
0x33: {  	p0 =	seq.s32 s10, $0x1;
	s10 =	sld [smem:$0x3FAB];
	_ =	sdelay $0x3  }
0x34: {  	[smem:$0x3FAB] =	sst s10  }
0x35: {  	s10 =	sld [smem:$0x3FAA];
	_ =	sdelay $0x3  }
0x36: {  	p1 =	seq.s32 s10, $0x1;
	s10 =	sld [smem:$0x3FAB];
	_ =	sdelay $0x3  }
0x37: {  	[smem:$0x3FAB] =	sst s10  }
0x38: {  	s10 =	sld [smem:$0x3FAC]  }
0x39: {  	_ = 	snop;
	(pc) =	sbr.ind lr, $3  }
0x3a: {  	_ = 	snop  }
0x3b: {  	_ = 	snop  }
0x3c: {  	p2 =	seq.s32 s10, $0x1;
	s10 =	sld [smem:$0x3FAB]  }
0x3d: {  	_ =	shalt  }
0x3e: {  	_ =	shalt  }
0x3f: {  	_ =	shalt  }
0x40: {  	_ =	shalt  }
0x41: {  	_ =	shalt  }
0x42: {  	_ =	shalt  }
0x43: {  	_ =	shalt  }
0x44: {  	_ =	shalt  }
0x45: {  	_ =	shalt  }
0x46: {  	_ =	shalt  }
0x47: {  	_ =	shalt  }
0x48: {  	_ =	shalt  }
0x49: {  	_ =	shalt  }
0x4a: {  	_ =	shalt  }
0x4b: {  	_ =	shalt  }
0x4c: {  	_ =	shalt  }
0x4d: {  	_ =	shalt  }
0x4e: {  	_ =	shalt  }
0x4f: {  	_ =	shalt  }
0x50: {  	_ =	shalt  }
0x51: {  	_ =	shalt  }
0x52: {  	_ =	shalt  }
0x53: {  	_ =	shalt  }
0x54: {  	_ =	shalt  }
0x55: {  	_ =	shalt  }
0x56: {  	_ =	shalt  }
0x57: {  	_ =	shalt  }
0x58: {  	_ =	shalt  }
0x59: {  	_ =	shalt  }
0x5a: {  	_ =	shalt  }
0x5b: {  	_ =	shalt  }
0x5c: {  	_ =	shalt  }
0x5d: {  	_ =	shalt  }
0x5e: {  	_ =	shalt  }
0x5f: {  	_ =	shalt  }
0x60: {  	_ =	shalt  }
0x61: {  	_ =	shalt  }
0x62: {  	_ =	shalt  }
0x63: {  	_ =	shalt  }
0x64: {  	_ =	shalt  }
0x65: {  	_ =	shalt  }
0x66: {  	_ =	shalt  }
0x67: {  	_ =	shalt  }
0x68: {  	_ =	shalt  }
0x69: {  	_ =	shalt  }
0x6a: {  	_ =	shalt  }
0x6b: {  	_ =	shalt  }
0x6c: {  	_ =	shalt  }
0x6d: {  	_ =	shalt  }
0x6e: {  	_ =	shalt  }
0x6f: {  	_ =	shalt  }
0x70: {  	_ =	shalt  }
0x71: {  	_ =	shalt  }
0x72: {  	_ =	shalt  }
0x73: {  	_ =	shalt  }
0x74: {  	_ =	shalt  }
0x75: {  	_ =	shalt  }
0x76: {  	_ =	shalt  }
0x77: {  	_ =	shalt  }
0x78: {  	_ =	shalt  }
0x79: {  	_ =	shalt  }
0x7a: {  	_ =	shalt  }
0x7b: {  	_ =	shalt  }
0x7c: {  	_ =	shalt  }
0x7d: {  	_ =	shalt  }
0x7e: {  	_ =	shalt  }
0x7f: {  	_ =	shalt  }
0x80: {  	_ =	shalt  }
0x81: {  	_ =	shalt  }
0x82: {  	_ =	shalt  }
0x83: {  	_ =	shalt  }
0x84: {  	_ =	shalt  }
0x85: {  	_ =	shalt  }
0x86: {  	_ =	shalt  }
0x87: {  	_ =	shalt  }
.Lfunc_end0:
.L_simem_size_0:
called_computation_lowered:
.L_overlay_start_0:
0x88: {  	s2 =	sld [smem:$0x3FD9]  }
0x89: {  	s3 =	sld [smem:$0x3FFE];
	_ =	sdelay $0x1  }
0x8a: {  	s1 =	srdreg.scid  }
0x8b: {  	s0 =	sand.u32 $0x1, s1  }
0x8c: {  	s17 =	sshll.u32 s0, $0xA;
	s2 =	sadd.s32 s3, s2  }
0x8d: {  	s2 =	sadd.s32 s2, s17  }
0x8e: {  	[smem:$0x3FB7] =	sst s2  }
0x8f: {  	_ = 	snop  }
0x90: {  	s2 =	sld [smem:$0x3FD0];
	(tm) =	ssettm $0x1  }
0x91: {  	s18 =	sld [smem:$0x3FFB];
	_ =	sdelay $0x3  }
0x92: {  	_ =	strace s18  }
0x93: {  	s3 =	sld [smem:$0x3FFC];
	_ =	sdelay $0x3  }
0x94: {  	_ =	strace s3  }
0x95: {  	s3 =	sld [smem:$0x3FFD];
	_ =	sdelay $0x3  }
0x96: {  	_ =	strace s3  }
0x97: {  	_ =	strace $0x8FFFFFFF  }
0x98: {  	s19 =	sld [smem:$0x3FDB];
	_ =	sdelay $0x1  }
0x99: {  	s4 =	simm.s32 $_scs_section_size  }
0x9a: {  	s5 =	simm.s32 $_size__tile_overlayer_lowered;
	s6 =	simm.s32 $_tile_overlayer_lowered  }
0x9b: {  	s22 =	simm.s32 $0x1BFF;
	s21 =	sshll.u32 s6, $0x1;
	s3 =	sadd.s32 s4, s19  }
0x9c: {  	s7 =	simm.s32 $0x0;
	s20 =	sshll.u32 s5, $0x1;
	s5 =	sadd.s32 s21, s3  }
0x9d: {  	[timem:s7], [sflag:s22] =	dma.local [hbm:s5], s20  }
0x9e: {  	_ =	swait.ge [sflag:s22], s20  }
0x9f: {  	s4 =	ssub.s32 $0x0, s20;
	[sflag:s22] =	ssyncset.done $0x0  }
0xa0: {  	[sflag:s22] =	ssyncadd.s32 s4;
	_ =	sdelay $0x1  }
0xa1: {  	s23 =	simm.s32 $0x1B8B  }
0xa2: {  	_ =	swait.ge [sflag:s23], $0x1  }
0xa3: {  	[sflag:s23] =	ssyncset.done $0x0  }
0xa4: {  	s25 =	simm.s32 $0x1B8E;
	s24 =	sld [smem:$0x3FFE];
	[sflag:s23] =	ssyncadd.s32 $0xFFFFFFFF  }
0xa5: {  	s26 =	simm.s32 $execute0_lowered;
	[smem:$0x3FD2] =	sst s25  }
0xa6: {  	s5 =	sshll.u32 s26, $0x1;
	_ =	strace $0x80000046;
	[dreg:$0x1] =	wrdreg $0xFFFFFFFF  }
0xa7: {  	s28 =	simm.s32 $_size_execute0_lowered;
	s3 =	sadd.s32 s3, s5;
	[dreg:$0x0] =	wrdreg $0x0  }
0xa8: {  	s5 =	sshll.u32 s28, $0x1;
	[dreg:$0x2] =	wrdreg s3  }
0xa9: {  	[dreg:$0x3] =	wrdreg s5  }
0xaa: {  	[dreg:$0x4] =	wrdreg $0xC0  }
0xab: {  	_ =	task [dreg:s7], $0x5FFFF  }
0xac: {  	[dreg:$0x1] =	wrdreg $0xFFFFFFFF  }
0xad: {  	[dreg:$0x0] =	wrdreg $0x60  }
0xae: {  	[dreg:$0x2] =	wrdreg s2  }
0xaf: {  	[dreg:$0x3] =	wrdreg s24  }
0xb0: {  	[dreg:$0x4] =	wrdreg $0x0  }
0xb1: {  	[dreg:$0x5] =	wrdreg $0x9  }
0xb2: {  	_ =	task.clear_ibuf [dreg:s7], $0x6FFFF;
	_ =	strace $0x90000046  }
0xb3: {  	s29 =	simm.s32 $0x9;
	_ =	strace $0x80000048  }
0xb4: {  	_ =	swait.ge [sflag:s29], $0x1  }
0xb5: {  	[sflag:s29] =	ssyncadd.s32 $0xFFFFFFFF  }
0xb6: {  	_ =	strace $0x90000048  }
0xb7: {  	_ =	sfence  }
0xb8: {  	s30 =	sld [smem:$0x0];
	_ =	sdelay $0x2  }
0xb9: {  	s31 =	sshll.u32 s1, $0xD;
	s1 =	sshrl.u32 s1, $0x2  }
0xba: {  	s3 =	sand.u32 $0x4000, s31;
	s1 =	sadd.s32 s1, s30  }
0xbb: {  	s0 =	sor.u32 s3, s0;
	s1 =	sshll.u32 s1, $0x11  }
0xbc: {  	s0 =	sor.u32 s1, s0  }
0xbd: {  	s0 =	sadd.s32 $0x8F2B, s0  }
0xbe: {  	[sflag:s0] =	ssyncadd.remote.s32 $0x1  }
0xbf: {  	_ =	sfence.sel $0xFFFF  }
0xc0: {  	[dreg:$0x0] =	wrdreg $0xFFFFFFFF;
	(pc) =	sbr.abs _section_cstart, $3  }
0xc1: {  	[dreg:$0x1] =	wrdreg $0xFFFFFFFF  }
0xc2: {  	_ =	task.clear_ibuf [dreg:s7], $0x2FFFF;
	_ =	strace $0x9FFFFFFF  }
0xc3: {  	(tm) =	ssettm $0x7FFFFFFF  }
tec
execute0_lowered:
.L_overlay_start_1:
0x0: {  	(tag) =	ssettag $0x1  }
0x1: {  	s1 =	rddreg [dreg:$0x0]  }
0x2: {  	s2 =	srdreg.scid;
	s10 =	rddreg [dreg:$0x1]  }
0x3: {  	s0 =	stileid.u32;
	s3 =	rddreg [dreg:$0x2]  }
0x4: {  	s4 =	simm.s32 $0x0;
	s14 =	simm.s32 $0x3D400;
	s16 =	simm.s32 $0x16100  }
0x5: {  	s17 =	simm.s32 $0x17900;
	s18 =	simm.s32 $0x1;
	s19 =	simm.s32 $0x1B900  }
0x6: {  	s20 =	simm.s32 $0x17500;
	s21 =	simm.s32 $0x2;
	s22 =	simm.s32 $0x17580  }
0x7: {  	s23 =	simm.s32 $0x16080;
	s24 =	simm.s32 $0x0;
	s7 =	sand.u32 $0x1, s2  }
0x8: {  	s26 =	sshll.u32 s0, $0x1;
	s2 =	rddreg [dreg:$0x3];
	s29 =	smul.u32 $0x4E000, s0  }
0x9: {  	s28 =	sshrl.u32 s0, $0x2;
	[smem:$0x7FF] =	sst s4;
	s15 =	smul.u32 $0x2700, s0  }
0xa: {  	s31 =	sshll.u32 s0, $0x6;
	s5 =	sor.u32 s7, s26;
	s6 =	smul.u32 $0xA000, s28  }
0xb: {  	_ =	strace $0x80000047;
	s30 =	ssub.s32 $0x2, s7;
	p0 =	seq.s32 s7, $0x1  }
0xc: {  	s8 =	sshll.u32 s5, $0x7;
	s5 =	smul.u32 $0x500, s5;
	s12 =	sshrl.u32 s30, $0x1  }
0xd: {  	s14 =	simm.s32 @!p0 $0x16200;
	s8 =	sand.u32 $0x380, s8;
	s12 =	ssub.s32 s30, s12  }
0xe: {  	s6 =	sor.u32 s6, s8;
	s9 =	sadd.s32 s5, s10;
	s8 =	sshrl.u32 s29, $0x2  }
0xf: {  	s5 =	sadd.s32 $0x13A00, s10;
	s6 =	sshrl.u32 s6, $0x3;
	s13 =	sadd.s32 s8, s3  }
0x10: {  	s7 =	sadd.s32 $0x9A00, s9;
	s9 =	smax.u32 s12, $0x1;
	s12 =	simm.s32 $0x3  }
0x11: {  	s11 =	sadd.s32 s6, s10;
	s6 =	sor.u32 $0x1C03, s31;
	s10 =	sadd.s32 s14, s10  }
0x12: {  	s14 =	simm.s32 $0x80;
	s8 =	sadd.s32 $0x4A00, s11;
	s10 =	sadd.s32 s10, s15  }
0x13: {  	s11 =	sshrl.u32 s13, $0x3;
	s13 =	simm.s32 $0x13900;
	s15 =	simm.s32 $0x400  }
.LBB2_1:
0x14: {  	[spmem:s11], [sflag:s6] =	dma.local [hbm:s5], $0x2800  }
0x15: {  	_ =	swait.ge [sflag:s12], $0x2800  }
0x16: {  	[sflag:s12] =	ssyncset.done $0x0  }
0x17: {  	[sflag:s12] =	ssyncadd.s32 $0xFFFFD800  }
0x18: {  	[tilespmem:s13], [sflag:$0x3] =	stream.linear.gather [hbm4b:s7+s4], $0x2800, $0x38;
	[tilespmem:$0x1F900] =	vst v63  }
0x19: {  	_ =	swait.ge [sflag:s12], $0x2800  }
0x1a: {  	[sflag:s12] =	ssyncset.done $0x0  }
0x1b: {  	[sflag:s12] =	ssyncadd.s32 $0xFFFFD800  }
0x1c: {  	[tilespmem:s16], [sflag:$0x3] =	stream.strided.gather [hbm4b:s8+s14], $0x1400, s15, s14, $0x38;
	[tilespmem:$0x1F900] =	vst v63  }
0x1d: {  	_ =	swait.ge [sflag:s12], $0x1400  }
0x1e: {  	[sflag:s12] =	ssyncset.done $0x0  }
0x1f: {  	[sflag:s12] =	ssyncadd.s32 $0xFFFFEC00  }
0x20: {  	[bflag:$0x0] =	sbarrier.arrive $0xFFFF  }
0x21: {  	[tilespmem:s17], [sflag:$0x1] =	stream.indirect.gather [hbm4b:s1+s14], $0x80, s13, s14, $0xb8;
	[tilespmem:$0x1F900] =	vst v63  }
0x22: {  	_ =	swait.ge [sflag:s18], $0x4000  }
0x23: {  	[sflag:s18] =	ssyncset.done $0x0  }
0x24: {  	s25 =	simm.s32 $0x16120;
	s26 =	simm.s32 $0x13980;
	[sflag:s18] =	ssyncadd.s32 $0xFFFFC000  }
0x25: {  	[tilespmem:s19], [sflag:$0x2] =	stream.indirect.gather [hbm4b:s1+s14], $0x80, s26, s14, $0xb8;
	[tilespmem:$0x1F900] =	vst v63  }
0x26: {  	v0 =	vld [tilespmem:s25+$0xFFFFFFE0];
	_ =	sdelay $0x4  }
0x27: {  	v1 =	vand.u32 $0xFFFF, v0  }
0x28: {  	v0 =	vshrl.u32 v0, $0x10;
	[tilespmem:$0x17500] =	vst v1  }
0x29: {  	[tilespmem:$0x17540] =	vst v0  }
0x2a: {  	v0 =	vld [tilespmem:s25+$0xFFFFFFF0];
	_ =	sdelay $0x4  }
0x2b: {  	v1 =	vand.u32 $0xFFFF, v0  }
0x2c: {  	v0 =	vshrl.u32 v0, $0x10;
	[tilespmem:$0x17510] =	vst v1  }
0x2d: {  	[tilespmem:$0x17550] =	vst v0  }
0x2e: {  	v0 =	vld [tilespmem:s25+$0x0];
	_ =	sdelay $0x4  }
0x2f: {  	v1 =	vand.u32 $0xFFFF, v0  }
0x30: {  	v0 =	vshrl.u32 v0, $0x10;
	[tilespmem:$0x17520] =	vst v1  }
0x31: {  	[tilespmem:$0x17560] =	vst v0  }
0x32: {  	v0 =	vld [tilespmem:s25+$0x10];
	_ =	sdelay $0x4  }
0x33: {  	v1 =	vand.u32 $0xFFFF, v0  }
0x34: {  	v0 =	vshrl.u32 v0, $0x10;
	[tilespmem:$0x17530] =	vst v1  }
0x35: {  	[tilespmem:$0x17570] =	vst v0  }
0x36: {  	[spmem:s3] =	stream.indirect.scatter.add.f32 [tilespmem:s17], [sflag:$0x3], $0x80, s20, s14, $0xb8;
	[tilespmem:$0x1F900] =	vst v63  }
0x37: {  	_ =	swait.ge [sflag:s12], $0x4000  }
0x38: {  	[sflag:s12] =	ssyncset.done $0x0  }
0x39: {  	[sflag:s12] =	ssyncadd.s32 $0xFFFFC000  }
0x3a: {  	_ =	swait.ge [sflag:s21], $0x4000  }
0x3b: {  	[sflag:s21] =	ssyncset.done $0x0  }
0x3c: {  	s26 =	simm.s32 $0x13A00;
	[sflag:s21] =	ssyncadd.s32 $0xFFFFC000  }
0x3d: {  	[tilespmem:s17], [sflag:$0x1] =	stream.indirect.gather [hbm4b:s1+s14], $0x80, s26, s14, $0xb8;
	[tilespmem:$0x1F900] =	vst v63  }
0x3e: {  	v0 =	vld [tilespmem:s25+$0x20];
	_ =	sdelay $0x4  }
0x3f: {  	v1 =	vand.u32 $0xFFFF, v0  }
0x40: {  	s28 =	simm.s32 $0x40;
	v0 =	vshrl.u32 v0, $0x10;
	[tilespmem:$0x17580] =	vst v1  }
0x41: {  	s29 =	sor.u32 $0x50, s28;
	[tilespmem:$0x175C0] =	vst v0  }
0x42: {  	v0 =	vld [tilespmem:s29+$0x16100];
	_ =	sdelay $0x4  }
0x43: {  	v1 =	vand.u32 $0xFFFF, v0  }
0x44: {  	v0 =	vshrl.u32 v0, $0x10;
	[tilespmem:$0x17590] =	vst v1  }
0x45: {  	s30 =	sor.u32 $0x60, s28;
	[tilespmem:$0x175D0] =	vst v0  }
0x46: {  	v0 =	vld [tilespmem:s30+$0x16100];
	_ =	sdelay $0x4  }
0x47: {  	v1 =	vand.u32 $0xFFFF, v0  }
0x48: {  	v0 =	vshrl.u32 v0, $0x10;
	[tilespmem:$0x175A0] =	vst v1  }
0x49: {  	s31 =	sor.u32 $0x70, s28;
	[tilespmem:$0x175E0] =	vst v0  }
0x4a: {  	s28 =	simm.s32 $0xC0;
	v0 =	vld [tilespmem:s31+$0x16100]  }
.LBB2_2:
0x4b: {  	_ =	sdelay $0x1  }
0x4c: {  	p0 =	sne.s32 s28, $0x1340;
	s26 =	sadd.s32 $0x100, s26;
	s25 =	sadd.s32 $0x80, s25  }
0x4d: {  	s29 =	smov.u32 s28;
	s28 =	sadd.s32 $0x80, s28  }
0x4e: {  	v1 =	vand.u32 $0xFFFF, v0;
	v0 =	vshrl.u32 v0, $0x10  }
0x4f: {  	[tilespmem:$0x175B0] =	vst v1  }
0x50: {  	[tilespmem:$0x175F0] =	vst v0  }
0x51: {  	[spmem:s3] =	stream.indirect.scatter.add.f32 [tilespmem:s19], [sflag:$0x3], $0x80, s22, s14, $0xb8;
	[tilespmem:$0x1F900] =	vst v63  }
0x52: {  	_ =	swait.ge [sflag:s12], $0x4000  }
0x53: {  	[sflag:s12] =	ssyncset.done $0x0  }
0x54: {  	[sflag:s12] =	ssyncadd.s32 $0xFFFFC000  }
0x55: {  	_ =	swait.ge [sflag:s18], $0x4000  }
0x56: {  	[sflag:s18] =	ssyncset.done $0x0  }
0x57: {  	s30 =	sadd.s32 $0xFFFFFF80, s26;
	[sflag:s18] =	ssyncadd.s32 $0xFFFFC000  }
0x58: {  	[tilespmem:s19], [sflag:$0x2] =	stream.indirect.gather [hbm4b:s1+s14], $0x80, s30, s14, $0xb8;
	[tilespmem:$0x1F900] =	vst v63  }
0x59: {  	v0 =	vld [tilespmem:s25+$0xFFFFFFE0];
	_ =	sdelay $0x4  }
0x5a: {  	v1 =	vand.u32 $0xFFFF, v0;
	v0 =	vshrl.u32 v0, $0x10  }
0x5b: {  	[tilespmem:$0x17500] =	vst v1  }
0x5c: {  	[tilespmem:$0x17540] =	vst v0  }
0x5d: {  	v0 =	vld [tilespmem:s25+$0xFFFFFFF0];
	_ =	sdelay $0x4  }
0x5e: {  	v1 =	vand.u32 $0xFFFF, v0;
	v0 =	vshrl.u32 v0, $0x10  }
0x5f: {  	[tilespmem:$0x17510] =	vst v1  }
0x60: {  	[tilespmem:$0x17550] =	vst v0  }
0x61: {  	v0 =	vld [tilespmem:s25+$0x0];
	_ =	sdelay $0x4  }
0x62: {  	v1 =	vand.u32 $0xFFFF, v0;
	v0 =	vshrl.u32 v0, $0x10  }
0x63: {  	[tilespmem:$0x17520] =	vst v1  }
0x64: {  	[tilespmem:$0x17560] =	vst v0  }
0x65: {  	v0 =	vld [tilespmem:s25+$0x10];
	_ =	sdelay $0x4  }
0x66: {  	v1 =	vand.u32 $0xFFFF, v0;
	v0 =	vshrl.u32 v0, $0x10  }
0x67: {  	[tilespmem:$0x17530] =	vst v1  }
0x68: {  	[tilespmem:$0x17570] =	vst v0  }
0x69: {  	[spmem:s3] =	stream.indirect.scatter.add.f32 [tilespmem:s17], [sflag:$0x3], $0x80, s20, s14, $0xb8;
	[tilespmem:$0x1F900] =	vst v63  }
0x6a: {  	_ =	swait.ge [sflag:s12], $0x4000  }
0x6b: {  	[sflag:s12] =	ssyncset.done $0x0  }
0x6c: {  	[sflag:s12] =	ssyncadd.s32 $0xFFFFC000  }
0x6d: {  	_ =	swait.ge [sflag:s21], $0x4000  }
0x6e: {  	[sflag:s21] =	ssyncset.done $0x0  }
0x6f: {  	[sflag:s21] =	ssyncadd.s32 $0xFFFFC000  }
0x70: {  	[tilespmem:s17], [sflag:$0x1] =	stream.indirect.gather [hbm4b:s1+s14], $0x80, s26, s14, $0xb8;
	[tilespmem:$0x1F900] =	vst v63  }
0x71: {  	v0 =	vld [tilespmem:s25+$0x20];
	_ =	sdelay $0x1  }
0x72: {  	s30 =	sor.u32 $0x50, s29;
	_ =	sdelay $0x2  }
0x73: {  	v1 =	vand.u32 $0xFFFF, v0;
	v0 =	vshrl.u32 v0, $0x10  }
0x74: {  	[tilespmem:$0x17580] =	vst v1  }
0x75: {  	[tilespmem:$0x175C0] =	vst v0  }
0x76: {  	v0 =	vld [tilespmem:s30+$0x16100]  }
0x77: {  	s30 =	sor.u32 $0x60, s29;
	_ =	sdelay $0x3  }
0x78: {  	v1 =	vand.u32 $0xFFFF, v0;
	v0 =	vshrl.u32 v0, $0x10  }
0x79: {  	[tilespmem:$0x17590] =	vst v1  }
0x7a: {  	[tilespmem:$0x175D0] =	vst v0  }
0x7b: {  	s29 =	sor.u32 $0x70, s29;
	v0 =	vld [tilespmem:s30+$0x16100];
	_ =	sdelay $0x3  }
.Ltmp0:
0x7c: {  	(pc) =	sbr.rel @p0 .LBB2_2-.Ltmp0, $4  }
0x7d: {  	v1 =	vand.u32 $0xFFFF, v0;
	v0 =	vshrl.u32 v0, $0x10  }
0x7e: {  	[tilespmem:$0x175A0] =	vst v1  }
0x7f: {  	[tilespmem:$0x175E0] =	vst v0  }
0x80: {  	v0 =	vld [tilespmem:s29+$0x16100]  }
0x81: {  	_ =	sdelay $0x3  }
0x82: {  	v1 =	vand.u32 $0xFFFF, v0  }
0x83: {  	v43 =	vshrl.u32 v0, $0x10;
	[tilespmem:$0x175B0] =	vst v1  }
0x84: {  	[tilespmem:$0x175F0] =	vst v43  }
0x85: {  	[spmem:s3] =	stream.indirect.scatter.add.f32 [tilespmem:s19], [sflag:$0x3], $0x80, s22, s14, $0xb8;
	[tilespmem:$0x1F900] =	vst v63  }
0x86: {  	_ =	swait.ge [sflag:s12], $0x4000  }
0x87: {  	[sflag:s12] =	ssyncset.done $0x0  }
0x88: {  	[sflag:s12] =	ssyncadd.s32 $0xFFFFC000  }
0x89: {  	_ =	swait.ge [sflag:s18], $0x4000  }
0x8a: {  	[sflag:s18] =	ssyncset.done $0x0  }
0x8b: {  	[sflag:s18] =	ssyncadd.s32 $0xFFFFC000  }
0x8c: {  	[tilespmem:s19], [sflag:$0x2] =	stream.indirect.gather [hbm4b:s1+s14], $0x80, s23, s14, $0xb8;
	[tilespmem:$0x1F900] =	vst v63  }
0x8d: {  	v44 =	vld [tilespmem:$0x17480];
	_ =	sdelay $0x1  }
0x8e: {  	v45 =	vld [tilespmem:$0x17490];
	_ =	sdelay $0x1  }
0x8f: {  	v2 =	vld [tilespmem:$0x174A0]  }
0x90: {  	v3 =	vand.u32 $0xFFFF, v44  }
0x91: {  	v46 =	vld [tilespmem:$0x174B0];
	v0 =	vshrl.u32 v44, $0x10;
	[tilespmem:$0x17500] =	vst v3  }
0x92: {  	v47 =	vand.u32 $0xFFFF, v45;
	[tilespmem:$0x17540] =	vst v0  }
0x93: {  	v48 =	vshrl.u32 v45, $0x10;
	[tilespmem:$0x17510] =	vst v47  }
0x94: {  	v49 =	vand.u32 $0xFFFF, v2;
	[tilespmem:$0x17550] =	vst v48  }
0x95: {  	v50 =	vshrl.u32 v2, $0x10;
	[tilespmem:$0x17520] =	vst v49  }
0x96: {  	v51 =	vand.u32 $0xFFFF, v46;
	[tilespmem:$0x17560] =	vst v50  }
0x97: {  	v52 =	vshrl.u32 v46, $0x10;
	[tilespmem:$0x17530] =	vst v51  }
0x98: {  	[tilespmem:$0x17570] =	vst v52  }
0x99: {  	[spmem:s3] =	stream.indirect.scatter.add.f32 [tilespmem:s17], [sflag:$0x3], $0x80, s20, s14, $0xb8;
	[tilespmem:$0x1F900] =	vst v63  }
0x9a: {  	_ =	swait.ge [sflag:s12], $0x4000  }
0x9b: {  	[sflag:s12] =	ssyncset.done $0x0  }
0x9c: {  	[sflag:s12] =	ssyncadd.s32 $0xFFFFC000  }
0x9d: {  	_ =	swait.ge [sflag:s21], $0x4000  }
0x9e: {  	[sflag:s21] =	ssyncset.done $0x0  }
0x9f: {  	[sflag:s21] =	ssyncadd.s32 $0xFFFFC000  }
0xa0: {  	v53 =	vld [tilespmem:$0x174C0];
	_ =	sdelay $0x1  }
0xa1: {  	v54 =	vld [tilespmem:$0x174D0];
	_ =	sdelay $0x1  }
0xa2: {  	v55 =	vld [tilespmem:$0x174E0]  }
0xa3: {  	v56 =	vand.u32 $0xFFFF, v53  }
0xa4: {  	v57 =	vld [tilespmem:$0x174F0];
	v0 =	vshrl.u32 v53, $0x10;
	[tilespmem:$0x17580] =	vst v56  }
0xa5: {  	v58 =	vand.u32 $0xFFFF, v54;
	[tilespmem:$0x175C0] =	vst v0  }
0xa6: {  	v59 =	vshrl.u32 v54, $0x10;
	[tilespmem:$0x17590] =	vst v58  }
0xa7: {  	v60 =	vand.u32 $0xFFFF, v55;
	[tilespmem:$0x175D0] =	vst v59  }
0xa8: {  	v61 =	vshrl.u32 v55, $0x10;
	[tilespmem:$0x175A0] =	vst v60  }
0xa9: {  	v62 =	vand.u32 $0xFFFF, v57;
	[tilespmem:$0x175E0] =	vst v61  }
0xaa: {  	v63 =	vshrl.u32 v57, $0x10;
	[tilespmem:$0x175B0] =	vst v62  }
0xab: {  	[tilespmem:$0x175F0] =	vst v63  }
0xac: {  	[spmem:s3] =	stream.indirect.scatter.add.f32 [tilespmem:s19], [sflag:$0x3], $0x80, s22, s14, $0xb8;
	[tilespmem:$0x1F900] =	vst v63  }
0xad: {  	_ =	swait.ge [sflag:s12], $0x4000  }
0xae: {  	s24 =	sadd.s32 $0x1, s24;
	[sflag:s12] =	ssyncset.done $0x0  }
0xaf: {  	p0 =	sne.s32 s24, s9;
	[sflag:s12] =	ssyncadd.s32 $0xFFFFC000  }
.Ltmp1:
0xb0: {  	[bflag:$0x0] =	sbarrier.arrive $0xFFFF;
	(pc) =	sbr.rel @p0 .LBB2_1-.Ltmp1, $4  }
0xb1: {  	[hbm:s10], [sflag:s6] =	dma.local [spmem:s11], $0x2800  }
0xb2: {  	_ =	swait.ge [sflag:s12], $0x2800  }
0xb3: {  	[sflag:s12] =	ssyncset.done $0x0  }
0xb4: {  	[sflag:s12] =	ssyncadd.s32 $0xFFFFD800  }
0xb5: {  	_ =	sfence.sel $0x180000  }
0xb6: {  	[bflag:$0x0] =	sbarrier.arrive $0xFFFF  }
0xb7: {  	p0 =	sne.s32 s0, $0x0;
	_ =	strace $0x90000047  }
0xb8: {  	s0 =	sadd.s32 @!p0 $0x100000, s2;
	[bflag:$0x2] =	sbarrier.arrive $0xFFFF  }
0xb9: {  	[sflag:s0] =	ssyncadd.tile.s32 @!p0 $0x1;
	_ =	shalt  }
.Lfunc_end2:
_tile_overlayer_lowered:
.L_overlay_start_2:
0xba: {  	(tag) =	ssettag $0x2  }
0xbb: {  	s0 =	rddreg [dreg:$0x0];
	s2 =	stileid.u32  }
0xbc: {  	s1 =	rddreg [dreg:$0x1];
	p0 =	sne.s32 s2, $0x0  }
0xbd: {  	s3 =	rddreg [dreg:$0x2];
	[bflag:$0x3] =	sbarrier.arrive $0xFFFF;
	s2 =	simm.s32 @!p0 $0x1C03  }
0xbe: {  	[timem:s3], [sflag:s2] =	dma.local @!p0 [hbm:s0], s1  }
0xbf: {  	s0 =	simm.s32 @!p0 $0x3  }
0xc0: {  	_ =	swait.ge @!p0 [sflag:s0], s1  }
0xc1: {  	s1 =	ssub.s32 @!p0 $0x0, s1;
	[sflag:s0] =	ssyncset.done @!p0 $0x0  }
0xc2: {  	[sflag:s0] =	ssyncadd.s32 @!p0 s1  }
0xc3: {  	[bflag:$0x3] =	sbarrier.arrive $0xFFFF  }
0xc4: {  	_ =	shalt  }

</sc_bundles>
